<compile_context>
chip_gen: v7x
topology: tpu7x:2x2x1
jax: 0.10.2.dev20260603
libtpu: 0.0.44.dev20260713+nightly
codegen_flags: <defaults>
</compile_context>

<pallas_src>
import jax
import jax.numpy as jnp
from jax import lax
from jax.experimental import pallas as pl
from jax.experimental.pallas import tpu as pltpu
from jax.experimental.pallas import tpu_sc as plsc

N_NODES = 100000
N_EDGES = 6400000

NC = 2
NS = 16
NW = NC * NS

L = 16

NPAD = 100096
NPT = NPAD // NS

EDGES_PER_W = N_EDGES // NW
CHUNK_A = 10000
ITERS_A = EDGES_PER_W // CHUNK_A
CHUNK_B = 8000
ITERS_B = EDGES_PER_W // CHUNK_B


def _rsqrt16(x):
    i = lax.bitcast_convert_type(x, jnp.int32)
    i = jnp.int32(0x5F3759DF) - (i >> 1)
    y = lax.bitcast_convert_type(i, jnp.float32)
    half = x * jnp.float32(0.5)
    for _ in range(3):
        y = y * (jnp.float32(1.5) - half * y * y)
    return y


def _body_a(src_hbm, dst_hbm, w_hbm, p_hbm,
            sidx0_v, sidx1_v, didx0_v, didx1_v, w0_v, w1_v,
            zbuf_v, lsem, ssem, deg_src_sh, deg_dst_sh):
    sidx_v = (sidx0_v, sidx1_v)
    didx_v = (didx0_v, didx1_v)
    w_v = (w0_v, w1_v)
    c = lax.axis_index("c")
    s = lax.axis_index("s")
    node_base = s * NPT
    base = (c * NS + s) * EDGES_PER_W

    def load(b, j):
        e = base + j * CHUNK_A
        pltpu.async_copy(w_hbm.at[pl.ds(e, CHUNK_A)], w_v[b], lsem.at[b])
        pltpu.async_copy(src_hbm.at[pl.ds(e, CHUNK_A)], sidx_v[b],
                         lsem.at[b])
        pltpu.async_copy(dst_hbm.at[pl.ds(e, CHUNK_A)], didx_v[b],
                         lsem.at[b])

    def wait_load(b, j):
        e = base + j * CHUNK_A
        pltpu.make_async_copy(w_hbm.at[pl.ds(e, CHUNK_A)], w_v[b],
                              lsem.at[b]).wait()
        pltpu.make_async_copy(src_hbm.at[pl.ds(e, CHUNK_A)], sidx_v[b],
                              lsem.at[b]).wait()
        pltpu.make_async_copy(dst_hbm.at[pl.ds(e, CHUNK_A)],
                              didx_v[b], lsem.at[b]).wait()

    def scatter(b):
        pltpu.async_copy(w_v[b], deg_src_sh.at[sidx_v[b]], ssem.at[b],
                         add=True)
        pltpu.async_copy(w_v[b], deg_dst_sh.at[didx_v[b]], ssem.at[b],
                         add=True)

    def wait_scatter(b):
        pltpu.make_async_copy(w_v[b], deg_src_sh.at[sidx_v[b]],
                              ssem.at[b]).wait()
        pltpu.make_async_copy(w_v[b], deg_dst_sh.at[didx_v[b]],
                              ssem.at[b]).wait()

    load(0, 0)

    def zero_body(j, _):
        zbuf_v[pl.ds(j * L, L)] = jnp.zeros((L,), jnp.float32)
        return _
    lax.fori_loop(0, NPT // L, zero_body, None)
    pltpu.sync_copy(zbuf_v, deg_src_sh.at[pl.ds(node_base, NPT)])
    pltpu.sync_copy(zbuf_v, deg_dst_sh.at[pl.ds(node_base, NPT)])
    plsc.subcore_barrier()

    wait_load(0, 0)
    scatter(0)
    load(1, 1)

    def ring(g, _):
        for b, off in ((1, 1), (0, 2)):
            j = 2 * g + off
            wait_load(b, j)
            scatter(b)
            wait_scatter(1 - b)
            load(1 - b, j + 1)
        return _
    lax.fori_loop(0, (ITERS_A - 2) // 2, ring, None)

    wait_load(1, ITERS_A - 1)
    scatter(1)
    wait_scatter(0)
    wait_scatter(1)
    plsc.subcore_barrier()

    pltpu.sync_copy(deg_src_sh.at[pl.ds(node_base, NPT)], zbuf_v)
    pltpu.sync_copy(zbuf_v,
                    p_hbm.at[pl.ds((c * 2 + 0) * NPAD + node_base, NPT)])
    pltpu.sync_copy(deg_dst_sh.at[pl.ds(node_base, NPT)], zbuf_v)
    pltpu.sync_copy(zbuf_v,
                    p_hbm.at[pl.ds((c * 2 + 1) * NPAD + node_base, NPT)])


def _body_b(src_hbm, dst_hbm, w_hbm, p_hbm, out_hbm,
            sidx0_v, sidx1_v, didx0_v, didx1_v, w0_v, w1_v,
            a0_v, a1_v, b0_v, b1_v, o0_v, o1_v, pbuf0_v, pbuf1_v,
            lsem, gsem, osem, norm_src_sh, norm_dst_sh):
    sidx_v = (sidx0_v, sidx1_v)
    didx_v = (didx0_v, didx1_v)
    w_v = (w0_v, w1_v)
    a_v = (a0_v, a1_v)
    b_v = (b0_v, b1_v)
    o_v = (o0_v, o1_v)
    c = lax.axis_index("c")
    s = lax.axis_index("s")
    wid = c * NS + s
    node_base = s * NPT
    base = wid * EDGES_PER_W

    def load(b, j):
        e = base + j * CHUNK_B
        pltpu.async_copy(src_hbm.at[pl.ds(e, CHUNK_B)], sidx_v[b],
                         lsem.at[b])
        pltpu.async_copy(dst_hbm.at[pl.ds(e, CHUNK_B)], didx_v[b],
                         lsem.at[b])
        pltpu.async_copy(w_hbm.at[pl.ds(e, CHUNK_B)], w_v[b], lsem.at[b])

    def wait_load(b, j):
        e = base + j * CHUNK_B
        pltpu.make_async_copy(src_hbm.at[pl.ds(e, CHUNK_B)], sidx_v[b],
                              lsem.at[b]).wait()
        pltpu.make_async_copy(dst_hbm.at[pl.ds(e, CHUNK_B)],
                              didx_v[b], lsem.at[b]).wait()
        pltpu.make_async_copy(w_hbm.at[pl.ds(e, CHUNK_B)], w_v[b],
                              lsem.at[b]).wait()

    def gather(b):
        pltpu.async_copy(norm_src_sh.at[sidx_v[b]], a_v[b], gsem.at[b])
        pltpu.async_copy(norm_dst_sh.at[didx_v[b]], b_v[b], gsem.at[b])

    def wait_gather(b):
        pltpu.make_async_copy(norm_src_sh.at[sidx_v[b]], a_v[b],
                              gsem.at[b]).wait()
        pltpu.make_async_copy(norm_dst_sh.at[didx_v[b]], b_v[b],
                              gsem.at[b]).wait()

    def mul(b):
        def mul_body(i, _):
            for u in range(4):
                sl = pl.ds((i * 4 + u) * L, L)
                o_v[b][sl] = a_v[b][sl] * b_v[b][sl] * w_v[b][sl]
            return _
        lax.fori_loop(0, CHUNK_B // (4 * L), mul_body, None)

    def store(b, j):
        e = base + j * CHUNK_B
        pltpu.async_copy(o_v[b], out_hbm.at[pl.ds(e, CHUNK_B)], osem.at[b])

    def wait_store(b, j):
        e = base + j * CHUNK_B
        pltpu.make_async_copy(o_v[b], out_hbm.at[pl.ds(e, CHUNK_B)],
                              osem.at[b]).wait()

    load(0, 0)
    load(1, 1)

    def build(t, table_sh):
        pltpu.sync_copy(p_hbm.at[pl.ds(t * NPAD + node_base, NPT)], pbuf0_v)
        pltpu.sync_copy(p_hbm.at[pl.ds((2 + t) * NPAD + node_base, NPT)],
                        pbuf1_v)

        def n_body(j, _):
            sl = pl.ds(j * L, L)
            pbuf0_v[sl] = _rsqrt16(pbuf0_v[sl] + pbuf1_v[sl])
            return _
        lax.fori_loop(0, NPT // L, n_body, None)
        pltpu.sync_copy(pbuf0_v, table_sh.at[pl.ds(node_base, NPT)])
    build(0, norm_src_sh)
    build(1, norm_dst_sh)
    plsc.subcore_barrier()

    wait_load(0, 0)
    gather(0)

    def step(b, j, *, ws=True, ng=True, nl=True):
        wait_gather(b)
        if ws:
            wait_store(b, j - 2)
        if ng:
            wait_load(1 - b, j + 1)
            gather(1 - b)
        mul(b)
        store(b, j)
        if nl:
            load(b, j + 2)
        return

    step(0, 0, ws=False)
    step(1, 1, ws=False)

    def ring(g, _):
        for b, off in ((0, 2), (1, 3)):
            step(b, 2 * g + off)
        return _
    lax.fori_loop(0, (ITERS_B - 5) // 2, ring, None)

    step(0, ITERS_B - 3)
    step(1, ITERS_B - 2, nl=False)
    step(0, ITERS_B - 1, ng=False, nl=False)
    wait_store(1, ITERS_B - 2)
    wait_store(0, ITERS_B - 1)


@jax.jit
def kernel(edge_weight, edge_index):
    src = edge_index[0].astype(jnp.int32)
    dst = edge_index[1].astype(jnp.int32)

    mesh = plsc.VectorSubcoreMesh(core_axis_name="c", subcore_axis_name="s")
    npt_f32 = pltpu.VMEM((NPT,), jnp.float32)
    shared_f32 = pltpu.VMEM_SHARED((NPAD,), jnp.float32)
    sem2 = pltpu.SemaphoreType.DMA((2,))

    kern_a = pl.kernel(
        _body_a,
        out_type=jax.ShapeDtypeStruct((NC * 2 * NPAD,), jnp.float32),
        mesh=mesh,
        scratch_types=(
            [pltpu.VMEM((CHUNK_A,), jnp.int32)] * 4
            + [pltpu.VMEM((CHUNK_A,), jnp.float32)] * 2
            + [npt_f32, sem2, sem2, shared_f32, shared_f32]
        ),
    )
    kern_b = pl.kernel(
        _body_b,
        out_type=jax.ShapeDtypeStruct((N_EDGES,), jnp.float32),
        mesh=mesh,
        scratch_types=(
            [pltpu.VMEM((CHUNK_B,), jnp.int32)] * 4
            + [pltpu.VMEM((CHUNK_B,), jnp.float32)] * 8
            + [npt_f32, npt_f32, sem2, sem2, sem2, shared_f32, shared_f32]
        ),
    )
    partials = kern_a(src, dst, edge_weight)
    return kern_b(src, dst, edge_weight, partials)

# --- scband reference (transcript-rebuilt; emitter-appended) ---
"""Pipeline reference for scband-udf-edge-weight-norm-68891275428150 (READ-ONLY COPY).

The authoritative reference and input builder live on the scoring server;
editing this copy changes nothing except your own understanding.
"""

import jax, jax.numpy as jnp
import numpy as np

N_NODES = 100000
N_EDGES = 6400000
EPS = 0.0


def setup_inputs(seed: int = 0) -> dict:
    key = jax.random.key(seed)
    k1, k2 = jax.random.split(key)
    edge_index = jax.random.randint(k1, (2, N_EDGES), 0, N_NODES)
    # norm='both' requires strictly positive edge weights
    edge_weight = jax.random.uniform(k2, (N_EDGES,), dtype=jnp.float32, minval=0.05, maxval=1.0)
    return {"edge_weight": edge_weight, "edge_index": edge_index}


def reference(edge_weight, edge_index):
    # Faithful translation of DGL EdgeWeightNorm with norm='both':
    #   src_out_w[u] = (sum of weights of edges leaving u + eps) ** -0.5
    #   dst_in_w[v]  = (sum of weights of edges entering v + eps) ** -0.5
    #   norm_edge_w[e] = src_out_w[src[e]] * dst_in_w[dst[e]] * w[e]
    src = edge_index[0]
    dst = edge_index[1]
    # reversed-graph update_all(copy_edge, sum): sum edge weights grouped by src node
    deg_src = jax.ops.segment_sum(edge_weight, src, num_segments=N_NODES) + EPS
    norm_src = jnp.power(deg_src, -0.5)
    # forward-graph update_all(copy_edge, sum): sum edge weights grouped by dst node
    deg_dst = jax.ops.segment_sum(edge_weight, dst, num_segments=N_NODES) + EPS
    norm_dst = jnp.power(deg_dst, -0.5)
    # apply_edges: e.src['_src_out_w'] * e.dst['_dst_in_w'] * e.data['_edge_w']
    return norm_src[src] * norm_dst[dst] * edge_weight

if __name__ == "__main__":
    import jax
    _d = setup_inputs()
    print(jax.jit(kernel)(*tuple(_d.values())))

</pallas_src>

<mosaic_0001>
#map = affine_map<(d0, d1) -> (0)>
module attributes {stable_mosaic.version = 14 : i64} {
  func.func @_body_b(%arg0: i32, %arg1: i32, %arg2: memref<6400000xi32, #tpu.memory_space<hbm>>, %arg3: memref<6400000xi32, #tpu.memory_space<hbm>>, %arg4: memref<6400000xf32, #tpu.memory_space<hbm>>, %arg5: memref<400384xf32, #tpu.memory_space<hbm>>, %arg6: memref<6400000xf32, #tpu.memory_space<hbm>>, %arg7: memref<8000xi32, #tpu.memory_space<vmem>>, %arg8: memref<8000xi32, #tpu.memory_space<vmem>>, %arg9: memref<8000xi32, #tpu.memory_space<vmem>>, %arg10: memref<8000xi32, #tpu.memory_space<vmem>>, %arg11: memref<8000xf32, #tpu.memory_space<vmem>>, %arg12: memref<8000xf32, #tpu.memory_space<vmem>>, %arg13: memref<8000xf32, #tpu.memory_space<vmem>>, %arg14: memref<8000xf32, #tpu.memory_space<vmem>>, %arg15: memref<8000xf32, #tpu.memory_space<vmem>>, %arg16: memref<8000xf32, #tpu.memory_space<vmem>>, %arg17: memref<8000xf32, #tpu.memory_space<vmem>>, %arg18: memref<8000xf32, #tpu.memory_space<vmem>>, %arg19: memref<6256xf32, #tpu.memory_space<vmem>>, %arg20: memref<6256xf32, #tpu.memory_space<vmem>>, %arg21: memref<2x!tpu.dma_semaphore, #tpu.memory_space<semaphore_mem>>, %arg22: memref<2x!tpu.dma_semaphore, #tpu.memory_space<semaphore_mem>>, %arg23: memref<2x!tpu.dma_semaphore, #tpu.memory_space<semaphore_mem>>, %arg24: memref<100096xf32, #tpu.memory_space<vmem_shared>>, %arg25: memref<100096xf32, #tpu.memory_space<vmem_shared>>) attributes {dimension_semantics = [#tpu.dimension_semantics<core_parallel>, #tpu.dimension_semantics<subcore_parallel>], iteration_bounds = array<i64: 2, 16>, scalar_prefetch = 0 : i64, scratch_operands = 19 : i64, tpu.core_type = #tpu.core_type<sc_vector_subcore>, window_params = [{transform_indices = #map}, {transform_indices = #map}, {transform_indices = #map}, {transform_indices = #map}, {transform_indices = #map}]} {
    %mul3A = arith.constant 16 : i32
    %mul3A_0 = arith.muli %arg0, %mul3A : i32
    %add3A = arith.addi %mul3A_0, %arg1 : i32
    %mul3A_1 = arith.constant 6256 : i32
    %mul3A_2 = arith.muli %arg1, %mul3A_1 : i32
    %mul3A_3 = arith.constant 200000 : i32
    %mul3A_4 = arith.muli %add3A, %mul3A_3 : i32
    %add3A_5 = arith.constant 0 : i32
    %add3A_6 = arith.addi %mul3A_4, %add3A_5 : i32
    %dma_start3A = arith.constant 0 : i32
    %dma_start3A_7 = tpu.memref_slice %arg2[%add3A_6] : memref<6400000xi32, #tpu.memory_space<hbm>> -> memref<8000xi32, #tpu.memory_space<hbm>>
    %dma_start3A_8 = tpu.memref_slice %arg21[%dma_start3A] : memref<2x!tpu.dma_semaphore, #tpu.memory_space<semaphore_mem>> -> memref<1x!tpu.dma_semaphore, #tpu.memory_space<semaphore_mem>>
    %dma_start3A_9 = tpu.memref_squeeze %dma_start3A_8 : memref<1x!tpu.dma_semaphore, #tpu.memory_space<semaphore_mem>> -> memref<!tpu.dma_semaphore, #tpu.memory_space<semaphore_mem>>
    %dma_start3A_10 = tpu.memref_slice %arg2[%add3A_6] : memref<6400000xi32, #tpu.memory_space<hbm>> -> memref<8000xi32, #tpu.memory_space<hbm>>
    tpu.enqueue_dma source(%dma_start3A_10 : memref<8000xi32, #tpu.memory_space<hbm>>) target(%arg7 : memref<8000xi32, #tpu.memory_space<vmem>>) target_semaphore(%dma_start3A_9 : memref<!tpu.dma_semaphore, #tpu.memory_space<semaphore_mem>>)
    %dma_start3A_11 = arith.constant 0 : i32
    %dma_start3A_12 = tpu.memref_slice %arg3[%add3A_6] : memref<6400000xi32, #tpu.memory_space<hbm>> -> memref<8000xi32, #tpu.memory_space<hbm>>
    %dma_start3A_13 = tpu.memref_slice %arg21[%dma_start3A_11] : memref<2x!tpu.dma_semaphore, #tpu.memory_space<semaphore_mem>> -> memref<1x!tpu.dma_semaphore, #tpu.memory_space<semaphore_mem>>
    %dma_start3A_14 = tpu.memref_squeeze %dma_start3A_13 : memref<1x!tpu.dma_semaphore, #tpu.memory_space<semaphore_mem>> -> memref<!tpu.dma_semaphore, #tpu.memory_space<semaphore_mem>>
    %dma_start3A_15 = tpu.memref_slice %arg3[%add3A_6] : memref<6400000xi32, #tpu.memory_space<hbm>> -> memref<8000xi32, #tpu.memory_space<hbm>>
    tpu.enqueue_dma source(%dma_start3A_15 : memref<8000xi32, #tpu.memory_space<hbm>>) target(%arg9 : memref<8000xi32, #tpu.memory_space<vmem>>) target_semaphore(%dma_start3A_14 : memref<!tpu.dma_semaphore, #tpu.memory_space<semaphore_mem>>)
    %dma_start3A_16 = arith.constant 0 : i32
    %dma_start3A_17 = tpu.memref_slice %arg4[%add3A_6] : memref<6400000xf32, #tpu.memory_space<hbm>> -> memref<8000xf32, #tpu.memory_space<hbm>>
    %dma_start3A_18 = tpu.memref_slice %arg21[%dma_start3A_16] : memref<2x!tpu.dma_semaphore, #tpu.memory_space<semaphore_mem>> -> memref<1x!tpu.dma_semaphore, #tpu.memory_space<semaphore_mem>>
    %dma_start3A_19 = tpu.memref_squeeze %dma_start3A_18 : memref<1x!tpu.dma_semaphore, #tpu.memory_space<semaphore_mem>> -> memref<!tpu.dma_semaphore, #tpu.memory_space<semaphore_mem>>
    %dma_start3A_20 = tpu.memref_slice %arg4[%add3A_6] : memref<6400000xf32, #tpu.memory_space<hbm>> -> memref<8000xf32, #tpu.memory_space<hbm>>
    tpu.enqueue_dma source(%dma_start3A_20 : memref<8000xf32, #tpu.memory_space<hbm>>) target(%arg11 : memref<8000xf32, #tpu.memory_space<vmem>>) target_semaphore(%dma_start3A_19 : memref<!tpu.dma_semaphore, #tpu.memory_space<semaphore_mem>>)
    %add3A_21 = arith.constant 8000 : i32
    %add3A_22 = arith.addi %mul3A_4, %add3A_21 : i32
    %dma_start3A_23 = arith.constant 1 : i32
    %dma_start3A_24 = tpu.memref_slice %arg2[%add3A_22] : memref<6400000xi32, #tpu.memory_space<hbm>> -> memref<8000xi32, #tpu.memory_space<hbm>>
    %dma_start3A_25 = tpu.memref_slice %arg21[%dma_start3A_23] : memref<2x!tpu.dma_semaphore, #tpu.memory_space<semaphore_mem>> -> memref<1x!tpu.dma_semaphore, #tpu.memory_space<semaphore_mem>>
    %dma_start3A_26 = tpu.memref_squeeze %dma_start3A_25 : memref<1x!tpu.dma_semaphore, #tpu.memory_space<semaphore_mem>> -> memref<!tpu.dma_semaphore, #tpu.memory_space<semaphore_mem>>
    %dma_start3A_27 = tpu.memref_slice %arg2[%add3A_22] : memref<6400000xi32, #tpu.memory_space<hbm>> -> memref<8000xi32, #tpu.memory_space<hbm>>
    tpu.enqueue_dma source(%dma_start3A_27 : memref<8000xi32, #tpu.memory_space<hbm>>) target(%arg8 : memref<8000xi32, #tpu.memory_space<vmem>>) target_semaphore(%dma_start3A_26 : memref<!tpu.dma_semaphore, #tpu.memory_space<semaphore_mem>>)
    %dma_start3A_28 = arith.constant 1 : i32
    %dma_start3A_29 = tpu.memref_slice %arg3[%add3A_22] : memref<6400000xi32, #tpu.memory_space<hbm>> -> memref<8000xi32, #tpu.memory_space<hbm>>
    %dma_start3A_30 = tpu.memref_slice %arg21[%dma_start3A_28] : memref<2x!tpu.dma_semaphore, #tpu.memory_space<semaphore_mem>> -> memref<1x!tpu.dma_semaphore, #tpu.memory_space<semaphore_mem>>
    %dma_start3A_31 = tpu.memref_squeeze %dma_start3A_30 : memref<1x!tpu.dma_semaphore, #tpu.memory_space<semaphore_mem>> -> memref<!tpu.dma_semaphore, #tpu.memory_space<semaphore_mem>>
    %dma_start3A_32 = tpu.memref_slice %arg3[%add3A_22] : memref<6400000xi32, #tpu.memory_space<hbm>> -> memref<8000xi32, #tpu.memory_space<hbm>>
    tpu.enqueue_dma source(%dma_start3A_32 : memref<8000xi32, #tpu.memory_space<hbm>>) target(%arg10 : memref<8000xi32, #tpu.memory_space<vmem>>) target_semaphore(%dma_start3A_31 : memref<!tpu.dma_semaphore, #tpu.memory_space<semaphore_mem>>)
    %dma_start3A_33 = arith.constant 1 : i32
    %dma_start3A_34 = tpu.memref_slice %arg4[%add3A_22] : memref<6400000xf32, #tpu.memory_space<hbm>> -> memref<8000xf32, #tpu.memory_space<hbm>>
    %dma_start3A_35 = tpu.memref_slice %arg21[%dma_start3A_33] : memref<2x!tpu.dma_semaphore, #tpu.memory_space<semaphore_mem>> -> memref<1x!tpu.dma_semaphore, #tpu.memory_space<semaphore_mem>>
    %dma_start3A_36 = tpu.memref_squeeze %dma_start3A_35 : memref<1x!tpu.dma_semaphore, #tpu.memory_space<semaphore_mem>> -> memref<!tpu.dma_semaphore, #tpu.memory_space<semaphore_mem>>
    %dma_start3A_37 = tpu.memref_slice %arg4[%add3A_22] : memref<6400000xf32, #tpu.memory_space<hbm>> -> memref<8000xf32, #tpu.memory_space<hbm>>
    tpu.enqueue_dma source(%dma_start3A_37 : memref<8000xf32, #tpu.memory_space<hbm>>) target(%arg12 : memref<8000xf32, #tpu.memory_space<vmem>>) target_semaphore(%dma_start3A_36 : memref<!tpu.dma_semaphore, #tpu.memory_space<semaphore_mem>>)
    %add3A_38 = arith.constant 0 : i32
    %add3A_39 = arith.addi %add3A_38, %mul3A_2 : i32
    "tpu.region"() ({
      %run_scoped3A = tpu.sem_alloc : memref<!tpu.dma_semaphore, #tpu.memory_space<semaphore_mem>>
      %dma_start3A_390 = tpu.memref_slice %arg5[%add3A_39] : memref<400384xf32, #tpu.memory_space<hbm>> -> memref<6256xf32, #tpu.memory_space<hbm>>
      %dma_start3A_391 = tpu.memref_slice %arg5[%add3A_39] : memref<400384xf32, #tpu.memory_space<hbm>> -> memref<6256xf32, #tpu.memory_space<hbm>>
      tpu.enqueue_dma source(%dma_start3A_391 : memref<6256xf32, #tpu.memory_space<hbm>>) target(%arg19 : memref<6256xf32, #tpu.memory_space<vmem>>) target_semaphore(%run_scoped3A : memref<!tpu.dma_semaphore, #tpu.memory_space<semaphore_mem>>)
      %dma_wait3A_392 = tpu.memref_slice %arg5[%add3A_39] : memref<400384xf32, #tpu.memory_space<hbm>> -> memref<6256xf32, #tpu.memory_space<hbm>>
      %dma_wait3A_393 = tpu.memref_slice %arg5[%add3A_39] : memref<400384xf32, #tpu.memory_space<hbm>> -> memref<6256xf32, #tpu.memory_space<hbm>>
      tpu.wait_dma2 semaphore(%run_scoped3A : memref<!tpu.dma_semaphore, #tpu.memory_space<semaphore_mem>>) src(%dma_wait3A_393 : memref<6256xf32, #tpu.memory_space<hbm>>) dst(%arg19 : memref<6256xf32, #tpu.memory_space<vmem>>)
      tpu.yield
    }) : () -> ()
    %add3A_40 = arith.constant 200192 : i32
    %add3A_41 = arith.addi %add3A_40, %mul3A_2 : i32
    "tpu.region"() ({
      %run_scoped3A = tpu.sem_alloc : memref<!tpu.dma_semaphore, #tpu.memory_space<semaphore_mem>>
      %dma_start3A_390 = tpu.memref_slice %arg5[%add3A_41] : memref<400384xf32, #tpu.memory_space<hbm>> -> memref<6256xf32, #tpu.memory_space<hbm>>
      %dma_start3A_391 = tpu.memref_slice %arg5[%add3A_41] : memref<400384xf32, #tpu.memory_space<hbm>> -> memref<6256xf32, #tpu.memory_space<hbm>>
      tpu.enqueue_dma source(%dma_start3A_391 : memref<6256xf32, #tpu.memory_space<hbm>>) target(%arg20 : memref<6256xf32, #tpu.memory_space<vmem>>) target_semaphore(%run_scoped3A : memref<!tpu.dma_semaphore, #tpu.memory_space<semaphore_mem>>)
      %dma_wait3A_392 = tpu.memref_slice %arg5[%add3A_41] : memref<400384xf32, #tpu.memory_space<hbm>> -> memref<6256xf32, #tpu.memory_space<hbm>>
      %dma_wait3A_393 = tpu.memref_slice %arg5[%add3A_41] : memref<400384xf32, #tpu.memory_space<hbm>> -> memref<6256xf32, #tpu.memory_space<hbm>>
      tpu.wait_dma2 semaphore(%run_scoped3A : memref<!tpu.dma_semaphore, #tpu.memory_space<semaphore_mem>>) src(%dma_wait3A_393 : memref<6256xf32, #tpu.memory_space<hbm>>) dst(%arg20 : memref<6256xf32, #tpu.memory_space<vmem>>)
      tpu.yield
    }) : () -> ()
    %scan3A = arith.constant 0 : i32
    %scan3A_42 = arith.constant 391 : i32
    %scan3A_43 = arith.addi %scan3A, %scan3A_42 : i32
    %scan3A_44 = arith.constant 1 : i32
    scf.for %scan3A_390 = %scan3A to %scan3A_43 step %scan3A_44  : i32 {
      %mul3A_391 = arith.constant 16 : i32
      %mul3A_392 = arith.muli %scan3A_390, %mul3A_391 : i32
      %get3A = arith.index_cast %mul3A_392 : i32 to index
      %get3A_393 = tpu.vector_load %arg19[%get3A] {strides = array<i32>} : memref<6256xf32, #tpu.memory_space<vmem>>, vector<16xf32>,
      %get3A_394 = vector.shape_cast %get3A_393 : vector<16xf32> to vector<16xf32>
      %get3A_395 = arith.index_cast %mul3A_392 : i32 to index
      %get3A_396 = tpu.vector_load %arg20[%get3A_395] {strides = array<i32>} : memref<6256xf32, #tpu.memory_space<vmem>>, vector<16xf32>,
      %get3A_397 = vector.shape_cast %get3A_396 : vector<16xf32> to vector<16xf32>
      %add3A_398 = arith.addf %get3A_394, %get3A_397 : vector<16xf32>
      %bitcast_convert_type3A = tpu.bitcast %add3A_398 : vector<16xf32> -> vector<16xi32>
      %shift_right_arithmetic3A = arith.constant 1 : i32
      %shift_right_arithmetic3A_399 = vector.broadcast %shift_right_arithmetic3A : i32 to vector<16xi32>
      %shift_right_arithmetic3A_400 = arith.shrsi %bitcast_convert_type3A, %shift_right_arithmetic3A_399 : vector<16xi32>
      %sub3A = arith.constant 1597463007 : i32
      %sub3A_401 = vector.broadcast %sub3A : i32 to vector<16xi32>
      %sub3A_402 = arith.subi %sub3A_401, %shift_right_arithmetic3A_400 : vector<16xi32>
      %bitcast_convert_type3A_403 = tpu.bitcast %sub3A_402 : vector<16xi32> -> vector<16xf32>
      %mul3A_404 = arith.constant 5.000000e-01 : f32
      %mul3A_405 = vector.broadcast %mul3A_404 : f32 to vector<16xf32>
      %mul3A_406 = arith.mulf %add3A_398, %mul3A_405 : vector<16xf32>
      %mul3A_407 = arith.mulf %mul3A_406, %bitcast_convert_type3A_403 : vector<16xf32>
      %mul3A_408 = arith.mulf %mul3A_407, %bitcast_convert_type3A_403 : vector<16xf32>
      %sub3A_409 = arith.constant 1.500000e+00 : f32
      %sub3A_410 = vector.broadcast %sub3A_409 : f32 to vector<16xf32>
      %sub3A_411 = arith.subf %sub3A_410, %mul3A_408 : vector<16xf32>
      %mul3A_412 = arith.mulf %bitcast_convert_type3A_403, %sub3A_411 : vector<16xf32>
      %mul3A_413 = arith.mulf %mul3A_406, %mul3A_412 : vector<16xf32>
      %mul3A_414 = arith.mulf %mul3A_413, %mul3A_412 : vector<16xf32>
      %sub3A_415 = arith.constant 1.500000e+00 : f32
      %sub3A_416 = vector.broadcast %sub3A_415 : f32 to vector<16xf32>
      %sub3A_417 = arith.subf %sub3A_416, %mul3A_414 : vector<16xf32>
      %mul3A_418 = arith.mulf %mul3A_412, %sub3A_417 : vector<16xf32>
      %mul3A_419 = arith.mulf %mul3A_406, %mul3A_418 : vector<16xf32>
      %mul3A_420 = arith.mulf %mul3A_419, %mul3A_418 : vector<16xf32>
      %sub3A_421 = arith.constant 1.500000e+00 : f32
      %sub3A_422 = vector.broadcast %sub3A_421 : f32 to vector<16xf32>
      %sub3A_423 = arith.subf %sub3A_422, %mul3A_420 : vector<16xf32>
      %mul3A_424 = arith.mulf %mul3A_418, %sub3A_423 : vector<16xf32>
      %swap3A = arith.index_cast %mul3A_392 : i32 to index
      %swap3A_425 = tpu.vector_load %arg19[%swap3A] {strides = array<i32>} : memref<6256xf32, #tpu.memory_space<vmem>>, vector<16xf32>,
      %swap3A_426 = vector.shape_cast %swap3A_425 : vector<16xf32> to vector<16xf32>
      %swap3A_427 = vector.shape_cast %mul3A_424 : vector<16xf32> to vector<16xf32>
      tpu.vector_store %arg19[%swap3A], %swap3A_427 {strides = array<i32>} : memref<6256xf32, #tpu.memory_space<vmem>>, vector<16xf32>,
    }
    %scan3A_45 = arith.constant 391 : i32
    "tpu.region"() ({
      %run_scoped3A = tpu.sem_alloc : memref<!tpu.dma_semaphore, #tpu.memory_space<semaphore_mem>>
      %dma_start3A_390 = tpu.memref_slice %arg24[%mul3A_2] : memref<100096xf32, #tpu.memory_space<vmem_shared>> -> memref<6256xf32, #tpu.memory_space<vmem_shared>>
      %dma_start3A_391 = tpu.memref_slice %arg24[%mul3A_2] : memref<100096xf32, #tpu.memory_space<vmem_shared>> -> memref<6256xf32, #tpu.memory_space<vmem_shared>>
      tpu.enqueue_dma source(%arg19 : memref<6256xf32, #tpu.memory_space<vmem>>) target(%dma_start3A_391 : memref<6256xf32, #tpu.memory_space<vmem_shared>>) target_semaphore(%run_scoped3A : memref<!tpu.dma_semaphore, #tpu.memory_space<semaphore_mem>>)
      %dma_wait3A_392 = tpu.memref_slice %arg24[%mul3A_2] : memref<100096xf32, #tpu.memory_space<vmem_shared>> -> memref<6256xf32, #tpu.memory_space<vmem_shared>>
      %dma_wait3A_393 = tpu.memref_slice %arg24[%mul3A_2] : memref<100096xf32, #tpu.memory_space<vmem_shared>> -> memref<6256xf32, #tpu.memory_space<vmem_shared>>
      tpu.wait_dma2 semaphore(%run_scoped3A : memref<!tpu.dma_semaphore, #tpu.memory_space<semaphore_mem>>) src(%arg19 : memref<6256xf32, #tpu.memory_space<vmem>>) dst(%dma_wait3A_393 : memref<6256xf32, #tpu.memory_space<vmem_shared>>)
      tpu.yield
    }) : () -> ()
    %add3A_46 = arith.constant 100096 : i32
    %add3A_47 = arith.addi %add3A_46, %mul3A_2 : i32
    "tpu.region"() ({
      %run_scoped3A = tpu.sem_alloc : memref<!tpu.dma_semaphore, #tpu.memory_space<semaphore_mem>>
      %dma_start3A_390 = tpu.memref_slice %arg5[%add3A_47] : memref<400384xf32, #tpu.memory_space<hbm>> -> memref<6256xf32, #tpu.memory_space<hbm>>
      %dma_start3A_391 = tpu.memref_slice %arg5[%add3A_47] : memref<400384xf32, #tpu.memory_space<hbm>> -> memref<6256xf32, #tpu.memory_space<hbm>>
      tpu.enqueue_dma source(%dma_start3A_391 : memref<6256xf32, #tpu.memory_space<hbm>>) target(%arg19 : memref<6256xf32, #tpu.memory_space<vmem>>) target_semaphore(%run_scoped3A : memref<!tpu.dma_semaphore, #tpu.memory_space<semaphore_mem>>)
      %dma_wait3A_392 = tpu.memref_slice %arg5[%add3A_47] : memref<400384xf32, #tpu.memory_space<hbm>> -> memref<6256xf32, #tpu.memory_space<hbm>>
      %dma_wait3A_393 = tpu.memref_slice %arg5[%add3A_47] : memref<400384xf32, #tpu.memory_space<hbm>> -> memref<6256xf32, #tpu.memory_space<hbm>>
      tpu.wait_dma2 semaphore(%run_scoped3A : memref<!tpu.dma_semaphore, #tpu.memory_space<semaphore_mem>>) src(%dma_wait3A_393 : memref<6256xf32, #tpu.memory_space<hbm>>) dst(%arg19 : memref<6256xf32, #tpu.memory_space<vmem>>)
      tpu.yield
    }) : () -> ()
    %add3A_48 = arith.constant 300288 : i32
    %add3A_49 = arith.addi %add3A_48, %mul3A_2 : i32
    "tpu.region"() ({
      %run_scoped3A = tpu.sem_alloc : memref<!tpu.dma_semaphore, #tpu.memory_space<semaphore_mem>>
      %dma_start3A_390 = tpu.memref_slice %arg5[%add3A_49] : memref<400384xf32, #tpu.memory_space<hbm>> -> memref<6256xf32, #tpu.memory_space<hbm>>
      %dma_start3A_391 = tpu.memref_slice %arg5[%add3A_49] : memref<400384xf32, #tpu.memory_space<hbm>> -> memref<6256xf32, #tpu.memory_space<hbm>>
      tpu.enqueue_dma source(%dma_start3A_391 : memref<6256xf32, #tpu.memory_space<hbm>>) target(%arg20 : memref<6256xf32, #tpu.memory_space<vmem>>) target_semaphore(%run_scoped3A : memref<!tpu.dma_semaphore, #tpu.memory_space<semaphore_mem>>)
      %dma_wait3A_392 = tpu.memref_slice %arg5[%add3A_49] : memref<400384xf32, #tpu.memory_space<hbm>> -> memref<6256xf32, #tpu.memory_space<hbm>>
      %dma_wait3A_393 = tpu.memref_slice %arg5[%add3A_49] : memref<400384xf32, #tpu.memory_space<hbm>> -> memref<6256xf32, #tpu.memory_space<hbm>>
      tpu.wait_dma2 semaphore(%run_scoped3A : memref<!tpu.dma_semaphore, #tpu.memory_space<semaphore_mem>>) src(%dma_wait3A_393 : memref<6256xf32, #tpu.memory_space<hbm>>) dst(%arg20 : memref<6256xf32, #tpu.memory_space<vmem>>)
      tpu.yield
    }) : () -> ()
    %scan3A_50 = arith.constant 0 : i32
    %scan3A_51 = arith.constant 391 : i32
    %scan3A_52 = arith.addi %scan3A_50, %scan3A_51 : i32
    %scan3A_53 = arith.constant 1 : i32
    scf.for %scan3A_390 = %scan3A_50 to %scan3A_52 step %scan3A_53  : i32 {
      %mul3A_391 = arith.constant 16 : i32
      %mul3A_392 = arith.muli %scan3A_390, %mul3A_391 : i32
      %get3A = arith.index_cast %mul3A_392 : i32 to index
      %get3A_393 = tpu.vector_load %arg19[%get3A] {strides = array<i32>} : memref<6256xf32, #tpu.memory_space<vmem>>, vector<16xf32>,
      %get3A_394 = vector.shape_cast %get3A_393 : vector<16xf32> to vector<16xf32>
      %get3A_395 = arith.index_cast %mul3A_392 : i32 to index
      %get3A_396 = tpu.vector_load %arg20[%get3A_395] {strides = array<i32>} : memref<6256xf32, #tpu.memory_space<vmem>>, vector<16xf32>,
      %get3A_397 = vector.shape_cast %get3A_396 : vector<16xf32> to vector<16xf32>
      %add3A_398 = arith.addf %get3A_394, %get3A_397 : vector<16xf32>
      %bitcast_convert_type3A = tpu.bitcast %add3A_398 : vector<16xf32> -> vector<16xi32>
      %shift_right_arithmetic3A = arith.constant 1 : i32
      %shift_right_arithmetic3A_399 = vector.broadcast %shift_right_arithmetic3A : i32 to vector<16xi32>
      %shift_right_arithmetic3A_400 = arith.shrsi %bitcast_convert_type3A, %shift_right_arithmetic3A_399 : vector<16xi32>
      %sub3A = arith.constant 1597463007 : i32
      %sub3A_401 = vector.broadcast %sub3A : i32 to vector<16xi32>
      %sub3A_402 = arith.subi %sub3A_401, %shift_right_arithmetic3A_400 : vector<16xi32>
      %bitcast_convert_type3A_403 = tpu.bitcast %sub3A_402 : vector<16xi32> -> vector<16xf32>
      %mul3A_404 = arith.constant 5.000000e-01 : f32
      %mul3A_405 = vector.broadcast %mul3A_404 : f32 to vector<16xf32>
      %mul3A_406 = arith.mulf %add3A_398, %mul3A_405 : vector<16xf32>
      %mul3A_407 = arith.mulf %mul3A_406, %bitcast_convert_type3A_403 : vector<16xf32>
      %mul3A_408 = arith.mulf %mul3A_407, %bitcast_convert_type3A_403 : vector<16xf32>
      %sub3A_409 = arith.constant 1.500000e+00 : f32
      %sub3A_410 = vector.broadcast %sub3A_409 : f32 to vector<16xf32>
      %sub3A_411 = arith.subf %sub3A_410, %mul3A_408 : vector<16xf32>
      %mul3A_412 = arith.mulf %bitcast_convert_type3A_403, %sub3A_411 : vector<16xf32>
      %mul3A_413 = arith.mulf %mul3A_406, %mul3A_412 : vector<16xf32>
      %mul3A_414 = arith.mulf %mul3A_413, %mul3A_412 : vector<16xf32>
      %sub3A_415 = arith.constant 1.500000e+00 : f32
      %sub3A_416 = vector.broadcast %sub3A_415 : f32 to vector<16xf32>
      %sub3A_417 = arith.subf %sub3A_416, %mul3A_414 : vector<16xf32>
      %mul3A_418 = arith.mulf %mul3A_412, %sub3A_417 : vector<16xf32>
      %mul3A_419 = arith.mulf %mul3A_406, %mul3A_418 : vector<16xf32>
      %mul3A_420 = arith.mulf %mul3A_419, %mul3A_418 : vector<16xf32>
      %sub3A_421 = arith.constant 1.500000e+00 : f32
      %sub3A_422 = vector.broadcast %sub3A_421 : f32 to vector<16xf32>
      %sub3A_423 = arith.subf %sub3A_422, %mul3A_420 : vector<16xf32>
      %mul3A_424 = arith.mulf %mul3A_418, %sub3A_423 : vector<16xf32>
      %swap3A = arith.index_cast %mul3A_392 : i32 to index
      %swap3A_425 = tpu.vector_load %arg19[%swap3A] {strides = array<i32>} : memref<6256xf32, #tpu.memory_space<vmem>>, vector<16xf32>,
      %swap3A_426 = vector.shape_cast %swap3A_425 : vector<16xf32> to vector<16xf32>
      %swap3A_427 = vector.shape_cast %mul3A_424 : vector<16xf32> to vector<16xf32>
      tpu.vector_store %arg19[%swap3A], %swap3A_427 {strides = array<i32>} : memref<6256xf32, #tpu.memory_space<vmem>>, vector<16xf32>,
    }
    %scan3A_54 = arith.constant 391 : i32
    "tpu.region"() ({
      %run_scoped3A = tpu.sem_alloc : memref<!tpu.dma_semaphore, #tpu.memory_space<semaphore_mem>>
      %dma_start3A_390 = tpu.memref_slice %arg25[%mul3A_2] : memref<100096xf32, #tpu.memory_space<vmem_shared>> -> memref<6256xf32, #tpu.memory_space<vmem_shared>>
      %dma_start3A_391 = tpu.memref_slice %arg25[%mul3A_2] : memref<100096xf32, #tpu.memory_space<vmem_shared>> -> memref<6256xf32, #tpu.memory_space<vmem_shared>>
      tpu.enqueue_dma source(%arg19 : memref<6256xf32, #tpu.memory_space<vmem>>) target(%dma_start3A_391 : memref<6256xf32, #tpu.memory_space<vmem_shared>>) target_semaphore(%run_scoped3A : memref<!tpu.dma_semaphore, #tpu.memory_space<semaphore_mem>>)
      %dma_wait3A_392 = tpu.memref_slice %arg25[%mul3A_2] : memref<100096xf32, #tpu.memory_space<vmem_shared>> -> memref<6256xf32, #tpu.memory_space<vmem_shared>>
      %dma_wait3A_393 = tpu.memref_slice %arg25[%mul3A_2] : memref<100096xf32, #tpu.memory_space<vmem_shared>> -> memref<6256xf32, #tpu.memory_space<vmem_shared>>
      tpu.wait_dma2 semaphore(%run_scoped3A : memref<!tpu.dma_semaphore, #tpu.memory_space<semaphore_mem>>) src(%arg19 : memref<6256xf32, #tpu.memory_space<vmem>>) dst(%dma_wait3A_393 : memref<6256xf32, #tpu.memory_space<vmem_shared>>)
      tpu.yield
    }) : () -> ()
    %barrier3A = arith.constant 0 : index
    tpu.barrier barrier_id(%barrier3A)
    %add3A_55 = arith.constant 0 : i32
    %add3A_56 = arith.addi %mul3A_4, %add3A_55 : i32
    %dma_wait3A = arith.constant 0 : i32
    %dma_wait3A_57 = tpu.memref_slice %arg2[%add3A_56] : memref<6400000xi32, #tpu.memory_space<hbm>> -> memref<8000xi32, #tpu.memory_space<hbm>>
    %dma_wait3A_58 = tpu.memref_slice %arg21[%dma_wait3A] : memref<2x!tpu.dma_semaphore, #tpu.memory_space<semaphore_mem>> -> memref<1x!tpu.dma_semaphore, #tpu.memory_space<semaphore_mem>>
    %dma_wait3A_59 = tpu.memref_squeeze %dma_wait3A_58 : memref<1x!tpu.dma_semaphore, #tpu.memory_space<semaphore_mem>> -> memref<!tpu.dma_semaphore, #tpu.memory_space<semaphore_mem>>
    %dma_wait3A_60 = tpu.memref_slice %arg2[%add3A_56] : memref<6400000xi32, #tpu.memory_space<hbm>> -> memref<8000xi32, #tpu.memory_space<hbm>>
    tpu.wait_dma2 semaphore(%dma_wait3A_59 : memref<!tpu.dma_semaphore, #tpu.memory_space<semaphore_mem>>) src(%dma_wait3A_60 : memref<8000xi32, #tpu.memory_space<hbm>>) dst(%arg7 : memref<8000xi32, #tpu.memory_space<vmem>>)
    %dma_wait3A_61 = arith.constant 0 : i32
    %dma_wait3A_62 = tpu.memref_slice %arg3[%add3A_56] : memref<6400000xi32, #tpu.memory_space<hbm>> -> memref<8000xi32, #tpu.memory_space<hbm>>
    %dma_wait3A_63 = tpu.memref_slice %arg21[%dma_wait3A_61] : memref<2x!tpu.dma_semaphore, #tpu.memory_space<semaphore_mem>> -> memref<1x!tpu.dma_semaphore, #tpu.memory_space<semaphore_mem>>
    %dma_wait3A_64 = tpu.memref_squeeze %dma_wait3A_63 : memref<1x!tpu.dma_semaphore, #tpu.memory_space<semaphore_mem>> -> memref<!tpu.dma_semaphore, #tpu.memory_space<semaphore_mem>>
    %dma_wait3A_65 = tpu.memref_slice %arg3[%add3A_56] : memref<6400000xi32, #tpu.memory_space<hbm>> -> memref<8000xi32, #tpu.memory_space<hbm>>
    tpu.wait_dma2 semaphore(%dma_wait3A_64 : memref<!tpu.dma_semaphore, #tpu.memory_space<semaphore_mem>>) src(%dma_wait3A_65 : memref<8000xi32, #tpu.memory_space<hbm>>) dst(%arg9 : memref<8000xi32, #tpu.memory_space<vmem>>)
    %dma_wait3A_66 = arith.constant 0 : i32
    %dma_wait3A_67 = tpu.memref_slice %arg4[%add3A_56] : memref<6400000xf32, #tpu.memory_space<hbm>> -> memref<8000xf32, #tpu.memory_space<hbm>>
    %dma_wait3A_68 = tpu.memref_slice %arg21[%dma_wait3A_66] : memref<2x!tpu.dma_semaphore, #tpu.memory_space<semaphore_mem>> -> memref<1x!tpu.dma_semaphore, #tpu.memory_space<semaphore_mem>>
    %dma_wait3A_69 = tpu.memref_squeeze %dma_wait3A_68 : memref<1x!tpu.dma_semaphore, #tpu.memory_space<semaphore_mem>> -> memref<!tpu.dma_semaphore, #tpu.memory_space<semaphore_mem>>
    %dma_wait3A_70 = tpu.memref_slice %arg4[%add3A_56] : memref<6400000xf32, #tpu.memory_space<hbm>> -> memref<8000xf32, #tpu.memory_space<hbm>>
    tpu.wait_dma2 semaphore(%dma_wait3A_69 : memref<!tpu.dma_semaphore, #tpu.memory_space<semaphore_mem>>) src(%dma_wait3A_70 : memref<8000xf32, #tpu.memory_space<hbm>>) dst(%arg11 : memref<8000xf32, #tpu.memory_space<vmem>>)
    %dma_start3A_71 = arith.constant 0 : i32
    %dma_start3A_72 = arith.constant 0 : i32
    %dma_start3A_73 = tpu.memref_slice %arg24[%dma_start3A_72] : memref<100096xf32, #tpu.memory_space<vmem_shared>> -> memref<100096xf32, #tpu.memory_space<vmem_shared>>
    %dma_start3A_74 = tpu.memref_slice %arg22[%dma_start3A_71] : memref<2x!tpu.dma_semaphore, #tpu.memory_space<semaphore_mem>> -> memref<1x!tpu.dma_semaphore, #tpu.memory_space<semaphore_mem>>
    %dma_start3A_75 = tpu.memref_squeeze %dma_start3A_74 : memref<1x!tpu.dma_semaphore, #tpu.memory_space<semaphore_mem>> -> memref<!tpu.dma_semaphore, #tpu.memory_space<semaphore_mem>>
    tpu.enqueue_indirect_dma source(%dma_start3A_73 : memref<100096xf32, #tpu.memory_space<vmem_shared>>) target(%arg13 : memref<8000xf32, #tpu.memory_space<vmem>>) offsets(%arg7 : memref<8000xi32, #tpu.memory_space<vmem>>) semaphore(%dma_start3A_75 : memref<!tpu.dma_semaphore, #tpu.memory_space<semaphore_mem>>)
    %dma_start3A_76 = arith.constant 0 : i32
    %dma_start3A_77 = arith.constant 0 : i32
    %dma_start3A_78 = tpu.memref_slice %arg25[%dma_start3A_77] : memref<100096xf32, #tpu.memory_space<vmem_shared>> -> memref<100096xf32, #tpu.memory_space<vmem_shared>>
    %dma_start3A_79 = tpu.memref_slice %arg22[%dma_start3A_76] : memref<2x!tpu.dma_semaphore, #tpu.memory_space<semaphore_mem>> -> memref<1x!tpu.dma_semaphore, #tpu.memory_space<semaphore_mem>>
    %dma_start3A_80 = tpu.memref_squeeze %dma_start3A_79 : memref<1x!tpu.dma_semaphore, #tpu.memory_space<semaphore_mem>> -> memref<!tpu.dma_semaphore, #tpu.memory_space<semaphore_mem>>
    tpu.enqueue_indirect_dma source(%dma_start3A_78 : memref<100096xf32, #tpu.memory_space<vmem_shared>>) target(%arg15 : memref<8000xf32, #tpu.memory_space<vmem>>) offsets(%arg9 : memref<8000xi32, #tpu.memory_space<vmem>>) semaphore(%dma_start3A_80 : memref<!tpu.dma_semaphore, #tpu.memory_space<semaphore_mem>>)
    %dma_wait3A_81 = arith.constant 0 : i32
    %dma_wait3A_82 = arith.constant 0 : i32
    %dma_wait3A_83 = tpu.memref_slice %arg24[%dma_wait3A_82] : memref<100096xf32, #tpu.memory_space<vmem_shared>> -> memref<100096xf32, #tpu.memory_space<vmem_shared>>
    %dma_wait3A_84 = tpu.memref_slice %arg22[%dma_wait3A_81] : memref<2x!tpu.dma_semaphore, #tpu.memory_space<semaphore_mem>> -> memref<1x!tpu.dma_semaphore, #tpu.memory_space<semaphore_mem>>
    %dma_wait3A_85 = tpu.memref_squeeze %dma_wait3A_84 : memref<1x!tpu.dma_semaphore, #tpu.memory_space<semaphore_mem>> -> memref<!tpu.dma_semaphore, #tpu.memory_space<semaphore_mem>>
    tpu.wait_indirect_dma semaphore(%dma_wait3A_85 : memref<!tpu.dma_semaphore, #tpu.memory_space<semaphore_mem>>) src(%dma_wait3A_83 : memref<100096xf32, #tpu.memory_space<vmem_shared>>) dst(%arg13 : memref<8000xf32, #tpu.memory_space<vmem>>)
    %dma_wait3A_86 = arith.constant 0 : i32
    %dma_wait3A_87 = arith.constant 0 : i32
    %dma_wait3A_88 = tpu.memref_slice %arg25[%dma_wait3A_87] : memref<100096xf32, #tpu.memory_space<vmem_shared>> -> memref<100096xf32, #tpu.memory_space<vmem_shared>>
    %dma_wait3A_89 = tpu.memref_slice %arg22[%dma_wait3A_86] : memref<2x!tpu.dma_semaphore, #tpu.memory_space<semaphore_mem>> -> memref<1x!tpu.dma_semaphore, #tpu.memory_space<semaphore_mem>>
    %dma_wait3A_90 = tpu.memref_squeeze %dma_wait3A_89 : memref<1x!tpu.dma_semaphore, #tpu.memory_space<semaphore_mem>> -> memref<!tpu.dma_semaphore, #tpu.memory_space<semaphore_mem>>
    tpu.wait_indirect_dma semaphore(%dma_wait3A_90 : memref<!tpu.dma_semaphore, #tpu.memory_space<semaphore_mem>>) src(%dma_wait3A_88 : memref<100096xf32, #tpu.memory_space<vmem_shared>>) dst(%arg15 : memref<8000xf32, #tpu.memory_space<vmem>>)
    %add3A_91 = arith.constant 8000 : i32
    %add3A_92 = arith.addi %mul3A_4, %add3A_91 : i32
    %dma_wait3A_93 = arith.constant 1 : i32
    %dma_wait3A_94 = tpu.memref_slice %arg2[%add3A_92] : memref<6400000xi32, #tpu.memory_space<hbm>> -> memref<8000xi32, #tpu.memory_space<hbm>>
    %dma_wait3A_95 = tpu.memref_slice %arg21[%dma_wait3A_93] : memref<2x!tpu.dma_semaphore, #tpu.memory_space<semaphore_mem>> -> memref<1x!tpu.dma_semaphore, #tpu.memory_space<semaphore_mem>>
    %dma_wait3A_96 = tpu.memref_squeeze %dma_wait3A_95 : memref<1x!tpu.dma_semaphore, #tpu.memory_space<semaphore_mem>> -> memref<!tpu.dma_semaphore, #tpu.memory_space<semaphore_mem>>
    %dma_wait3A_97 = tpu.memref_slice %arg2[%add3A_92] : memref<6400000xi32, #tpu.memory_space<hbm>> -> memref<8000xi32, #tpu.memory_space<hbm>>
    tpu.wait_dma2 semaphore(%dma_wait3A_96 : memref<!tpu.dma_semaphore, #tpu.memory_space<semaphore_mem>>) src(%dma_wait3A_97 : memref<8000xi32, #tpu.memory_space<hbm>>) dst(%arg8 : memref<8000xi32, #tpu.memory_space<vmem>>)
    %dma_wait3A_98 = arith.constant 1 : i32
    %dma_wait3A_99 = tpu.memref_slice %arg3[%add3A_92] : memref<6400000xi32, #tpu.memory_space<hbm>> -> memref<8000xi32, #tpu.memory_space<hbm>>
    %dma_wait3A_100 = tpu.memref_slice %arg21[%dma_wait3A_98] : memref<2x!tpu.dma_semaphore, #tpu.memory_space<semaphore_mem>> -> memref<1x!tpu.dma_semaphore, #tpu.memory_space<semaphore_mem>>
    %dma_wait3A_101 = tpu.memref_squeeze %dma_wait3A_100 : memref<1x!tpu.dma_semaphore, #tpu.memory_space<semaphore_mem>> -> memref<!tpu.dma_semaphore, #tpu.memory_space<semaphore_mem>>
    %dma_wait3A_102 = tpu.memref_slice %arg3[%add3A_92] : memref<6400000xi32, #tpu.memory_space<hbm>> -> memref<8000xi32, #tpu.memory_space<hbm>>
    tpu.wait_dma2 semaphore(%dma_wait3A_101 : memref<!tpu.dma_semaphore, #tpu.memory_space<semaphore_mem>>) src(%dma_wait3A_102 : memref<8000xi32, #tpu.memory_space<hbm>>) dst(%arg10 : memref<8000xi32, #tpu.memory_space<vmem>>)
    %dma_wait3A_103 = arith.constant 1 : i32
    %dma_wait3A_104 = tpu.memref_slice %arg4[%add3A_92] : memref<6400000xf32, #tpu.memory_space<hbm>> -> memref<8000xf32, #tpu.memory_space<hbm>>
    %dma_wait3A_105 = tpu.memref_slice %arg21[%dma_wait3A_103] : memref<2x!tpu.dma_semaphore, #tpu.memory_space<semaphore_mem>> -> memref<1x!tpu.dma_semaphore, #tpu.memory_space<semaphore_mem>>
    %dma_wait3A_106 = tpu.memref_squeeze %dma_wait3A_105 : memref<1x!tpu.dma_semaphore, #tpu.memory_space<semaphore_mem>> -> memref<!tpu.dma_semaphore, #tpu.memory_space<semaphore_mem>>
    %dma_wait3A_107 = tpu.memref_slice %arg4[%add3A_92] : memref<6400000xf32, #tpu.memory_space<hbm>> -> memref<8000xf32, #tpu.memory_space<hbm>>
    tpu.wait_dma2 semaphore(%dma_wait3A_106 : memref<!tpu.dma_semaphore, #tpu.memory_space<semaphore_mem>>) src(%dma_wait3A_107 : memref<8000xf32, #tpu.memory_space<hbm>>) dst(%arg12 : memref<8000xf32, #tpu.memory_space<vmem>>)
    %dma_start3A_108 = arith.constant 1 : i32
    %dma_start3A_109 = arith.constant 0 : i32
    %dma_start3A_110 = tpu.memref_slice %arg24[%dma_start3A_109] : memref<100096xf32, #tpu.memory_space<vmem_shared>> -> memref<100096xf32, #tpu.memory_space<vmem_shared>>
    %dma_start3A_111 = tpu.memref_slice %arg22[%dma_start3A_108] : memref<2x!tpu.dma_semaphore, #tpu.memory_space<semaphore_mem>> -> memref<1x!tpu.dma_semaphore, #tpu.memory_space<semaphore_mem>>
    %dma_start3A_112 = tpu.memref_squeeze %dma_start3A_111 : memref<1x!tpu.dma_semaphore, #tpu.memory_space<semaphore_mem>> -> memref<!tpu.dma_semaphore, #tpu.memory_space<semaphore_mem>>
    tpu.enqueue_indirect_dma source(%dma_start3A_110 : memref<100096xf32, #tpu.memory_space<vmem_shared>>) target(%arg14 : memref<8000xf32, #tpu.memory_space<vmem>>) offsets(%arg8 : memref<8000xi32, #tpu.memory_space<vmem>>) semaphore(%dma_start3A_112 : memref<!tpu.dma_semaphore, #tpu.memory_space<semaphore_mem>>)
    %dma_start3A_113 = arith.constant 1 : i32
    %dma_start3A_114 = arith.constant 0 : i32
    %dma_start3A_115 = tpu.memref_slice %arg25[%dma_start3A_114] : memref<100096xf32, #tpu.memory_space<vmem_shared>> -> memref<100096xf32, #tpu.memory_space<vmem_shared>>
    %dma_start3A_116 = tpu.memref_slice %arg22[%dma_start3A_113] : memref<2x!tpu.dma_semaphore, #tpu.memory_space<semaphore_mem>> -> memref<1x!tpu.dma_semaphore, #tpu.memory_space<semaphore_mem>>
    %dma_start3A_117 = tpu.memref_squeeze %dma_start3A_116 : memref<1x!tpu.dma_semaphore, #tpu.memory_space<semaphore_mem>> -> memref<!tpu.dma_semaphore, #tpu.memory_space<semaphore_mem>>
    tpu.enqueue_indirect_dma source(%dma_start3A_115 : memref<100096xf32, #tpu.memory_space<vmem_shared>>) target(%arg16 : memref<8000xf32, #tpu.memory_space<vmem>>) offsets(%arg10 : memref<8000xi32, #tpu.memory_space<vmem>>) semaphore(%dma_start3A_117 : memref<!tpu.dma_semaphore, #tpu.memory_space<semaphore_mem>>)
    %scan3A_118 = arith.constant 0 : i32
    %scan3A_119 = arith.constant 125 : i32
    %scan3A_120 = arith.addi %scan3A_118, %scan3A_119 : i32
    %scan3A_121 = arith.constant 1 : i32
    scf.for %scan3A_390 = %scan3A_118 to %scan3A_120 step %scan3A_121  : i32 {
      %mul3A_391 = arith.constant 4 : i32
      %mul3A_392 = arith.muli %scan3A_390, %mul3A_391 : i32
      %add3A_393 = arith.constant 0 : i32
      %add3A_394 = arith.addi %mul3A_392, %add3A_393 : i32
      %mul3A_395 = arith.constant 16 : i32
      %mul3A_396 = arith.muli %add3A_394, %mul3A_395 : i32
      %get3A = arith.index_cast %mul3A_396 : i32 to index
      %get3A_397 = tpu.vector_load %arg13[%get3A] {strides = array<i32>} : memref<8000xf32, #tpu.memory_space<vmem>>, vector<16xf32>,
      %get3A_398 = vector.shape_cast %get3A_397 : vector<16xf32> to vector<16xf32>
      %get3A_399 = arith.index_cast %mul3A_396 : i32 to index
      %get3A_400 = tpu.vector_load %arg15[%get3A_399] {strides = array<i32>} : memref<8000xf32, #tpu.memory_space<vmem>>, vector<16xf32>,
      %get3A_401 = vector.shape_cast %get3A_400 : vector<16xf32> to vector<16xf32>
      %mul3A_402 = arith.mulf %get3A_398, %get3A_401 : vector<16xf32>
      %get3A_403 = arith.index_cast %mul3A_396 : i32 to index
      %get3A_404 = tpu.vector_load %arg11[%get3A_403] {strides = array<i32>} : memref<8000xf32, #tpu.memory_space<vmem>>, vector<16xf32>,
      %get3A_405 = vector.shape_cast %get3A_404 : vector<16xf32> to vector<16xf32>
      %mul3A_406 = arith.mulf %mul3A_402, %get3A_405 : vector<16xf32>
      %swap3A = arith.index_cast %mul3A_396 : i32 to index
      %swap3A_407 = tpu.vector_load %arg17[%swap3A] {strides = array<i32>} : memref<8000xf32, #tpu.memory_space<vmem>>, vector<16xf32>,
      %swap3A_408 = vector.shape_cast %swap3A_407 : vector<16xf32> to vector<16xf32>
      %swap3A_409 = vector.shape_cast %mul3A_406 : vector<16xf32> to vector<16xf32>
      tpu.vector_store %arg17[%swap3A], %swap3A_409 {strides = array<i32>} : memref<8000xf32, #tpu.memory_space<vmem>>, vector<16xf32>,
      %mul3A_410 = arith.constant 4 : i32
      %mul3A_411 = arith.muli %scan3A_390, %mul3A_410 : i32
      %add3A_412 = arith.constant 1 : i32
      %add3A_413 = arith.addi %mul3A_411, %add3A_412 : i32
      %mul3A_414 = arith.constant 16 : i32
      %mul3A_415 = arith.muli %add3A_413, %mul3A_414 : i32
      %get3A_416 = arith.index_cast %mul3A_415 : i32 to index
      %get3A_417 = tpu.vector_load %arg13[%get3A_416] {strides = array<i32>} : memref<8000xf32, #tpu.memory_space<vmem>>, vector<16xf32>,
      %get3A_418 = vector.shape_cast %get3A_417 : vector<16xf32> to vector<16xf32>
      %get3A_419 = arith.index_cast %mul3A_415 : i32 to index
      %get3A_420 = tpu.vector_load %arg15[%get3A_419] {strides = array<i32>} : memref<8000xf32, #tpu.memory_space<vmem>>, vector<16xf32>,
      %get3A_421 = vector.shape_cast %get3A_420 : vector<16xf32> to vector<16xf32>
      %mul3A_422 = arith.mulf %get3A_418, %get3A_421 : vector<16xf32>
      %get3A_423 = arith.index_cast %mul3A_415 : i32 to index
      %get3A_424 = tpu.vector_load %arg11[%get3A_423] {strides = array<i32>} : memref<8000xf32, #tpu.memory_space<vmem>>, vector<16xf32>,
      %get3A_425 = vector.shape_cast %get3A_424 : vector<16xf32> to vector<16xf32>
      %mul3A_426 = arith.mulf %mul3A_422, %get3A_425 : vector<16xf32>
      %swap3A_427 = arith.index_cast %mul3A_415 : i32 to index
      %swap3A_428 = tpu.vector_load %arg17[%swap3A_427] {strides = array<i32>} : memref<8000xf32, #tpu.memory_space<vmem>>, vector<16xf32>,
      %swap3A_429 = vector.shape_cast %swap3A_428 : vector<16xf32> to vector<16xf32>
      %swap3A_430 = vector.shape_cast %mul3A_426 : vector<16xf32> to vector<16xf32>
      tpu.vector_store %arg17[%swap3A_427], %swap3A_430 {strides = array<i32>} : memref<8000xf32, #tpu.memory_space<vmem>>, vector<16xf32>,
      %mul3A_431 = arith.constant 4 : i32
      %mul3A_432 = arith.muli %scan3A_390, %mul3A_431 : i32
      %add3A_433 = arith.constant 2 : i32
      %add3A_434 = arith.addi %mul3A_432, %add3A_433 : i32
      %mul3A_435 = arith.constant 16 : i32
      %mul3A_436 = arith.muli %add3A_434, %mul3A_435 : i32
      %get3A_437 = arith.index_cast %mul3A_436 : i32 to index
      %get3A_438 = tpu.vector_load %arg13[%get3A_437] {strides = array<i32>} : memref<8000xf32, #tpu.memory_space<vmem>>, vector<16xf32>,
      %get3A_439 = vector.shape_cast %get3A_438 : vector<16xf32> to vector<16xf32>
      %get3A_440 = arith.index_cast %mul3A_436 : i32 to index
      %get3A_441 = tpu.vector_load %arg15[%get3A_440] {strides = array<i32>} : memref<8000xf32, #tpu.memory_space<vmem>>, vector<16xf32>,
      %get3A_442 = vector.shape_cast %get3A_441 : vector<16xf32> to vector<16xf32>
      %mul3A_443 = arith.mulf %get3A_439, %get3A_442 : vector<16xf32>
      %get3A_444 = arith.index_cast %mul3A_436 : i32 to index
      %get3A_445 = tpu.vector_load %arg11[%get3A_444] {strides = array<i32>} : memref<8000xf32, #tpu.memory_space<vmem>>, vector<16xf32>,
      %get3A_446 = vector.shape_cast %get3A_445 : vector<16xf32> to vector<16xf32>
      %mul3A_447 = arith.mulf %mul3A_443, %get3A_446 : vector<16xf32>
      %swap3A_448 = arith.index_cast %mul3A_436 : i32 to index
      %swap3A_449 = tpu.vector_load %arg17[%swap3A_448] {strides = array<i32>} : memref<8000xf32, #tpu.memory_space<vmem>>, vector<16xf32>,
      %swap3A_450 = vector.shape_cast %swap3A_449 : vector<16xf32> to vector<16xf32>
      %swap3A_451 = vector.shape_cast %mul3A_447 : vector<16xf32> to vector<16xf32>
      tpu.vector_store %arg17[%swap3A_448], %swap3A_451 {strides = array<i32>} : memref<8000xf32, #tpu.memory_space<vmem>>, vector<16xf32>,
      %mul3A_452 = arith.constant 4 : i32
      %mul3A_453 = arith.muli %scan3A_390, %mul3A_452 : i32
      %add3A_454 = arith.constant 3 : i32
      %add3A_455 = arith.addi %mul3A_453, %add3A_454 : i32
      %mul3A_456 = arith.constant 16 : i32
      %mul3A_457 = arith.muli %add3A_455, %mul3A_456 : i32
      %get3A_458 = arith.index_cast %mul3A_457 : i32 to index
      %get3A_459 = tpu.vector_load %arg13[%get3A_458] {strides = array<i32>} : memref<8000xf32, #tpu.memory_space<vmem>>, vector<16xf32>,
      %get3A_460 = vector.shape_cast %get3A_459 : vector<16xf32> to vector<16xf32>
      %get3A_461 = arith.index_cast %mul3A_457 : i32 to index
      %get3A_462 = tpu.vector_load %arg15[%get3A_461] {strides = array<i32>} : memref<8000xf32, #tpu.memory_space<vmem>>, vector<16xf32>,
      %get3A_463 = vector.shape_cast %get3A_462 : vector<16xf32> to vector<16xf32>
      %mul3A_464 = arith.mulf %get3A_460, %get3A_463 : vector<16xf32>
      %get3A_465 = arith.index_cast %mul3A_457 : i32 to index
      %get3A_466 = tpu.vector_load %arg11[%get3A_465] {strides = array<i32>} : memref<8000xf32, #tpu.memory_space<vmem>>, vector<16xf32>,
      %get3A_467 = vector.shape_cast %get3A_466 : vector<16xf32> to vector<16xf32>
      %mul3A_468 = arith.mulf %mul3A_464, %get3A_467 : vector<16xf32>
      %swap3A_469 = arith.index_cast %mul3A_457 : i32 to index
      %swap3A_470 = tpu.vector_load %arg17[%swap3A_469] {strides = array<i32>} : memref<8000xf32, #tpu.memory_space<vmem>>, vector<16xf32>,
      %swap3A_471 = vector.shape_cast %swap3A_470 : vector<16xf32> to vector<16xf32>
      %swap3A_472 = vector.shape_cast %mul3A_468 : vector<16xf32> to vector<16xf32>
      tpu.vector_store %arg17[%swap3A_469], %swap3A_472 {strides = array<i32>} : memref<8000xf32, #tpu.memory_space<vmem>>, vector<16xf32>,
    }
    %scan3A_122 = arith.constant 125 : i32
    %add3A_123 = arith.constant 0 : i32
    %add3A_124 = arith.addi %mul3A_4, %add3A_123 : i32
    %dma_start3A_125 = arith.constant 0 : i32
    %dma_start3A_126 = tpu.memref_slice %arg6[%add3A_124] : memref<6400000xf32, #tpu.memory_space<hbm>> -> memref<8000xf32, #tpu.memory_space<hbm>>
    %dma_start3A_127 = tpu.memref_slice %arg23[%dma_start3A_125] : memref<2x!tpu.dma_semaphore, #tpu.memory_space<semaphore_mem>> -> memref<1x!tpu.dma_semaphore, #tpu.memory_space<semaphore_mem>>
    %dma_start3A_128 = tpu.memref_squeeze %dma_start3A_127 : memref<1x!tpu.dma_semaphore, #tpu.memory_space<semaphore_mem>> -> memref<!tpu.dma_semaphore, #tpu.memory_space<semaphore_mem>>
    %dma_start3A_129 = tpu.memref_slice %arg6[%add3A_124] : memref<6400000xf32, #tpu.memory_space<hbm>> -> memref<8000xf32, #tpu.memory_space<hbm>>
    tpu.enqueue_dma source(%arg17 : memref<8000xf32, #tpu.memory_space<vmem>>) target(%dma_start3A_129 : memref<8000xf32, #tpu.memory_space<hbm>>) target_semaphore(%dma_start3A_128 : memref<!tpu.dma_semaphore, #tpu.memory_space<semaphore_mem>>)
    %add3A_130 = arith.constant 16000 : i32
    %add3A_131 = arith.addi %mul3A_4, %add3A_130 : i32
    %dma_start3A_132 = arith.constant 0 : i32
    %dma_start3A_133 = tpu.memref_slice %arg2[%add3A_131] : memref<6400000xi32, #tpu.memory_space<hbm>> -> memref<8000xi32, #tpu.memory_space<hbm>>
    %dma_start3A_134 = tpu.memref_slice %arg21[%dma_start3A_132] : memref<2x!tpu.dma_semaphore, #tpu.memory_space<semaphore_mem>> -> memref<1x!tpu.dma_semaphore, #tpu.memory_space<semaphore_mem>>
    %dma_start3A_135 = tpu.memref_squeeze %dma_start3A_134 : memref<1x!tpu.dma_semaphore, #tpu.memory_space<semaphore_mem>> -> memref<!tpu.dma_semaphore, #tpu.memory_space<semaphore_mem>>
    %dma_start3A_136 = tpu.memref_slice %arg2[%add3A_131] : memref<6400000xi32, #tpu.memory_space<hbm>> -> memref<8000xi32, #tpu.memory_space<hbm>>
    tpu.enqueue_dma source(%dma_start3A_136 : memref<8000xi32, #tpu.memory_space<hbm>>) target(%arg7 : memref<8000xi32, #tpu.memory_space<vmem>>) target_semaphore(%dma_start3A_135 : memref<!tpu.dma_semaphore, #tpu.memory_space<semaphore_mem>>)
    %dma_start3A_137 = arith.constant 0 : i32
    %dma_start3A_138 = tpu.memref_slice %arg3[%add3A_131] : memref<6400000xi32, #tpu.memory_space<hbm>> -> memref<8000xi32, #tpu.memory_space<hbm>>
    %dma_start3A_139 = tpu.memref_slice %arg21[%dma_start3A_137] : memref<2x!tpu.dma_semaphore, #tpu.memory_space<semaphore_mem>> -> memref<1x!tpu.dma_semaphore, #tpu.memory_space<semaphore_mem>>
    %dma_start3A_140 = tpu.memref_squeeze %dma_start3A_139 : memref<1x!tpu.dma_semaphore, #tpu.memory_space<semaphore_mem>> -> memref<!tpu.dma_semaphore, #tpu.memory_space<semaphore_mem>>
    %dma_start3A_141 = tpu.memref_slice %arg3[%add3A_131] : memref<6400000xi32, #tpu.memory_space<hbm>> -> memref<8000xi32, #tpu.memory_space<hbm>>
    tpu.enqueue_dma source(%dma_start3A_141 : memref<8000xi32, #tpu.memory_space<hbm>>) target(%arg9 : memref<8000xi32, #tpu.memory_space<vmem>>) target_semaphore(%dma_start3A_140 : memref<!tpu.dma_semaphore, #tpu.memory_space<semaphore_mem>>)
    %dma_start3A_142 = arith.constant 0 : i32
    %dma_start3A_143 = tpu.memref_slice %arg4[%add3A_131] : memref<6400000xf32, #tpu.memory_space<hbm>> -> memref<8000xf32, #tpu.memory_space<hbm>>
    %dma_start3A_144 = tpu.memref_slice %arg21[%dma_start3A_142] : memref<2x!tpu.dma_semaphore, #tpu.memory_space<semaphore_mem>> -> memref<1x!tpu.dma_semaphore, #tpu.memory_space<semaphore_mem>>
    %dma_start3A_145 = tpu.memref_squeeze %dma_start3A_144 : memref<1x!tpu.dma_semaphore, #tpu.memory_space<semaphore_mem>> -> memref<!tpu.dma_semaphore, #tpu.memory_space<semaphore_mem>>
    %dma_start3A_146 = tpu.memref_slice %arg4[%add3A_131] : memref<6400000xf32, #tpu.memory_space<hbm>> -> memref<8000xf32, #tpu.memory_space<hbm>>
    tpu.enqueue_dma source(%dma_start3A_146 : memref<8000xf32, #tpu.memory_space<hbm>>) target(%arg11 : memref<8000xf32, #tpu.memory_space<vmem>>) target_semaphore(%dma_start3A_145 : memref<!tpu.dma_semaphore, #tpu.memory_space<semaphore_mem>>)
    %dma_wait3A_147 = arith.constant 1 : i32
    %dma_wait3A_148 = arith.constant 0 : i32
    %dma_wait3A_149 = tpu.memref_slice %arg24[%dma_wait3A_148] : memref<100096xf32, #tpu.memory_space<vmem_shared>> -> memref<100096xf32, #tpu.memory_space<vmem_shared>>
    %dma_wait3A_150 = tpu.memref_slice %arg22[%dma_wait3A_147] : memref<2x!tpu.dma_semaphore, #tpu.memory_space<semaphore_mem>> -> memref<1x!tpu.dma_semaphore, #tpu.memory_space<semaphore_mem>>
    %dma_wait3A_151 = tpu.memref_squeeze %dma_wait3A_150 : memref<1x!tpu.dma_semaphore, #tpu.memory_space<semaphore_mem>> -> memref<!tpu.dma_semaphore, #tpu.memory_space<semaphore_mem>>
    tpu.wait_indirect_dma semaphore(%dma_wait3A_151 : memref<!tpu.dma_semaphore, #tpu.memory_space<semaphore_mem>>) src(%dma_wait3A_149 : memref<100096xf32, #tpu.memory_space<vmem_shared>>) dst(%arg14 : memref<8000xf32, #tpu.memory_space<vmem>>)
    %dma_wait3A_152 = arith.constant 1 : i32
    %dma_wait3A_153 = arith.constant 0 : i32
    %dma_wait3A_154 = tpu.memref_slice %arg25[%dma_wait3A_153] : memref<100096xf32, #tpu.memory_space<vmem_shared>> -> memref<100096xf32, #tpu.memory_space<vmem_shared>>
    %dma_wait3A_155 = tpu.memref_slice %arg22[%dma_wait3A_152] : memref<2x!tpu.dma_semaphore, #tpu.memory_space<semaphore_mem>> -> memref<1x!tpu.dma_semaphore, #tpu.memory_space<semaphore_mem>>
    %dma_wait3A_156 = tpu.memref_squeeze %dma_wait3A_155 : memref<1x!tpu.dma_semaphore, #tpu.memory_space<semaphore_mem>> -> memref<!tpu.dma_semaphore, #tpu.memory_space<semaphore_mem>>
    tpu.wait_indirect_dma semaphore(%dma_wait3A_156 : memref<!tpu.dma_semaphore, #tpu.memory_space<semaphore_mem>>) src(%dma_wait3A_154 : memref<100096xf32, #tpu.memory_space<vmem_shared>>) dst(%arg16 : memref<8000xf32, #tpu.memory_space<vmem>>)
    %add3A_157 = arith.constant 16000 : i32
    %add3A_158 = arith.addi %mul3A_4, %add3A_157 : i32
    %dma_wait3A_159 = arith.constant 0 : i32
    %dma_wait3A_160 = tpu.memref_slice %arg2[%add3A_158] : memref<6400000xi32, #tpu.memory_space<hbm>> -> memref<8000xi32, #tpu.memory_space<hbm>>
    %dma_wait3A_161 = tpu.memref_slice %arg21[%dma_wait3A_159] : memref<2x!tpu.dma_semaphore, #tpu.memory_space<semaphore_mem>> -> memref<1x!tpu.dma_semaphore, #tpu.memory_space<semaphore_mem>>
    %dma_wait3A_162 = tpu.memref_squeeze %dma_wait3A_161 : memref<1x!tpu.dma_semaphore, #tpu.memory_space<semaphore_mem>> -> memref<!tpu.dma_semaphore, #tpu.memory_space<semaphore_mem>>
    %dma_wait3A_163 = tpu.memref_slice %arg2[%add3A_158] : memref<6400000xi32, #tpu.memory_space<hbm>> -> memref<8000xi32, #tpu.memory_space<hbm>>
    tpu.wait_dma2 semaphore(%dma_wait3A_162 : memref<!tpu.dma_semaphore, #tpu.memory_space<semaphore_mem>>) src(%dma_wait3A_163 : memref<8000xi32, #tpu.memory_space<hbm>>) dst(%arg7 : memref<8000xi32, #tpu.memory_space<vmem>>)
    %dma_wait3A_164 = arith.constant 0 : i32
    %dma_wait3A_165 = tpu.memref_slice %arg3[%add3A_158] : memref<6400000xi32, #tpu.memory_space<hbm>> -> memref<8000xi32, #tpu.memory_space<hbm>>
    %dma_wait3A_166 = tpu.memref_slice %arg21[%dma_wait3A_164] : memref<2x!tpu.dma_semaphore, #tpu.memory_space<semaphore_mem>> -> memref<1x!tpu.dma_semaphore, #tpu.memory_space<semaphore_mem>>
    %dma_wait3A_167 = tpu.memref_squeeze %dma_wait3A_166 : memref<1x!tpu.dma_semaphore, #tpu.memory_space<semaphore_mem>> -> memref<!tpu.dma_semaphore, #tpu.memory_space<semaphore_mem>>
    %dma_wait3A_168 = tpu.memref_slice %arg3[%add3A_158] : memref<6400000xi32, #tpu.memory_space<hbm>> -> memref<8000xi32, #tpu.memory_space<hbm>>
    tpu.wait_dma2 semaphore(%dma_wait3A_167 : memref<!tpu.dma_semaphore, #tpu.memory_space<semaphore_mem>>) src(%dma_wait3A_168 : memref<8000xi32, #tpu.memory_space<hbm>>) dst(%arg9 : memref<8000xi32, #tpu.memory_space<vmem>>)
    %dma_wait3A_169 = arith.constant 0 : i32
    %dma_wait3A_170 = tpu.memref_slice %arg4[%add3A_158] : memref<6400000xf32, #tpu.memory_space<hbm>> -> memref<8000xf32, #tpu.memory_space<hbm>>
    %dma_wait3A_171 = tpu.memref_slice %arg21[%dma_wait3A_169] : memref<2x!tpu.dma_semaphore, #tpu.memory_space<semaphore_mem>> -> memref<1x!tpu.dma_semaphore, #tpu.memory_space<semaphore_mem>>
    %dma_wait3A_172 = tpu.memref_squeeze %dma_wait3A_171 : memref<1x!tpu.dma_semaphore, #tpu.memory_space<semaphore_mem>> -> memref<!tpu.dma_semaphore, #tpu.memory_space<semaphore_mem>>
    %dma_wait3A_173 = tpu.memref_slice %arg4[%add3A_158] : memref<6400000xf32, #tpu.memory_space<hbm>> -> memref<8000xf32, #tpu.memory_space<hbm>>
    tpu.wait_dma2 semaphore(%dma_wait3A_172 : memref<!tpu.dma_semaphore, #tpu.memory_space<semaphore_mem>>) src(%dma_wait3A_173 : memref<8000xf32, #tpu.memory_space<hbm>>) dst(%arg11 : memref<8000xf32, #tpu.memory_space<vmem>>)
    %dma_start3A_174 = arith.constant 0 : i32
    %dma_start3A_175 = arith.constant 0 : i32
    %dma_start3A_176 = tpu.memref_slice %arg24[%dma_start3A_175] : memref<100096xf32, #tpu.memory_space<vmem_shared>> -> memref<100096xf32, #tpu.memory_space<vmem_shared>>
    %dma_start3A_177 = tpu.memref_slice %arg22[%dma_start3A_174] : memref<2x!tpu.dma_semaphore, #tpu.memory_space<semaphore_mem>> -> memref<1x!tpu.dma_semaphore, #tpu.memory_space<semaphore_mem>>
    %dma_start3A_178 = tpu.memref_squeeze %dma_start3A_177 : memref<1x!tpu.dma_semaphore, #tpu.memory_space<semaphore_mem>> -> memref<!tpu.dma_semaphore, #tpu.memory_space<semaphore_mem>>
    tpu.enqueue_indirect_dma source(%dma_start3A_176 : memref<100096xf32, #tpu.memory_space<vmem_shared>>) target(%arg13 : memref<8000xf32, #tpu.memory_space<vmem>>) offsets(%arg7 : memref<8000xi32, #tpu.memory_space<vmem>>) semaphore(%dma_start3A_178 : memref<!tpu.dma_semaphore, #tpu.memory_space<semaphore_mem>>)
    %dma_start3A_179 = arith.constant 0 : i32
    %dma_start3A_180 = arith.constant 0 : i32
    %dma_start3A_181 = tpu.memref_slice %arg25[%dma_start3A_180] : memref<100096xf32, #tpu.memory_space<vmem_shared>> -> memref<100096xf32, #tpu.memory_space<vmem_shared>>
    %dma_start3A_182 = tpu.memref_slice %arg22[%dma_start3A_179] : memref<2x!tpu.dma_semaphore, #tpu.memory_space<semaphore_mem>> -> memref<1x!tpu.dma_semaphore, #tpu.memory_space<semaphore_mem>>
    %dma_start3A_183 = tpu.memref_squeeze %dma_start3A_182 : memref<1x!tpu.dma_semaphore, #tpu.memory_space<semaphore_mem>> -> memref<!tpu.dma_semaphore, #tpu.memory_space<semaphore_mem>>
    tpu.enqueue_indirect_dma source(%dma_start3A_181 : memref<100096xf32, #tpu.memory_space<vmem_shared>>) target(%arg15 : memref<8000xf32, #tpu.memory_space<vmem>>) offsets(%arg9 : memref<8000xi32, #tpu.memory_space<vmem>>) semaphore(%dma_start3A_183 : memref<!tpu.dma_semaphore, #tpu.memory_space<semaphore_mem>>)
    %scan3A_184 = arith.constant 0 : i32
    %scan3A_185 = arith.constant 125 : i32
    %scan3A_186 = arith.addi %scan3A_184, %scan3A_185 : i32
    %scan3A_187 = arith.constant 1 : i32
    scf.for %scan3A_390 = %scan3A_184 to %scan3A_186 step %scan3A_187  : i32 {
      %mul3A_391 = arith.constant 4 : i32
      %mul3A_392 = arith.muli %scan3A_390, %mul3A_391 : i32
      %add3A_393 = arith.constant 0 : i32
      %add3A_394 = arith.addi %mul3A_392, %add3A_393 : i32
      %mul3A_395 = arith.constant 16 : i32
      %mul3A_396 = arith.muli %add3A_394, %mul3A_395 : i32
      %get3A = arith.index_cast %mul3A_396 : i32 to index
      %get3A_397 = tpu.vector_load %arg14[%get3A] {strides = array<i32>} : memref<8000xf32, #tpu.memory_space<vmem>>, vector<16xf32>,
      %get3A_398 = vector.shape_cast %get3A_397 : vector<16xf32> to vector<16xf32>
      %get3A_399 = arith.index_cast %mul3A_396 : i32 to index
      %get3A_400 = tpu.vector_load %arg16[%get3A_399] {strides = array<i32>} : memref<8000xf32, #tpu.memory_space<vmem>>, vector<16xf32>,
      %get3A_401 = vector.shape_cast %get3A_400 : vector<16xf32> to vector<16xf32>
      %mul3A_402 = arith.mulf %get3A_398, %get3A_401 : vector<16xf32>
      %get3A_403 = arith.index_cast %mul3A_396 : i32 to index
      %get3A_404 = tpu.vector_load %arg12[%get3A_403] {strides = array<i32>} : memref<8000xf32, #tpu.memory_space<vmem>>, vector<16xf32>,
      %get3A_405 = vector.shape_cast %get3A_404 : vector<16xf32> to vector<16xf32>
      %mul3A_406 = arith.mulf %mul3A_402, %get3A_405 : vector<16xf32>
      %swap3A = arith.index_cast %mul3A_396 : i32 to index
      %swap3A_407 = tpu.vector_load %arg18[%swap3A] {strides = array<i32>} : memref<8000xf32, #tpu.memory_space<vmem>>, vector<16xf32>,
      %swap3A_408 = vector.shape_cast %swap3A_407 : vector<16xf32> to vector<16xf32>
      %swap3A_409 = vector.shape_cast %mul3A_406 : vector<16xf32> to vector<16xf32>
      tpu.vector_store %arg18[%swap3A], %swap3A_409 {strides = array<i32>} : memref<8000xf32, #tpu.memory_space<vmem>>, vector<16xf32>,
      %mul3A_410 = arith.constant 4 : i32
      %mul3A_411 = arith.muli %scan3A_390, %mul3A_410 : i32
      %add3A_412 = arith.constant 1 : i32
      %add3A_413 = arith.addi %mul3A_411, %add3A_412 : i32
      %mul3A_414 = arith.constant 16 : i32
      %mul3A_415 = arith.muli %add3A_413, %mul3A_414 : i32
      %get3A_416 = arith.index_cast %mul3A_415 : i32 to index
      %get3A_417 = tpu.vector_load %arg14[%get3A_416] {strides = array<i32>} : memref<8000xf32, #tpu.memory_space<vmem>>, vector<16xf32>,
      %get3A_418 = vector.shape_cast %get3A_417 : vector<16xf32> to vector<16xf32>
      %get3A_419 = arith.index_cast %mul3A_415 : i32 to index
      %get3A_420 = tpu.vector_load %arg16[%get3A_419] {strides = array<i32>} : memref<8000xf32, #tpu.memory_space<vmem>>, vector<16xf32>,
      %get3A_421 = vector.shape_cast %get3A_420 : vector<16xf32> to vector<16xf32>
      %mul3A_422 = arith.mulf %get3A_418, %get3A_421 : vector<16xf32>
      %get3A_423 = arith.index_cast %mul3A_415 : i32 to index
      %get3A_424 = tpu.vector_load %arg12[%get3A_423] {strides = array<i32>} : memref<8000xf32, #tpu.memory_space<vmem>>, vector<16xf32>,
      %get3A_425 = vector.shape_cast %get3A_424 : vector<16xf32> to vector<16xf32>
      %mul3A_426 = arith.mulf %mul3A_422, %get3A_425 : vector<16xf32>
      %swap3A_427 = arith.index_cast %mul3A_415 : i32 to index
      %swap3A_428 = tpu.vector_load %arg18[%swap3A_427] {strides = array<i32>} : memref<8000xf32, #tpu.memory_space<vmem>>, vector<16xf32>,
      %swap3A_429 = vector.shape_cast %swap3A_428 : vector<16xf32> to vector<16xf32>
      %swap3A_430 = vector.shape_cast %mul3A_426 : vector<16xf32> to vector<16xf32>
      tpu.vector_store %arg18[%swap3A_427], %swap3A_430 {strides = array<i32>} : memref<8000xf32, #tpu.memory_space<vmem>>, vector<16xf32>,
      %mul3A_431 = arith.constant 4 : i32
      %mul3A_432 = arith.muli %scan3A_390, %mul3A_431 : i32
      %add3A_433 = arith.constant 2 : i32
      %add3A_434 = arith.addi %mul3A_432, %add3A_433 : i32
      %mul3A_435 = arith.constant 16 : i32
      %mul3A_436 = arith.muli %add3A_434, %mul3A_435 : i32
      %get3A_437 = arith.index_cast %mul3A_436 : i32 to index
      %get3A_438 = tpu.vector_load %arg14[%get3A_437] {strides = array<i32>} : memref<8000xf32, #tpu.memory_space<vmem>>, vector<16xf32>,
      %get3A_439 = vector.shape_cast %get3A_438 : vector<16xf32> to vector<16xf32>
      %get3A_440 = arith.index_cast %mul3A_436 : i32 to index
      %get3A_441 = tpu.vector_load %arg16[%get3A_440] {strides = array<i32>} : memref<8000xf32, #tpu.memory_space<vmem>>, vector<16xf32>,
      %get3A_442 = vector.shape_cast %get3A_441 : vector<16xf32> to vector<16xf32>
      %mul3A_443 = arith.mulf %get3A_439, %get3A_442 : vector<16xf32>
      %get3A_444 = arith.index_cast %mul3A_436 : i32 to index
      %get3A_445 = tpu.vector_load %arg12[%get3A_444] {strides = array<i32>} : memref<8000xf32, #tpu.memory_space<vmem>>, vector<16xf32>,
      %get3A_446 = vector.shape_cast %get3A_445 : vector<16xf32> to vector<16xf32>
      %mul3A_447 = arith.mulf %mul3A_443, %get3A_446 : vector<16xf32>
      %swap3A_448 = arith.index_cast %mul3A_436 : i32 to index
      %swap3A_449 = tpu.vector_load %arg18[%swap3A_448] {strides = array<i32>} : memref<8000xf32, #tpu.memory_space<vmem>>, vector<16xf32>,
      %swap3A_450 = vector.shape_cast %swap3A_449 : vector<16xf32> to vector<16xf32>
      %swap3A_451 = vector.shape_cast %mul3A_447 : vector<16xf32> to vector<16xf32>
      tpu.vector_store %arg18[%swap3A_448], %swap3A_451 {strides = array<i32>} : memref<8000xf32, #tpu.memory_space<vmem>>, vector<16xf32>,
      %mul3A_452 = arith.constant 4 : i32
      %mul3A_453 = arith.muli %scan3A_390, %mul3A_452 : i32
      %add3A_454 = arith.constant 3 : i32
      %add3A_455 = arith.addi %mul3A_453, %add3A_454 : i32
      %mul3A_456 = arith.constant 16 : i32
      %mul3A_457 = arith.muli %add3A_455, %mul3A_456 : i32
      %get3A_458 = arith.index_cast %mul3A_457 : i32 to index
      %get3A_459 = tpu.vector_load %arg14[%get3A_458] {strides = array<i32>} : memref<8000xf32, #tpu.memory_space<vmem>>, vector<16xf32>,
      %get3A_460 = vector.shape_cast %get3A_459 : vector<16xf32> to vector<16xf32>
      %get3A_461 = arith.index_cast %mul3A_457 : i32 to index
      %get3A_462 = tpu.vector_load %arg16[%get3A_461] {strides = array<i32>} : memref<8000xf32, #tpu.memory_space<vmem>>, vector<16xf32>,
      %get3A_463 = vector.shape_cast %get3A_462 : vector<16xf32> to vector<16xf32>
      %mul3A_464 = arith.mulf %get3A_460, %get3A_463 : vector<16xf32>
      %get3A_465 = arith.index_cast %mul3A_457 : i32 to index
      %get3A_466 = tpu.vector_load %arg12[%get3A_465] {strides = array<i32>} : memref<8000xf32, #tpu.memory_space<vmem>>, vector<16xf32>,
      %get3A_467 = vector.shape_cast %get3A_466 : vector<16xf32> to vector<16xf32>
      %mul3A_468 = arith.mulf %mul3A_464, %get3A_467 : vector<16xf32>
      %swap3A_469 = arith.index_cast %mul3A_457 : i32 to index
      %swap3A_470 = tpu.vector_load %arg18[%swap3A_469] {strides = array<i32>} : memref<8000xf32, #tpu.memory_space<vmem>>, vector<16xf32>,
      %swap3A_471 = vector.shape_cast %swap3A_470 : vector<16xf32> to vector<16xf32>
      %swap3A_472 = vector.shape_cast %mul3A_468 : vector<16xf32> to vector<16xf32>
      tpu.vector_store %arg18[%swap3A_469], %swap3A_472 {strides = array<i32>} : memref<8000xf32, #tpu.memory_space<vmem>>, vector<16xf32>,
    }
    %scan3A_188 = arith.constant 125 : i32
    %add3A_189 = arith.constant 8000 : i32
    %add3A_190 = arith.addi %mul3A_4, %add3A_189 : i32
    %dma_start3A_191 = arith.constant 1 : i32
    %dma_start3A_192 = tpu.memref_slice %arg6[%add3A_190] : memref<6400000xf32, #tpu.memory_space<hbm>> -> memref<8000xf32, #tpu.memory_space<hbm>>
    %dma_start3A_193 = tpu.memref_slice %arg23[%dma_start3A_191] : memref<2x!tpu.dma_semaphore, #tpu.memory_space<semaphore_mem>> -> memref<1x!tpu.dma_semaphore, #tpu.memory_space<semaphore_mem>>
    %dma_start3A_194 = tpu.memref_squeeze %dma_start3A_193 : memref<1x!tpu.dma_semaphore, #tpu.memory_space<semaphore_mem>> -> memref<!tpu.dma_semaphore, #tpu.memory_space<semaphore_mem>>
    %dma_start3A_195 = tpu.memref_slice %arg6[%add3A_190] : memref<6400000xf32, #tpu.memory_space<hbm>> -> memref<8000xf32, #tpu.memory_space<hbm>>
    tpu.enqueue_dma source(%arg18 : memref<8000xf32, #tpu.memory_space<vmem>>) target(%dma_start3A_195 : memref<8000xf32, #tpu.memory_space<hbm>>) target_semaphore(%dma_start3A_194 : memref<!tpu.dma_semaphore, #tpu.memory_space<semaphore_mem>>)
    %add3A_196 = arith.constant 24000 : i32
    %add3A_197 = arith.addi %mul3A_4, %add3A_196 : i32
    %dma_start3A_198 = arith.constant 1 : i32
    %dma_start3A_199 = tpu.memref_slice %arg2[%add3A_197] : memref<6400000xi32, #tpu.memory_space<hbm>> -> memref<8000xi32, #tpu.memory_space<hbm>>
    %dma_start3A_200 = tpu.memref_slice %arg21[%dma_start3A_198] : memref<2x!tpu.dma_semaphore, #tpu.memory_space<semaphore_mem>> -> memref<1x!tpu.dma_semaphore, #tpu.memory_space<semaphore_mem>>
    %dma_start3A_201 = tpu.memref_squeeze %dma_start3A_200 : memref<1x!tpu.dma_semaphore, #tpu.memory_space<semaphore_mem>> -> memref<!tpu.dma_semaphore, #tpu.memory_space<semaphore_mem>>
    %dma_start3A_202 = tpu.memref_slice %arg2[%add3A_197] : memref<6400000xi32, #tpu.memory_space<hbm>> -> memref<8000xi32, #tpu.memory_space<hbm>>
    tpu.enqueue_dma source(%dma_start3A_202 : memref<8000xi32, #tpu.memory_space<hbm>>) target(%arg8 : memref<8000xi32, #tpu.memory_space<vmem>>) target_semaphore(%dma_start3A_201 : memref<!tpu.dma_semaphore, #tpu.memory_space<semaphore_mem>>)
    %dma_start3A_203 = arith.constant 1 : i32
    %dma_start3A_204 = tpu.memref_slice %arg3[%add3A_197] : memref<6400000xi32, #tpu.memory_space<hbm>> -> memref<8000xi32, #tpu.memory_space<hbm>>
    %dma_start3A_205 = tpu.memref_slice %arg21[%dma_start3A_203] : memref<2x!tpu.dma_semaphore, #tpu.memory_space<semaphore_mem>> -> memref<1x!tpu.dma_semaphore, #tpu.memory_space<semaphore_mem>>
    %dma_start3A_206 = tpu.memref_squeeze %dma_start3A_205 : memref<1x!tpu.dma_semaphore, #tpu.memory_space<semaphore_mem>> -> memref<!tpu.dma_semaphore, #tpu.memory_space<semaphore_mem>>
    %dma_start3A_207 = tpu.memref_slice %arg3[%add3A_197] : memref<6400000xi32, #tpu.memory_space<hbm>> -> memref<8000xi32, #tpu.memory_space<hbm>>
    tpu.enqueue_dma source(%dma_start3A_207 : memref<8000xi32, #tpu.memory_space<hbm>>) target(%arg10 : memref<8000xi32, #tpu.memory_space<vmem>>) target_semaphore(%dma_start3A_206 : memref<!tpu.dma_semaphore, #tpu.memory_space<semaphore_mem>>)
    %dma_start3A_208 = arith.constant 1 : i32
    %dma_start3A_209 = tpu.memref_slice %arg4[%add3A_197] : memref<6400000xf32, #tpu.memory_space<hbm>> -> memref<8000xf32, #tpu.memory_space<hbm>>
    %dma_start3A_210 = tpu.memref_slice %arg21[%dma_start3A_208] : memref<2x!tpu.dma_semaphore, #tpu.memory_space<semaphore_mem>> -> memref<1x!tpu.dma_semaphore, #tpu.memory_space<semaphore_mem>>
    %dma_start3A_211 = tpu.memref_squeeze %dma_start3A_210 : memref<1x!tpu.dma_semaphore, #tpu.memory_space<semaphore_mem>> -> memref<!tpu.dma_semaphore, #tpu.memory_space<semaphore_mem>>
    %dma_start3A_212 = tpu.memref_slice %arg4[%add3A_197] : memref<6400000xf32, #tpu.memory_space<hbm>> -> memref<8000xf32, #tpu.memory_space<hbm>>
    tpu.enqueue_dma source(%dma_start3A_212 : memref<8000xf32, #tpu.memory_space<hbm>>) target(%arg12 : memref<8000xf32, #tpu.memory_space<vmem>>) target_semaphore(%dma_start3A_211 : memref<!tpu.dma_semaphore, #tpu.memory_space<semaphore_mem>>)
    %scan3A_213 = arith.constant 0 : i32
    %scan3A_214 = arith.constant 10 : i32
    %scan3A_215 = arith.addi %scan3A_213, %scan3A_214 : i32
    %scan3A_216 = arith.constant 1 : i32
    scf.for %scan3A_390 = %scan3A_213 to %scan3A_215 step %scan3A_216  : i32 {
      %mul3A_391 = arith.constant 2 : i32
      %mul3A_392 = arith.muli %mul3A_391, %scan3A_390 : i32
      %add3A_393 = arith.constant 2 : i32
      %add3A_394 = arith.addi %mul3A_392, %add3A_393 : i32
      %dma_wait3A_395 = arith.constant 0 : i32
      %dma_wait3A_396 = arith.constant 0 : i32
      %dma_wait3A_397 = tpu.memref_slice %arg24[%dma_wait3A_396] : memref<100096xf32, #tpu.memory_space<vmem_shared>> -> memref<100096xf32, #tpu.memory_space<vmem_shared>>
      %dma_wait3A_398 = tpu.memref_slice %arg22[%dma_wait3A_395] : memref<2x!tpu.dma_semaphore, #tpu.memory_space<semaphore_mem>> -> memref<1x!tpu.dma_semaphore, #tpu.memory_space<semaphore_mem>>
      %dma_wait3A_399 = tpu.memref_squeeze %dma_wait3A_398 : memref<1x!tpu.dma_semaphore, #tpu.memory_space<semaphore_mem>> -> memref<!tpu.dma_semaphore, #tpu.memory_space<semaphore_mem>>
      tpu.wait_indirect_dma semaphore(%dma_wait3A_399 : memref<!tpu.dma_semaphore, #tpu.memory_space<semaphore_mem>>) src(%dma_wait3A_397 : memref<100096xf32, #tpu.memory_space<vmem_shared>>) dst(%arg13 : memref<8000xf32, #tpu.memory_space<vmem>>)
      %dma_wait3A_400 = arith.constant 0 : i32
      %dma_wait3A_401 = arith.constant 0 : i32
      %dma_wait3A_402 = tpu.memref_slice %arg25[%dma_wait3A_401] : memref<100096xf32, #tpu.memory_space<vmem_shared>> -> memref<100096xf32, #tpu.memory_space<vmem_shared>>
      %dma_wait3A_403 = tpu.memref_slice %arg22[%dma_wait3A_400] : memref<2x!tpu.dma_semaphore, #tpu.memory_space<semaphore_mem>> -> memref<1x!tpu.dma_semaphore, #tpu.memory_space<semaphore_mem>>
      %dma_wait3A_404 = tpu.memref_squeeze %dma_wait3A_403 : memref<1x!tpu.dma_semaphore, #tpu.memory_space<semaphore_mem>> -> memref<!tpu.dma_semaphore, #tpu.memory_space<semaphore_mem>>
      tpu.wait_indirect_dma semaphore(%dma_wait3A_404 : memref<!tpu.dma_semaphore, #tpu.memory_space<semaphore_mem>>) src(%dma_wait3A_402 : memref<100096xf32, #tpu.memory_space<vmem_shared>>) dst(%arg15 : memref<8000xf32, #tpu.memory_space<vmem>>)
      %sub3A = arith.constant 2 : i32
      %sub3A_405 = arith.subi %add3A_394, %sub3A : i32
      %mul3A_406 = arith.constant 8000 : i32
      %mul3A_407 = arith.muli %sub3A_405, %mul3A_406 : i32
      %add3A_408 = arith.addi %mul3A_4, %mul3A_407 : i32
      %dma_wait3A_409 = arith.constant 0 : i32
      %dma_wait3A_410 = tpu.memref_slice %arg6[%add3A_408] : memref<6400000xf32, #tpu.memory_space<hbm>> -> memref<8000xf32, #tpu.memory_space<hbm>>
      %dma_wait3A_411 = tpu.memref_slice %arg23[%dma_wait3A_409] : memref<2x!tpu.dma_semaphore, #tpu.memory_space<semaphore_mem>> -> memref<1x!tpu.dma_semaphore, #tpu.memory_space<semaphore_mem>>
      %dma_wait3A_412 = tpu.memref_squeeze %dma_wait3A_411 : memref<1x!tpu.dma_semaphore, #tpu.memory_space<semaphore_mem>> -> memref<!tpu.dma_semaphore, #tpu.memory_space<semaphore_mem>>
      %dma_wait3A_413 = tpu.memref_slice %arg6[%add3A_408] : memref<6400000xf32, #tpu.memory_space<hbm>> -> memref<8000xf32, #tpu.memory_space<hbm>>
      tpu.wait_dma2 semaphore(%dma_wait3A_412 : memref<!tpu.dma_semaphore, #tpu.memory_space<semaphore_mem>>) src(%arg17 : memref<8000xf32, #tpu.memory_space<vmem>>) dst(%dma_wait3A_413 : memref<8000xf32, #tpu.memory_space<hbm>>)
      %add3A_414 = arith.constant 1 : i32
      %add3A_415 = arith.addi %add3A_394, %add3A_414 : i32
      %mul3A_416 = arith.constant 8000 : i32
      %mul3A_417 = arith.muli %add3A_415, %mul3A_416 : i32
      %add3A_418 = arith.addi %mul3A_4, %mul3A_417 : i32
      %dma_wait3A_419 = arith.constant 1 : i32
      %dma_wait3A_420 = tpu.memref_slice %arg2[%add3A_418] : memref<6400000xi32, #tpu.memory_space<hbm>> -> memref<8000xi32, #tpu.memory_space<hbm>>
      %dma_wait3A_421 = tpu.memref_slice %arg21[%dma_wait3A_419] : memref<2x!tpu.dma_semaphore, #tpu.memory_space<semaphore_mem>> -> memref<1x!tpu.dma_semaphore, #tpu.memory_space<semaphore_mem>>
      %dma_wait3A_422 = tpu.memref_squeeze %dma_wait3A_421 : memref<1x!tpu.dma_semaphore, #tpu.memory_space<semaphore_mem>> -> memref<!tpu.dma_semaphore, #tpu.memory_space<semaphore_mem>>
      %dma_wait3A_423 = tpu.memref_slice %arg2[%add3A_418] : memref<6400000xi32, #tpu.memory_space<hbm>> -> memref<8000xi32, #tpu.memory_space<hbm>>
      tpu.wait_dma2 semaphore(%dma_wait3A_422 : memref<!tpu.dma_semaphore, #tpu.memory_space<semaphore_mem>>) src(%dma_wait3A_423 : memref<8000xi32, #tpu.memory_space<hbm>>) dst(%arg8 : memref<8000xi32, #tpu.memory_space<vmem>>)
      %dma_wait3A_424 = arith.constant 1 : i32
      %dma_wait3A_425 = tpu.memref_slice %arg3[%add3A_418] : memref<6400000xi32, #tpu.memory_space<hbm>> -> memref<8000xi32, #tpu.memory_space<hbm>>
      %dma_wait3A_426 = tpu.memref_slice %arg21[%dma_wait3A_424] : memref<2x!tpu.dma_semaphore, #tpu.memory_space<semaphore_mem>> -> memref<1x!tpu.dma_semaphore, #tpu.memory_space<semaphore_mem>>
      %dma_wait3A_427 = tpu.memref_squeeze %dma_wait3A_426 : memref<1x!tpu.dma_semaphore, #tpu.memory_space<semaphore_mem>> -> memref<!tpu.dma_semaphore, #tpu.memory_space<semaphore_mem>>
      %dma_wait3A_428 = tpu.memref_slice %arg3[%add3A_418] : memref<6400000xi32, #tpu.memory_space<hbm>> -> memref<8000xi32, #tpu.memory_space<hbm>>
      tpu.wait_dma2 semaphore(%dma_wait3A_427 : memref<!tpu.dma_semaphore, #tpu.memory_space<semaphore_mem>>) src(%dma_wait3A_428 : memref<8000xi32, #tpu.memory_space<hbm>>) dst(%arg10 : memref<8000xi32, #tpu.memory_space<vmem>>)
      %dma_wait3A_429 = arith.constant 1 : i32
      %dma_wait3A_430 = tpu.memref_slice %arg4[%add3A_418] : memref<6400000xf32, #tpu.memory_space<hbm>> -> memref<8000xf32, #tpu.memory_space<hbm>>
      %dma_wait3A_431 = tpu.memref_slice %arg21[%dma_wait3A_429] : memref<2x!tpu.dma_semaphore, #tpu.memory_space<semaphore_mem>> -> memref<1x!tpu.dma_semaphore, #tpu.memory_space<semaphore_mem>>
      %dma_wait3A_432 = tpu.memref_squeeze %dma_wait3A_431 : memref<1x!tpu.dma_semaphore, #tpu.memory_space<semaphore_mem>> -> memref<!tpu.dma_semaphore, #tpu.memory_space<semaphore_mem>>
      %dma_wait3A_433 = tpu.memref_slice %arg4[%add3A_418] : memref<6400000xf32, #tpu.memory_space<hbm>> -> memref<8000xf32, #tpu.memory_space<hbm>>
      tpu.wait_dma2 semaphore(%dma_wait3A_432 : memref<!tpu.dma_semaphore, #tpu.memory_space<semaphore_mem>>) src(%dma_wait3A_433 : memref<8000xf32, #tpu.memory_space<hbm>>) dst(%arg12 : memref<8000xf32, #tpu.memory_space<vmem>>)
      %dma_start3A_434 = arith.constant 1 : i32
      %dma_start3A_435 = arith.constant 0 : i32
      %dma_start3A_436 = tpu.memref_slice %arg24[%dma_start3A_435] : memref<100096xf32, #tpu.memory_space<vmem_shared>> -> memref<100096xf32, #tpu.memory_space<vmem_shared>>
      %dma_start3A_437 = tpu.memref_slice %arg22[%dma_start3A_434] : memref<2x!tpu.dma_semaphore, #tpu.memory_space<semaphore_mem>> -> memref<1x!tpu.dma_semaphore, #tpu.memory_space<semaphore_mem>>
      %dma_start3A_438 = tpu.memref_squeeze %dma_start3A_437 : memref<1x!tpu.dma_semaphore, #tpu.memory_space<semaphore_mem>> -> memref<!tpu.dma_semaphore, #tpu.memory_space<semaphore_mem>>
      tpu.enqueue_indirect_dma source(%dma_start3A_436 : memref<100096xf32, #tpu.memory_space<vmem_shared>>) target(%arg14 : memref<8000xf32, #tpu.memory_space<vmem>>) offsets(%arg8 : memref<8000xi32, #tpu.memory_space<vmem>>) semaphore(%dma_start3A_438 : memref<!tpu.dma_semaphore, #tpu.memory_space<semaphore_mem>>)
      %dma_start3A_439 = arith.constant 1 : i32
      %dma_start3A_440 = arith.constant 0 : i32
      %dma_start3A_441 = tpu.memref_slice %arg25[%dma_start3A_440] : memref<100096xf32, #tpu.memory_space<vmem_shared>> -> memref<100096xf32, #tpu.memory_space<vmem_shared>>
      %dma_start3A_442 = tpu.memref_slice %arg22[%dma_start3A_439] : memref<2x!tpu.dma_semaphore, #tpu.memory_space<semaphore_mem>> -> memref<1x!tpu.dma_semaphore, #tpu.memory_space<semaphore_mem>>
      %dma_start3A_443 = tpu.memref_squeeze %dma_start3A_442 : memref<1x!tpu.dma_semaphore, #tpu.memory_space<semaphore_mem>> -> memref<!tpu.dma_semaphore, #tpu.memory_space<semaphore_mem>>
      tpu.enqueue_indirect_dma source(%dma_start3A_441 : memref<100096xf32, #tpu.memory_space<vmem_shared>>) target(%arg16 : memref<8000xf32, #tpu.memory_space<vmem>>) offsets(%arg10 : memref<8000xi32, #tpu.memory_space<vmem>>) semaphore(%dma_start3A_443 : memref<!tpu.dma_semaphore, #tpu.memory_space<semaphore_mem>>)
      %scan3A_444 = arith.constant 0 : i32
      %scan3A_445 = arith.constant 125 : i32
      %scan3A_446 = arith.addi %scan3A_444, %scan3A_445 : i32
      %scan3A_447 = arith.constant 1 : i32
      scf.for %scan3A_564 = %scan3A_444 to %scan3A_446 step %scan3A_447  : i32 {
        %mul3A_565 = arith.constant 4 : i32
        %mul3A_566 = arith.muli %scan3A_564, %mul3A_565 : i32
        %add3A_567 = arith.constant 0 : i32
        %add3A_568 = arith.addi %mul3A_566, %add3A_567 : i32
        %mul3A_569 = arith.constant 16 : i32
        %mul3A_570 = arith.muli %add3A_568, %mul3A_569 : i32
        %get3A = arith.index_cast %mul3A_570 : i32 to index
        %get3A_571 = tpu.vector_load %arg13[%get3A] {strides = array<i32>} : memref<8000xf32, #tpu.memory_space<vmem>>, vector<16xf32>,
        %get3A_572 = vector.shape_cast %get3A_571 : vector<16xf32> to vector<16xf32>
        %get3A_573 = arith.index_cast %mul3A_570 : i32 to index
        %get3A_574 = tpu.vector_load %arg15[%get3A_573] {strides = array<i32>} : memref<8000xf32, #tpu.memory_space<vmem>>, vector<16xf32>,
        %get3A_575 = vector.shape_cast %get3A_574 : vector<16xf32> to vector<16xf32>
        %mul3A_576 = arith.mulf %get3A_572, %get3A_575 : vector<16xf32>
        %get3A_577 = arith.index_cast %mul3A_570 : i32 to index
        %get3A_578 = tpu.vector_load %arg11[%get3A_577] {strides = array<i32>} : memref<8000xf32, #tpu.memory_space<vmem>>, vector<16xf32>,
        %get3A_579 = vector.shape_cast %get3A_578 : vector<16xf32> to vector<16xf32>
        %mul3A_580 = arith.mulf %mul3A_576, %get3A_579 : vector<16xf32>
        %swap3A = arith.index_cast %mul3A_570 : i32 to index
        %swap3A_581 = tpu.vector_load %arg17[%swap3A] {strides = array<i32>} : memref<8000xf32, #tpu.memory_space<vmem>>, vector<16xf32>,
        %swap3A_582 = vector.shape_cast %swap3A_581 : vector<16xf32> to vector<16xf32>
        %swap3A_583 = vector.shape_cast %mul3A_580 : vector<16xf32> to vector<16xf32>
        tpu.vector_store %arg17[%swap3A], %swap3A_583 {strides = array<i32>} : memref<8000xf32, #tpu.memory_space<vmem>>, vector<16xf32>,
        %mul3A_584 = arith.constant 4 : i32
        %mul3A_585 = arith.muli %scan3A_564, %mul3A_584 : i32
        %add3A_586 = arith.constant 1 : i32
        %add3A_587 = arith.addi %mul3A_585, %add3A_586 : i32
        %mul3A_588 = arith.constant 16 : i32
        %mul3A_589 = arith.muli %add3A_587, %mul3A_588 : i32
        %get3A_590 = arith.index_cast %mul3A_589 : i32 to index
        %get3A_591 = tpu.vector_load %arg13[%get3A_590] {strides = array<i32>} : memref<8000xf32, #tpu.memory_space<vmem>>, vector<16xf32>,
        %get3A_592 = vector.shape_cast %get3A_591 : vector<16xf32> to vector<16xf32>
        %get3A_593 = arith.index_cast %mul3A_589 : i32 to index
        %get3A_594 = tpu.vector_load %arg15[%get3A_593] {strides = array<i32>} : memref<8000xf32, #tpu.memory_space<vmem>>, vector<16xf32>,
        %get3A_595 = vector.shape_cast %get3A_594 : vector<16xf32> to vector<16xf32>
        %mul3A_596 = arith.mulf %get3A_592, %get3A_595 : vector<16xf32>
        %get3A_597 = arith.index_cast %mul3A_589 : i32 to index
        %get3A_598 = tpu.vector_load %arg11[%get3A_597] {strides = array<i32>} : memref<8000xf32, #tpu.memory_space<vmem>>, vector<16xf32>,
        %get3A_599 = vector.shape_cast %get3A_598 : vector<16xf32> to vector<16xf32>
        %mul3A_600 = arith.mulf %mul3A_596, %get3A_599 : vector<16xf32>
        %swap3A_601 = arith.index_cast %mul3A_589 : i32 to index
        %swap3A_602 = tpu.vector_load %arg17[%swap3A_601] {strides = array<i32>} : memref<8000xf32, #tpu.memory_space<vmem>>, vector<16xf32>,
        %swap3A_603 = vector.shape_cast %swap3A_602 : vector<16xf32> to vector<16xf32>
        %swap3A_604 = vector.shape_cast %mul3A_600 : vector<16xf32> to vector<16xf32>
        tpu.vector_store %arg17[%swap3A_601], %swap3A_604 {strides = array<i32>} : memref<8000xf32, #tpu.memory_space<vmem>>, vector<16xf32>,
        %mul3A_605 = arith.constant 4 : i32
        %mul3A_606 = arith.muli %scan3A_564, %mul3A_605 : i32
        %add3A_607 = arith.constant 2 : i32
        %add3A_608 = arith.addi %mul3A_606, %add3A_607 : i32
        %mul3A_609 = arith.constant 16 : i32
        %mul3A_610 = arith.muli %add3A_608, %mul3A_609 : i32
        %get3A_611 = arith.index_cast %mul3A_610 : i32 to index
        %get3A_612 = tpu.vector_load %arg13[%get3A_611] {strides = array<i32>} : memref<8000xf32, #tpu.memory_space<vmem>>, vector<16xf32>,
        %get3A_613 = vector.shape_cast %get3A_612 : vector<16xf32> to vector<16xf32>
        %get3A_614 = arith.index_cast %mul3A_610 : i32 to index
        %get3A_615 = tpu.vector_load %arg15[%get3A_614] {strides = array<i32>} : memref<8000xf32, #tpu.memory_space<vmem>>, vector<16xf32>,
        %get3A_616 = vector.shape_cast %get3A_615 : vector<16xf32> to vector<16xf32>
        %mul3A_617 = arith.mulf %get3A_613, %get3A_616 : vector<16xf32>
        %get3A_618 = arith.index_cast %mul3A_610 : i32 to index
        %get3A_619 = tpu.vector_load %arg11[%get3A_618] {strides = array<i32>} : memref<8000xf32, #tpu.memory_space<vmem>>, vector<16xf32>,
        %get3A_620 = vector.shape_cast %get3A_619 : vector<16xf32> to vector<16xf32>
        %mul3A_621 = arith.mulf %mul3A_617, %get3A_620 : vector<16xf32>
        %swap3A_622 = arith.index_cast %mul3A_610 : i32 to index
        %swap3A_623 = tpu.vector_load %arg17[%swap3A_622] {strides = array<i32>} : memref<8000xf32, #tpu.memory_space<vmem>>, vector<16xf32>,
        %swap3A_624 = vector.shape_cast %swap3A_623 : vector<16xf32> to vector<16xf32>
        %swap3A_625 = vector.shape_cast %mul3A_621 : vector<16xf32> to vector<16xf32>
        tpu.vector_store %arg17[%swap3A_622], %swap3A_625 {strides = array<i32>} : memref<8000xf32, #tpu.memory_space<vmem>>, vector<16xf32>,
        %mul3A_626 = arith.constant 4 : i32
        %mul3A_627 = arith.muli %scan3A_564, %mul3A_626 : i32
        %add3A_628 = arith.constant 3 : i32
        %add3A_629 = arith.addi %mul3A_627, %add3A_628 : i32
        %mul3A_630 = arith.constant 16 : i32
        %mul3A_631 = arith.muli %add3A_629, %mul3A_630 : i32
        %get3A_632 = arith.index_cast %mul3A_631 : i32 to index
        %get3A_633 = tpu.vector_load %arg13[%get3A_632] {strides = array<i32>} : memref<8000xf32, #tpu.memory_space<vmem>>, vector<16xf32>,
        %get3A_634 = vector.shape_cast %get3A_633 : vector<16xf32> to vector<16xf32>
        %get3A_635 = arith.index_cast %mul3A_631 : i32 to index
        %get3A_636 = tpu.vector_load %arg15[%get3A_635] {strides = array<i32>} : memref<8000xf32, #tpu.memory_space<vmem>>, vector<16xf32>,
        %get3A_637 = vector.shape_cast %get3A_636 : vector<16xf32> to vector<16xf32>
        %mul3A_638 = arith.mulf %get3A_634, %get3A_637 : vector<16xf32>
        %get3A_639 = arith.index_cast %mul3A_631 : i32 to index
        %get3A_640 = tpu.vector_load %arg11[%get3A_639] {strides = array<i32>} : memref<8000xf32, #tpu.memory_space<vmem>>, vector<16xf32>,
        %get3A_641 = vector.shape_cast %get3A_640 : vector<16xf32> to vector<16xf32>
        %mul3A_642 = arith.mulf %mul3A_638, %get3A_641 : vector<16xf32>
        %swap3A_643 = arith.index_cast %mul3A_631 : i32 to index
        %swap3A_644 = tpu.vector_load %arg17[%swap3A_643] {strides = array<i32>} : memref<8000xf32, #tpu.memory_space<vmem>>, vector<16xf32>,
        %swap3A_645 = vector.shape_cast %swap3A_644 : vector<16xf32> to vector<16xf32>
        %swap3A_646 = vector.shape_cast %mul3A_642 : vector<16xf32> to vector<16xf32>
        tpu.vector_store %arg17[%swap3A_643], %swap3A_646 {strides = array<i32>} : memref<8000xf32, #tpu.memory_space<vmem>>, vector<16xf32>,
      }
      %scan3A_448 = arith.constant 125 : i32
      %mul3A_449 = arith.constant 8000 : i32
      %mul3A_450 = arith.muli %add3A_394, %mul3A_449 : i32
      %add3A_451 = arith.addi %mul3A_4, %mul3A_450 : i32
      %dma_start3A_452 = arith.constant 0 : i32
      %dma_start3A_453 = tpu.memref_slice %arg6[%add3A_451] : memref<6400000xf32, #tpu.memory_space<hbm>> -> memref<8000xf32, #tpu.memory_space<hbm>>
      %dma_start3A_454 = tpu.memref_slice %arg23[%dma_start3A_452] : memref<2x!tpu.dma_semaphore, #tpu.memory_space<semaphore_mem>> -> memref<1x!tpu.dma_semaphore, #tpu.memory_space<semaphore_mem>>
      %dma_start3A_455 = tpu.memref_squeeze %dma_start3A_454 : memref<1x!tpu.dma_semaphore, #tpu.memory_space<semaphore_mem>> -> memref<!tpu.dma_semaphore, #tpu.memory_space<semaphore_mem>>
      %dma_start3A_456 = tpu.memref_slice %arg6[%add3A_451] : memref<6400000xf32, #tpu.memory_space<hbm>> -> memref<8000xf32, #tpu.memory_space<hbm>>
      tpu.enqueue_dma source(%arg17 : memref<8000xf32, #tpu.memory_space<vmem>>) target(%dma_start3A_456 : memref<8000xf32, #tpu.memory_space<hbm>>) target_semaphore(%dma_start3A_455 : memref<!tpu.dma_semaphore, #tpu.memory_space<semaphore_mem>>)
      %add3A_457 = arith.constant 2 : i32
      %add3A_458 = arith.addi %add3A_394, %add3A_457 : i32
      %mul3A_459 = arith.constant 8000 : i32
      %mul3A_460 = arith.muli %add3A_458, %mul3A_459 : i32
      %add3A_461 = arith.addi %mul3A_4, %mul3A_460 : i32
      %dma_start3A_462 = arith.constant 0 : i32
      %dma_start3A_463 = tpu.memref_slice %arg2[%add3A_461] : memref<6400000xi32, #tpu.memory_space<hbm>> -> memref<8000xi32, #tpu.memory_space<hbm>>
      %dma_start3A_464 = tpu.memref_slice %arg21[%dma_start3A_462] : memref<2x!tpu.dma_semaphore, #tpu.memory_space<semaphore_mem>> -> memref<1x!tpu.dma_semaphore, #tpu.memory_space<semaphore_mem>>
      %dma_start3A_465 = tpu.memref_squeeze %dma_start3A_464 : memref<1x!tpu.dma_semaphore, #tpu.memory_space<semaphore_mem>> -> memref<!tpu.dma_semaphore, #tpu.memory_space<semaphore_mem>>
      %dma_start3A_466 = tpu.memref_slice %arg2[%add3A_461] : memref<6400000xi32, #tpu.memory_space<hbm>> -> memref<8000xi32, #tpu.memory_space<hbm>>
      tpu.enqueue_dma source(%dma_start3A_466 : memref<8000xi32, #tpu.memory_space<hbm>>) target(%arg7 : memref<8000xi32, #tpu.memory_space<vmem>>) target_semaphore(%dma_start3A_465 : memref<!tpu.dma_semaphore, #tpu.memory_space<semaphore_mem>>)
      %dma_start3A_467 = arith.constant 0 : i32
      %dma_start3A_468 = tpu.memref_slice %arg3[%add3A_461] : memref<6400000xi32, #tpu.memory_space<hbm>> -> memref<8000xi32, #tpu.memory_space<hbm>>
      %dma_start3A_469 = tpu.memref_slice %arg21[%dma_start3A_467] : memref<2x!tpu.dma_semaphore, #tpu.memory_space<semaphore_mem>> -> memref<1x!tpu.dma_semaphore, #tpu.memory_space<semaphore_mem>>
      %dma_start3A_470 = tpu.memref_squeeze %dma_start3A_469 : memref<1x!tpu.dma_semaphore, #tpu.memory_space<semaphore_mem>> -> memref<!tpu.dma_semaphore, #tpu.memory_space<semaphore_mem>>
      %dma_start3A_471 = tpu.memref_slice %arg3[%add3A_461] : memref<6400000xi32, #tpu.memory_space<hbm>> -> memref<8000xi32, #tpu.memory_space<hbm>>
      tpu.enqueue_dma source(%dma_start3A_471 : memref<8000xi32, #tpu.memory_space<hbm>>) target(%arg9 : memref<8000xi32, #tpu.memory_space<vmem>>) target_semaphore(%dma_start3A_470 : memref<!tpu.dma_semaphore, #tpu.memory_space<semaphore_mem>>)
      %dma_start3A_472 = arith.constant 0 : i32
      %dma_start3A_473 = tpu.memref_slice %arg4[%add3A_461] : memref<6400000xf32, #tpu.memory_space<hbm>> -> memref<8000xf32, #tpu.memory_space<hbm>>
      %dma_start3A_474 = tpu.memref_slice %arg21[%dma_start3A_472] : memref<2x!tpu.dma_semaphore, #tpu.memory_space<semaphore_mem>> -> memref<1x!tpu.dma_semaphore, #tpu.memory_space<semaphore_mem>>
      %dma_start3A_475 = tpu.memref_squeeze %dma_start3A_474 : memref<1x!tpu.dma_semaphore, #tpu.memory_space<semaphore_mem>> -> memref<!tpu.dma_semaphore, #tpu.memory_space<semaphore_mem>>
      %dma_start3A_476 = tpu.memref_slice %arg4[%add3A_461] : memref<6400000xf32, #tpu.memory_space<hbm>> -> memref<8000xf32, #tpu.memory_space<hbm>>
      tpu.enqueue_dma source(%dma_start3A_476 : memref<8000xf32, #tpu.memory_space<hbm>>) target(%arg11 : memref<8000xf32, #tpu.memory_space<vmem>>) target_semaphore(%dma_start3A_475 : memref<!tpu.dma_semaphore, #tpu.memory_space<semaphore_mem>>)
      %mul3A_477 = arith.constant 2 : i32
      %mul3A_478 = arith.muli %mul3A_477, %scan3A_390 : i32
      %add3A_479 = arith.constant 3 : i32
      %add3A_480 = arith.addi %mul3A_478, %add3A_479 : i32
      %dma_wait3A_481 = arith.constant 1 : i32
      %dma_wait3A_482 = arith.constant 0 : i32
      %dma_wait3A_483 = tpu.memref_slice %arg24[%dma_wait3A_482] : memref<100096xf32, #tpu.memory_space<vmem_shared>> -> memref<100096xf32, #tpu.memory_space<vmem_shared>>
      %dma_wait3A_484 = tpu.memref_slice %arg22[%dma_wait3A_481] : memref<2x!tpu.dma_semaphore, #tpu.memory_space<semaphore_mem>> -> memref<1x!tpu.dma_semaphore, #tpu.memory_space<semaphore_mem>>
      %dma_wait3A_485 = tpu.memref_squeeze %dma_wait3A_484 : memref<1x!tpu.dma_semaphore, #tpu.memory_space<semaphore_mem>> -> memref<!tpu.dma_semaphore, #tpu.memory_space<semaphore_mem>>
      tpu.wait_indirect_dma semaphore(%dma_wait3A_485 : memref<!tpu.dma_semaphore, #tpu.memory_space<semaphore_mem>>) src(%dma_wait3A_483 : memref<100096xf32, #tpu.memory_space<vmem_shared>>) dst(%arg14 : memref<8000xf32, #tpu.memory_space<vmem>>)
      %dma_wait3A_486 = arith.constant 1 : i32
      %dma_wait3A_487 = arith.constant 0 : i32
      %dma_wait3A_488 = tpu.memref_slice %arg25[%dma_wait3A_487] : memref<100096xf32, #tpu.memory_space<vmem_shared>> -> memref<100096xf32, #tpu.memory_space<vmem_shared>>
      %dma_wait3A_489 = tpu.memref_slice %arg22[%dma_wait3A_486] : memref<2x!tpu.dma_semaphore, #tpu.memory_space<semaphore_mem>> -> memref<1x!tpu.dma_semaphore, #tpu.memory_space<semaphore_mem>>
      %dma_wait3A_490 = tpu.memref_squeeze %dma_wait3A_489 : memref<1x!tpu.dma_semaphore, #tpu.memory_space<semaphore_mem>> -> memref<!tpu.dma_semaphore, #tpu.memory_space<semaphore_mem>>
      tpu.wait_indirect_dma semaphore(%dma_wait3A_490 : memref<!tpu.dma_semaphore, #tpu.memory_space<semaphore_mem>>) src(%dma_wait3A_488 : memref<100096xf32, #tpu.memory_space<vmem_shared>>) dst(%arg16 : memref<8000xf32, #tpu.memory_space<vmem>>)
      %sub3A_491 = arith.constant 2 : i32
      %sub3A_492 = arith.subi %add3A_480, %sub3A_491 : i32
      %mul3A_493 = arith.constant 8000 : i32
      %mul3A_494 = arith.muli %sub3A_492, %mul3A_493 : i32
      %add3A_495 = arith.addi %mul3A_4, %mul3A_494 : i32
      %dma_wait3A_496 = arith.constant 1 : i32
      %dma_wait3A_497 = tpu.memref_slice %arg6[%add3A_495] : memref<6400000xf32, #tpu.memory_space<hbm>> -> memref<8000xf32, #tpu.memory_space<hbm>>
      %dma_wait3A_498 = tpu.memref_slice %arg23[%dma_wait3A_496] : memref<2x!tpu.dma_semaphore, #tpu.memory_space<semaphore_mem>> -> memref<1x!tpu.dma_semaphore, #tpu.memory_space<semaphore_mem>>
      %dma_wait3A_499 = tpu.memref_squeeze %dma_wait3A_498 : memref<1x!tpu.dma_semaphore, #tpu.memory_space<semaphore_mem>> -> memref<!tpu.dma_semaphore, #tpu.memory_space<semaphore_mem>>
      %dma_wait3A_500 = tpu.memref_slice %arg6[%add3A_495] : memref<6400000xf32, #tpu.memory_space<hbm>> -> memref<8000xf32, #tpu.memory_space<hbm>>
      tpu.wait_dma2 semaphore(%dma_wait3A_499 : memref<!tpu.dma_semaphore, #tpu.memory_space<semaphore_mem>>) src(%arg18 : memref<8000xf32, #tpu.memory_space<vmem>>) dst(%dma_wait3A_500 : memref<8000xf32, #tpu.memory_space<hbm>>)
      %add3A_501 = arith.constant 1 : i32
      %add3A_502 = arith.addi %add3A_480, %add3A_501 : i32
      %mul3A_503 = arith.constant 8000 : i32
      %mul3A_504 = arith.muli %add3A_502, %mul3A_503 : i32
      %add3A_505 = arith.addi %mul3A_4, %mul3A_504 : i32
      %dma_wait3A_506 = arith.constant 0 : i32
      %dma_wait3A_507 = tpu.memref_slice %arg2[%add3A_505] : memref<6400000xi32, #tpu.memory_space<hbm>> -> memref<8000xi32, #tpu.memory_space<hbm>>
      %dma_wait3A_508 = tpu.memref_slice %arg21[%dma_wait3A_506] : memref<2x!tpu.dma_semaphore, #tpu.memory_space<semaphore_mem>> -> memref<1x!tpu.dma_semaphore, #tpu.memory_space<semaphore_mem>>
      %dma_wait3A_509 = tpu.memref_squeeze %dma_wait3A_508 : memref<1x!tpu.dma_semaphore, #tpu.memory_space<semaphore_mem>> -> memref<!tpu.dma_semaphore, #tpu.memory_space<semaphore_mem>>
      %dma_wait3A_510 = tpu.memref_slice %arg2[%add3A_505] : memref<6400000xi32, #tpu.memory_space<hbm>> -> memref<8000xi32, #tpu.memory_space<hbm>>
      tpu.wait_dma2 semaphore(%dma_wait3A_509 : memref<!tpu.dma_semaphore, #tpu.memory_space<semaphore_mem>>) src(%dma_wait3A_510 : memref<8000xi32, #tpu.memory_space<hbm>>) dst(%arg7 : memref<8000xi32, #tpu.memory_space<vmem>>)
      %dma_wait3A_511 = arith.constant 0 : i32
      %dma_wait3A_512 = tpu.memref_slice %arg3[%add3A_505] : memref<6400000xi32, #tpu.memory_space<hbm>> -> memref<8000xi32, #tpu.memory_space<hbm>>
      %dma_wait3A_513 = tpu.memref_slice %arg21[%dma_wait3A_511] : memref<2x!tpu.dma_semaphore, #tpu.memory_space<semaphore_mem>> -> memref<1x!tpu.dma_semaphore, #tpu.memory_space<semaphore_mem>>
      %dma_wait3A_514 = tpu.memref_squeeze %dma_wait3A_513 : memref<1x!tpu.dma_semaphore, #tpu.memory_space<semaphore_mem>> -> memref<!tpu.dma_semaphore, #tpu.memory_space<semaphore_mem>>
      %dma_wait3A_515 = tpu.memref_slice %arg3[%add3A_505] : memref<6400000xi32, #tpu.memory_space<hbm>> -> memref<8000xi32, #tpu.memory_space<hbm>>
      tpu.wait_dma2 semaphore(%dma_wait3A_514 : memref<!tpu.dma_semaphore, #tpu.memory_space<semaphore_mem>>) src(%dma_wait3A_515 : memref<8000xi32, #tpu.memory_space<hbm>>) dst(%arg9 : memref<8000xi32, #tpu.memory_space<vmem>>)
      %dma_wait3A_516 = arith.constant 0 : i32
      %dma_wait3A_517 = tpu.memref_slice %arg4[%add3A_505] : memref<6400000xf32, #tpu.memory_space<hbm>> -> memref<8000xf32, #tpu.memory_space<hbm>>
      %dma_wait3A_518 = tpu.memref_slice %arg21[%dma_wait3A_516] : memref<2x!tpu.dma_semaphore, #tpu.memory_space<semaphore_mem>> -> memref<1x!tpu.dma_semaphore, #tpu.memory_space<semaphore_mem>>
      %dma_wait3A_519 = tpu.memref_squeeze %dma_wait3A_518 : memref<1x!tpu.dma_semaphore, #tpu.memory_space<semaphore_mem>> -> memref<!tpu.dma_semaphore, #tpu.memory_space<semaphore_mem>>
      %dma_wait3A_520 = tpu.memref_slice %arg4[%add3A_505] : memref<6400000xf32, #tpu.memory_space<hbm>> -> memref<8000xf32, #tpu.memory_space<hbm>>
      tpu.wait_dma2 semaphore(%dma_wait3A_519 : memref<!tpu.dma_semaphore, #tpu.memory_space<semaphore_mem>>) src(%dma_wait3A_520 : memref<8000xf32, #tpu.memory_space<hbm>>) dst(%arg11 : memref<8000xf32, #tpu.memory_space<vmem>>)
      %dma_start3A_521 = arith.constant 0 : i32
      %dma_start3A_522 = arith.constant 0 : i32
      %dma_start3A_523 = tpu.memref_slice %arg24[%dma_start3A_522] : memref<100096xf32, #tpu.memory_space<vmem_shared>> -> memref<100096xf32, #tpu.memory_space<vmem_shared>>
      %dma_start3A_524 = tpu.memref_slice %arg22[%dma_start3A_521] : memref<2x!tpu.dma_semaphore, #tpu.memory_space<semaphore_mem>> -> memref<1x!tpu.dma_semaphore, #tpu.memory_space<semaphore_mem>>
      %dma_start3A_525 = tpu.memref_squeeze %dma_start3A_524 : memref<1x!tpu.dma_semaphore, #tpu.memory_space<semaphore_mem>> -> memref<!tpu.dma_semaphore, #tpu.memory_space<semaphore_mem>>
      tpu.enqueue_indirect_dma source(%dma_start3A_523 : memref<100096xf32, #tpu.memory_space<vmem_shared>>) target(%arg13 : memref<8000xf32, #tpu.memory_space<vmem>>) offsets(%arg7 : memref<8000xi32, #tpu.memory_space<vmem>>) semaphore(%dma_start3A_525 : memref<!tpu.dma_semaphore, #tpu.memory_space<semaphore_mem>>)
      %dma_start3A_526 = arith.constant 0 : i32
      %dma_start3A_527 = arith.constant 0 : i32
      %dma_start3A_528 = tpu.memref_slice %arg25[%dma_start3A_527] : memref<100096xf32, #tpu.memory_space<vmem_shared>> -> memref<100096xf32, #tpu.memory_space<vmem_shared>>
      %dma_start3A_529 = tpu.memref_slice %arg22[%dma_start3A_526] : memref<2x!tpu.dma_semaphore, #tpu.memory_space<semaphore_mem>> -> memref<1x!tpu.dma_semaphore, #tpu.memory_space<semaphore_mem>>
      %dma_start3A_530 = tpu.memref_squeeze %dma_start3A_529 : memref<1x!tpu.dma_semaphore, #tpu.memory_space<semaphore_mem>> -> memref<!tpu.dma_semaphore, #tpu.memory_space<semaphore_mem>>
      tpu.enqueue_indirect_dma source(%dma_start3A_528 : memref<100096xf32, #tpu.memory_space<vmem_shared>>) target(%arg15 : memref<8000xf32, #tpu.memory_space<vmem>>) offsets(%arg9 : memref<8000xi32, #tpu.memory_space<vmem>>) semaphore(%dma_start3A_530 : memref<!tpu.dma_semaphore, #tpu.memory_space<semaphore_mem>>)
      %scan3A_531 = arith.constant 0 : i32
      %scan3A_532 = arith.constant 125 : i32
      %scan3A_533 = arith.addi %scan3A_531, %scan3A_532 : i32
      %scan3A_534 = arith.constant 1 : i32
      scf.for %scan3A_564 = %scan3A_531 to %scan3A_533 step %scan3A_534  : i32 {
        %mul3A_565 = arith.constant 4 : i32
        %mul3A_566 = arith.muli %scan3A_564, %mul3A_565 : i32
        %add3A_567 = arith.constant 0 : i32
        %add3A_568 = arith.addi %mul3A_566, %add3A_567 : i32
        %mul3A_569 = arith.constant 16 : i32
        %mul3A_570 = arith.muli %add3A_568, %mul3A_569 : i32
        %get3A = arith.index_cast %mul3A_570 : i32 to index
        %get3A_571 = tpu.vector_load %arg14[%get3A] {strides = array<i32>} : memref<8000xf32, #tpu.memory_space<vmem>>, vector<16xf32>,
        %get3A_572 = vector.shape_cast %get3A_571 : vector<16xf32> to vector<16xf32>
        %get3A_573 = arith.index_cast %mul3A_570 : i32 to index
        %get3A_574 = tpu.vector_load %arg16[%get3A_573] {strides = array<i32>} : memref<8000xf32, #tpu.memory_space<vmem>>, vector<16xf32>,
        %get3A_575 = vector.shape_cast %get3A_574 : vector<16xf32> to vector<16xf32>
        %mul3A_576 = arith.mulf %get3A_572, %get3A_575 : vector<16xf32>
        %get3A_577 = arith.index_cast %mul3A_570 : i32 to index
        %get3A_578 = tpu.vector_load %arg12[%get3A_577] {strides = array<i32>} : memref<8000xf32, #tpu.memory_space<vmem>>, vector<16xf32>,
        %get3A_579 = vector.shape_cast %get3A_578 : vector<16xf32> to vector<16xf32>
        %mul3A_580 = arith.mulf %mul3A_576, %get3A_579 : vector<16xf32>
        %swap3A = arith.index_cast %mul3A_570 : i32 to index
        %swap3A_581 = tpu.vector_load %arg18[%swap3A] {strides = array<i32>} : memref<8000xf32, #tpu.memory_space<vmem>>, vector<16xf32>,
        %swap3A_582 = vector.shape_cast %swap3A_581 : vector<16xf32> to vector<16xf32>
        %swap3A_583 = vector.shape_cast %mul3A_580 : vector<16xf32> to vector<16xf32>
        tpu.vector_store %arg18[%swap3A], %swap3A_583 {strides = array<i32>} : memref<8000xf32, #tpu.memory_space<vmem>>, vector<16xf32>,
        %mul3A_584 = arith.constant 4 : i32
        %mul3A_585 = arith.muli %scan3A_564, %mul3A_584 : i32
        %add3A_586 = arith.constant 1 : i32
        %add3A_587 = arith.addi %mul3A_585, %add3A_586 : i32
        %mul3A_588 = arith.constant 16 : i32
        %mul3A_589 = arith.muli %add3A_587, %mul3A_588 : i32
        %get3A_590 = arith.index_cast %mul3A_589 : i32 to index
        %get3A_591 = tpu.vector_load %arg14[%get3A_590] {strides = array<i32>} : memref<8000xf32, #tpu.memory_space<vmem>>, vector<16xf32>,
        %get3A_592 = vector.shape_cast %get3A_591 : vector<16xf32> to vector<16xf32>
        %get3A_593 = arith.index_cast %mul3A_589 : i32 to index
        %get3A_594 = tpu.vector_load %arg16[%get3A_593] {strides = array<i32>} : memref<8000xf32, #tpu.memory_space<vmem>>, vector<16xf32>,
        %get3A_595 = vector.shape_cast %get3A_594 : vector<16xf32> to vector<16xf32>
        %mul3A_596 = arith.mulf %get3A_592, %get3A_595 : vector<16xf32>
        %get3A_597 = arith.index_cast %mul3A_589 : i32 to index
        %get3A_598 = tpu.vector_load %arg12[%get3A_597] {strides = array<i32>} : memref<8000xf32, #tpu.memory_space<vmem>>, vector<16xf32>,
        %get3A_599 = vector.shape_cast %get3A_598 : vector<16xf32> to vector<16xf32>
        %mul3A_600 = arith.mulf %mul3A_596, %get3A_599 : vector<16xf32>
        %swap3A_601 = arith.index_cast %mul3A_589 : i32 to index
        %swap3A_602 = tpu.vector_load %arg18[%swap3A_601] {strides = array<i32>} : memref<8000xf32, #tpu.memory_space<vmem>>, vector<16xf32>,
        %swap3A_603 = vector.shape_cast %swap3A_602 : vector<16xf32> to vector<16xf32>
        %swap3A_604 = vector.shape_cast %mul3A_600 : vector<16xf32> to vector<16xf32>
        tpu.vector_store %arg18[%swap3A_601], %swap3A_604 {strides = array<i32>} : memref<8000xf32, #tpu.memory_space<vmem>>, vector<16xf32>,
        %mul3A_605 = arith.constant 4 : i32
        %mul3A_606 = arith.muli %scan3A_564, %mul3A_605 : i32
        %add3A_607 = arith.constant 2 : i32
        %add3A_608 = arith.addi %mul3A_606, %add3A_607 : i32
        %mul3A_609 = arith.constant 16 : i32
        %mul3A_610 = arith.muli %add3A_608, %mul3A_609 : i32
        %get3A_611 = arith.index_cast %mul3A_610 : i32 to index
        %get3A_612 = tpu.vector_load %arg14[%get3A_611] {strides = array<i32>} : memref<8000xf32, #tpu.memory_space<vmem>>, vector<16xf32>,
        %get3A_613 = vector.shape_cast %get3A_612 : vector<16xf32> to vector<16xf32>
        %get3A_614 = arith.index_cast %mul3A_610 : i32 to index
        %get3A_615 = tpu.vector_load %arg16[%get3A_614] {strides = array<i32>} : memref<8000xf32, #tpu.memory_space<vmem>>, vector<16xf32>,
        %get3A_616 = vector.shape_cast %get3A_615 : vector<16xf32> to vector<16xf32>
        %mul3A_617 = arith.mulf %get3A_613, %get3A_616 : vector<16xf32>
        %get3A_618 = arith.index_cast %mul3A_610 : i32 to index
        %get3A_619 = tpu.vector_load %arg12[%get3A_618] {strides = array<i32>} : memref<8000xf32, #tpu.memory_space<vmem>>, vector<16xf32>,
        %get3A_620 = vector.shape_cast %get3A_619 : vector<16xf32> to vector<16xf32>
        %mul3A_621 = arith.mulf %mul3A_617, %get3A_620 : vector<16xf32>
        %swap3A_622 = arith.index_cast %mul3A_610 : i32 to index
        %swap3A_623 = tpu.vector_load %arg18[%swap3A_622] {strides = array<i32>} : memref<8000xf32, #tpu.memory_space<vmem>>, vector<16xf32>,
        %swap3A_624 = vector.shape_cast %swap3A_623 : vector<16xf32> to vector<16xf32>
        %swap3A_625 = vector.shape_cast %mul3A_621 : vector<16xf32> to vector<16xf32>
        tpu.vector_store %arg18[%swap3A_622], %swap3A_625 {strides = array<i32>} : memref<8000xf32, #tpu.memory_space<vmem>>, vector<16xf32>,
        %mul3A_626 = arith.constant 4 : i32
        %mul3A_627 = arith.muli %scan3A_564, %mul3A_626 : i32
        %add3A_628 = arith.constant 3 : i32
        %add3A_629 = arith.addi %mul3A_627, %add3A_628 : i32
        %mul3A_630 = arith.constant 16 : i32
        %mul3A_631 = arith.muli %add3A_629, %mul3A_630 : i32
        %get3A_632 = arith.index_cast %mul3A_631 : i32 to index
        %get3A_633 = tpu.vector_load %arg14[%get3A_632] {strides = array<i32>} : memref<8000xf32, #tpu.memory_space<vmem>>, vector<16xf32>,
        %get3A_634 = vector.shape_cast %get3A_633 : vector<16xf32> to vector<16xf32>
        %get3A_635 = arith.index_cast %mul3A_631 : i32 to index
        %get3A_636 = tpu.vector_load %arg16[%get3A_635] {strides = array<i32>} : memref<8000xf32, #tpu.memory_space<vmem>>, vector<16xf32>,
        %get3A_637 = vector.shape_cast %get3A_636 : vector<16xf32> to vector<16xf32>
        %mul3A_638 = arith.mulf %get3A_634, %get3A_637 : vector<16xf32>
        %get3A_639 = arith.index_cast %mul3A_631 : i32 to index
        %get3A_640 = tpu.vector_load %arg12[%get3A_639] {strides = array<i32>} : memref<8000xf32, #tpu.memory_space<vmem>>, vector<16xf32>,
        %get3A_641 = vector.shape_cast %get3A_640 : vector<16xf32> to vector<16xf32>
        %mul3A_642 = arith.mulf %mul3A_638, %get3A_641 : vector<16xf32>
        %swap3A_643 = arith.index_cast %mul3A_631 : i32 to index
        %swap3A_644 = tpu.vector_load %arg18[%swap3A_643] {strides = array<i32>} : memref<8000xf32, #tpu.memory_space<vmem>>, vector<16xf32>,
        %swap3A_645 = vector.shape_cast %swap3A_644 : vector<16xf32> to vector<16xf32>
        %swap3A_646 = vector.shape_cast %mul3A_642 : vector<16xf32> to vector<16xf32>
        tpu.vector_store %arg18[%swap3A_643], %swap3A_646 {strides = array<i32>} : memref<8000xf32, #tpu.memory_space<vmem>>, vector<16xf32>,
      }
      %scan3A_535 = arith.constant 125 : i32
      %mul3A_536 = arith.constant 8000 : i32
      %mul3A_537 = arith.muli %add3A_480, %mul3A_536 : i32
      %add3A_538 = arith.addi %mul3A_4, %mul3A_537 : i32
      %dma_start3A_539 = arith.constant 1 : i32
      %dma_start3A_540 = tpu.memref_slice %arg6[%add3A_538] : memref<6400000xf32, #tpu.memory_space<hbm>> -> memref<8000xf32, #tpu.memory_space<hbm>>
      %dma_start3A_541 = tpu.memref_slice %arg23[%dma_start3A_539] : memref<2x!tpu.dma_semaphore, #tpu.memory_space<semaphore_mem>> -> memref<1x!tpu.dma_semaphore, #tpu.memory_space<semaphore_mem>>
      %dma_start3A_542 = tpu.memref_squeeze %dma_start3A_541 : memref<1x!tpu.dma_semaphore, #tpu.memory_space<semaphore_mem>> -> memref<!tpu.dma_semaphore, #tpu.memory_space<semaphore_mem>>
      %dma_start3A_543 = tpu.memref_slice %arg6[%add3A_538] : memref<6400000xf32, #tpu.memory_space<hbm>> -> memref<8000xf32, #tpu.memory_space<hbm>>
      tpu.enqueue_dma source(%arg18 : memref<8000xf32, #tpu.memory_space<vmem>>) target(%dma_start3A_543 : memref<8000xf32, #tpu.memory_space<hbm>>) target_semaphore(%dma_start3A_542 : memref<!tpu.dma_semaphore, #tpu.memory_space<semaphore_mem>>)
      %add3A_544 = arith.constant 2 : i32
      %add3A_545 = arith.addi %add3A_480, %add3A_544 : i32
      %mul3A_546 = arith.constant 8000 : i32
      %mul3A_547 = arith.muli %add3A_545, %mul3A_546 : i32
      %add3A_548 = arith.addi %mul3A_4, %mul3A_547 : i32
      %dma_start3A_549 = arith.constant 1 : i32
      %dma_start3A_550 = tpu.memref_slice %arg2[%add3A_548] : memref<6400000xi32, #tpu.memory_space<hbm>> -> memref<8000xi32, #tpu.memory_space<hbm>>
      %dma_start3A_551 = tpu.memref_slice %arg21[%dma_start3A_549] : memref<2x!tpu.dma_semaphore, #tpu.memory_space<semaphore_mem>> -> memref<1x!tpu.dma_semaphore, #tpu.memory_space<semaphore_mem>>
      %dma_start3A_552 = tpu.memref_squeeze %dma_start3A_551 : memref<1x!tpu.dma_semaphore, #tpu.memory_space<semaphore_mem>> -> memref<!tpu.dma_semaphore, #tpu.memory_space<semaphore_mem>>
      %dma_start3A_553 = tpu.memref_slice %arg2[%add3A_548] : memref<6400000xi32, #tpu.memory_space<hbm>> -> memref<8000xi32, #tpu.memory_space<hbm>>
      tpu.enqueue_dma source(%dma_start3A_553 : memref<8000xi32, #tpu.memory_space<hbm>>) target(%arg8 : memref<8000xi32, #tpu.memory_space<vmem>>) target_semaphore(%dma_start3A_552 : memref<!tpu.dma_semaphore, #tpu.memory_space<semaphore_mem>>)
      %dma_start3A_554 = arith.constant 1 : i32
      %dma_start3A_555 = tpu.memref_slice %arg3[%add3A_548] : memref<6400000xi32, #tpu.memory_space<hbm>> -> memref<8000xi32, #tpu.memory_space<hbm>>
      %dma_start3A_556 = tpu.memref_slice %arg21[%dma_start3A_554] : memref<2x!tpu.dma_semaphore, #tpu.memory_space<semaphore_mem>> -> memref<1x!tpu.dma_semaphore, #tpu.memory_space<semaphore_mem>>
      %dma_start3A_557 = tpu.memref_squeeze %dma_start3A_556 : memref<1x!tpu.dma_semaphore, #tpu.memory_space<semaphore_mem>> -> memref<!tpu.dma_semaphore, #tpu.memory_space<semaphore_mem>>
      %dma_start3A_558 = tpu.memref_slice %arg3[%add3A_548] : memref<6400000xi32, #tpu.memory_space<hbm>> -> memref<8000xi32, #tpu.memory_space<hbm>>
      tpu.enqueue_dma source(%dma_start3A_558 : memref<8000xi32, #tpu.memory_space<hbm>>) target(%arg10 : memref<8000xi32, #tpu.memory_space<vmem>>) target_semaphore(%dma_start3A_557 : memref<!tpu.dma_semaphore, #tpu.memory_space<semaphore_mem>>)
      %dma_start3A_559 = arith.constant 1 : i32
      %dma_start3A_560 = tpu.memref_slice %arg4[%add3A_548] : memref<6400000xf32, #tpu.memory_space<hbm>> -> memref<8000xf32, #tpu.memory_space<hbm>>
      %dma_start3A_561 = tpu.memref_slice %arg21[%dma_start3A_559] : memref<2x!tpu.dma_semaphore, #tpu.memory_space<semaphore_mem>> -> memref<1x!tpu.dma_semaphore, #tpu.memory_space<semaphore_mem>>
      %dma_start3A_562 = tpu.memref_squeeze %dma_start3A_561 : memref<1x!tpu.dma_semaphore, #tpu.memory_space<semaphore_mem>> -> memref<!tpu.dma_semaphore, #tpu.memory_space<semaphore_mem>>
      %dma_start3A_563 = tpu.memref_slice %arg4[%add3A_548] : memref<6400000xf32, #tpu.memory_space<hbm>> -> memref<8000xf32, #tpu.memory_space<hbm>>
      tpu.enqueue_dma source(%dma_start3A_563 : memref<8000xf32, #tpu.memory_space<hbm>>) target(%arg12 : memref<8000xf32, #tpu.memory_space<vmem>>) target_semaphore(%dma_start3A_562 : memref<!tpu.dma_semaphore, #tpu.memory_space<semaphore_mem>>)
    }
    %scan3A_217 = arith.constant 10 : i32
    %dma_wait3A_218 = arith.constant 0 : i32
    %dma_wait3A_219 = arith.constant 0 : i32
    %dma_wait3A_220 = tpu.memref_slice %arg24[%dma_wait3A_219] : memref<100096xf32, #tpu.memory_space<vmem_shared>> -> memref<100096xf32, #tpu.memory_space<vmem_shared>>
    %dma_wait3A_221 = tpu.memref_slice %arg22[%dma_wait3A_218] : memref<2x!tpu.dma_semaphore, #tpu.memory_space<semaphore_mem>> -> memref<1x!tpu.dma_semaphore, #tpu.memory_space<semaphore_mem>>
    %dma_wait3A_222 = tpu.memref_squeeze %dma_wait3A_221 : memref<1x!tpu.dma_semaphore, #tpu.memory_space<semaphore_mem>> -> memref<!tpu.dma_semaphore, #tpu.memory_space<semaphore_mem>>
    tpu.wait_indirect_dma semaphore(%dma_wait3A_222 : memref<!tpu.dma_semaphore, #tpu.memory_space<semaphore_mem>>) src(%dma_wait3A_220 : memref<100096xf32, #tpu.memory_space<vmem_shared>>) dst(%arg13 : memref<8000xf32, #tpu.memory_space<vmem>>)
    %dma_wait3A_223 = arith.constant 0 : i32
    %dma_wait3A_224 = arith.constant 0 : i32
    %dma_wait3A_225 = tpu.memref_slice %arg25[%dma_wait3A_224] : memref<100096xf32, #tpu.memory_space<vmem_shared>> -> memref<100096xf32, #tpu.memory_space<vmem_shared>>
    %dma_wait3A_226 = tpu.memref_slice %arg22[%dma_wait3A_223] : memref<2x!tpu.dma_semaphore, #tpu.memory_space<semaphore_mem>> -> memref<1x!tpu.dma_semaphore, #tpu.memory_space<semaphore_mem>>
    %dma_wait3A_227 = tpu.memref_squeeze %dma_wait3A_226 : memref<1x!tpu.dma_semaphore, #tpu.memory_space<semaphore_mem>> -> memref<!tpu.dma_semaphore, #tpu.memory_space<semaphore_mem>>
    tpu.wait_indirect_dma semaphore(%dma_wait3A_227 : memref<!tpu.dma_semaphore, #tpu.memory_space<semaphore_mem>>) src(%dma_wait3A_225 : memref<100096xf32, #tpu.memory_space<vmem_shared>>) dst(%arg15 : memref<8000xf32, #tpu.memory_space<vmem>>)
    %add3A_228 = arith.constant 160000 : i32
    %add3A_229 = arith.addi %mul3A_4, %add3A_228 : i32
    %dma_wait3A_230 = arith.constant 0 : i32
    %dma_wait3A_231 = tpu.memref_slice %arg6[%add3A_229] : memref<6400000xf32, #tpu.memory_space<hbm>> -> memref<8000xf32, #tpu.memory_space<hbm>>
    %dma_wait3A_232 = tpu.memref_slice %arg23[%dma_wait3A_230] : memref<2x!tpu.dma_semaphore, #tpu.memory_space<semaphore_mem>> -> memref<1x!tpu.dma_semaphore, #tpu.memory_space<semaphore_mem>>
    %dma_wait3A_233 = tpu.memref_squeeze %dma_wait3A_232 : memref<1x!tpu.dma_semaphore, #tpu.memory_space<semaphore_mem>> -> memref<!tpu.dma_semaphore, #tpu.memory_space<semaphore_mem>>
    %dma_wait3A_234 = tpu.memref_slice %arg6[%add3A_229] : memref<6400000xf32, #tpu.memory_space<hbm>> -> memref<8000xf32, #tpu.memory_space<hbm>>
    tpu.wait_dma2 semaphore(%dma_wait3A_233 : memref<!tpu.dma_semaphore, #tpu.memory_space<semaphore_mem>>) src(%arg17 : memref<8000xf32, #tpu.memory_space<vmem>>) dst(%dma_wait3A_234 : memref<8000xf32, #tpu.memory_space<hbm>>)
    %add3A_235 = arith.constant 184000 : i32
    %add3A_236 = arith.addi %mul3A_4, %add3A_235 : i32
    %dma_wait3A_237 = arith.constant 1 : i32
    %dma_wait3A_238 = tpu.memref_slice %arg2[%add3A_236] : memref<6400000xi32, #tpu.memory_space<hbm>> -> memref<8000xi32, #tpu.memory_space<hbm>>
    %dma_wait3A_239 = tpu.memref_slice %arg21[%dma_wait3A_237] : memref<2x!tpu.dma_semaphore, #tpu.memory_space<semaphore_mem>> -> memref<1x!tpu.dma_semaphore, #tpu.memory_space<semaphore_mem>>
    %dma_wait3A_240 = tpu.memref_squeeze %dma_wait3A_239 : memref<1x!tpu.dma_semaphore, #tpu.memory_space<semaphore_mem>> -> memref<!tpu.dma_semaphore, #tpu.memory_space<semaphore_mem>>
    %dma_wait3A_241 = tpu.memref_slice %arg2[%add3A_236] : memref<6400000xi32, #tpu.memory_space<hbm>> -> memref<8000xi32, #tpu.memory_space<hbm>>
    tpu.wait_dma2 semaphore(%dma_wait3A_240 : memref<!tpu.dma_semaphore, #tpu.memory_space<semaphore_mem>>) src(%dma_wait3A_241 : memref<8000xi32, #tpu.memory_space<hbm>>) dst(%arg8 : memref<8000xi32, #tpu.memory_space<vmem>>)
    %dma_wait3A_242 = arith.constant 1 : i32
    %dma_wait3A_243 = tpu.memref_slice %arg3[%add3A_236] : memref<6400000xi32, #tpu.memory_space<hbm>> -> memref<8000xi32, #tpu.memory_space<hbm>>
    %dma_wait3A_244 = tpu.memref_slice %arg21[%dma_wait3A_242] : memref<2x!tpu.dma_semaphore, #tpu.memory_space<semaphore_mem>> -> memref<1x!tpu.dma_semaphore, #tpu.memory_space<semaphore_mem>>
    %dma_wait3A_245 = tpu.memref_squeeze %dma_wait3A_244 : memref<1x!tpu.dma_semaphore, #tpu.memory_space<semaphore_mem>> -> memref<!tpu.dma_semaphore, #tpu.memory_space<semaphore_mem>>
    %dma_wait3A_246 = tpu.memref_slice %arg3[%add3A_236] : memref<6400000xi32, #tpu.memory_space<hbm>> -> memref<8000xi32, #tpu.memory_space<hbm>>
    tpu.wait_dma2 semaphore(%dma_wait3A_245 : memref<!tpu.dma_semaphore, #tpu.memory_space<semaphore_mem>>) src(%dma_wait3A_246 : memref<8000xi32, #tpu.memory_space<hbm>>) dst(%arg10 : memref<8000xi32, #tpu.memory_space<vmem>>)
    %dma_wait3A_247 = arith.constant 1 : i32
    %dma_wait3A_248 = tpu.memref_slice %arg4[%add3A_236] : memref<6400000xf32, #tpu.memory_space<hbm>> -> memref<8000xf32, #tpu.memory_space<hbm>>
    %dma_wait3A_249 = tpu.memref_slice %arg21[%dma_wait3A_247] : memref<2x!tpu.dma_semaphore, #tpu.memory_space<semaphore_mem>> -> memref<1x!tpu.dma_semaphore, #tpu.memory_space<semaphore_mem>>
    %dma_wait3A_250 = tpu.memref_squeeze %dma_wait3A_249 : memref<1x!tpu.dma_semaphore, #tpu.memory_space<semaphore_mem>> -> memref<!tpu.dma_semaphore, #tpu.memory_space<semaphore_mem>>
    %dma_wait3A_251 = tpu.memref_slice %arg4[%add3A_236] : memref<6400000xf32, #tpu.memory_space<hbm>> -> memref<8000xf32, #tpu.memory_space<hbm>>
    tpu.wait_dma2 semaphore(%dma_wait3A_250 : memref<!tpu.dma_semaphore, #tpu.memory_space<semaphore_mem>>) src(%dma_wait3A_251 : memref<8000xf32, #tpu.memory_space<hbm>>) dst(%arg12 : memref<8000xf32, #tpu.memory_space<vmem>>)
    %dma_start3A_252 = arith.constant 1 : i32
    %dma_start3A_253 = arith.constant 0 : i32
    %dma_start3A_254 = tpu.memref_slice %arg24[%dma_start3A_253] : memref<100096xf32, #tpu.memory_space<vmem_shared>> -> memref<100096xf32, #tpu.memory_space<vmem_shared>>
    %dma_start3A_255 = tpu.memref_slice %arg22[%dma_start3A_252] : memref<2x!tpu.dma_semaphore, #tpu.memory_space<semaphore_mem>> -> memref<1x!tpu.dma_semaphore, #tpu.memory_space<semaphore_mem>>
    %dma_start3A_256 = tpu.memref_squeeze %dma_start3A_255 : memref<1x!tpu.dma_semaphore, #tpu.memory_space<semaphore_mem>> -> memref<!tpu.dma_semaphore, #tpu.memory_space<semaphore_mem>>
    tpu.enqueue_indirect_dma source(%dma_start3A_254 : memref<100096xf32, #tpu.memory_space<vmem_shared>>) target(%arg14 : memref<8000xf32, #tpu.memory_space<vmem>>) offsets(%arg8 : memref<8000xi32, #tpu.memory_space<vmem>>) semaphore(%dma_start3A_256 : memref<!tpu.dma_semaphore, #tpu.memory_space<semaphore_mem>>)
    %dma_start3A_257 = arith.constant 1 : i32
    %dma_start3A_258 = arith.constant 0 : i32
    %dma_start3A_259 = tpu.memref_slice %arg25[%dma_start3A_258] : memref<100096xf32, #tpu.memory_space<vmem_shared>> -> memref<100096xf32, #tpu.memory_space<vmem_shared>>
    %dma_start3A_260 = tpu.memref_slice %arg22[%dma_start3A_257] : memref<2x!tpu.dma_semaphore, #tpu.memory_space<semaphore_mem>> -> memref<1x!tpu.dma_semaphore, #tpu.memory_space<semaphore_mem>>
    %dma_start3A_261 = tpu.memref_squeeze %dma_start3A_260 : memref<1x!tpu.dma_semaphore, #tpu.memory_space<semaphore_mem>> -> memref<!tpu.dma_semaphore, #tpu.memory_space<semaphore_mem>>
    tpu.enqueue_indirect_dma source(%dma_start3A_259 : memref<100096xf32, #tpu.memory_space<vmem_shared>>) target(%arg16 : memref<8000xf32, #tpu.memory_space<vmem>>) offsets(%arg10 : memref<8000xi32, #tpu.memory_space<vmem>>) semaphore(%dma_start3A_261 : memref<!tpu.dma_semaphore, #tpu.memory_space<semaphore_mem>>)
    %scan3A_262 = arith.constant 0 : i32
    %scan3A_263 = arith.constant 125 : i32
    %scan3A_264 = arith.addi %scan3A_262, %scan3A_263 : i32
    %scan3A_265 = arith.constant 1 : i32
    scf.for %scan3A_390 = %scan3A_262 to %scan3A_264 step %scan3A_265  : i32 {
      %mul3A_391 = arith.constant 4 : i32
      %mul3A_392 = arith.muli %scan3A_390, %mul3A_391 : i32
      %add3A_393 = arith.constant 0 : i32
      %add3A_394 = arith.addi %mul3A_392, %add3A_393 : i32
      %mul3A_395 = arith.constant 16 : i32
      %mul3A_396 = arith.muli %add3A_394, %mul3A_395 : i32
      %get3A = arith.index_cast %mul3A_396 : i32 to index
      %get3A_397 = tpu.vector_load %arg13[%get3A] {strides = array<i32>} : memref<8000xf32, #tpu.memory_space<vmem>>, vector<16xf32>,
      %get3A_398 = vector.shape_cast %get3A_397 : vector<16xf32> to vector<16xf32>
      %get3A_399 = arith.index_cast %mul3A_396 : i32 to index
      %get3A_400 = tpu.vector_load %arg15[%get3A_399] {strides = array<i32>} : memref<8000xf32, #tpu.memory_space<vmem>>, vector<16xf32>,
      %get3A_401 = vector.shape_cast %get3A_400 : vector<16xf32> to vector<16xf32>
      %mul3A_402 = arith.mulf %get3A_398, %get3A_401 : vector<16xf32>
      %get3A_403 = arith.index_cast %mul3A_396 : i32 to index
      %get3A_404 = tpu.vector_load %arg11[%get3A_403] {strides = array<i32>} : memref<8000xf32, #tpu.memory_space<vmem>>, vector<16xf32>,
      %get3A_405 = vector.shape_cast %get3A_404 : vector<16xf32> to vector<16xf32>
      %mul3A_406 = arith.mulf %mul3A_402, %get3A_405 : vector<16xf32>
      %swap3A = arith.index_cast %mul3A_396 : i32 to index
      %swap3A_407 = tpu.vector_load %arg17[%swap3A] {strides = array<i32>} : memref<8000xf32, #tpu.memory_space<vmem>>, vector<16xf32>,
      %swap3A_408 = vector.shape_cast %swap3A_407 : vector<16xf32> to vector<16xf32>
      %swap3A_409 = vector.shape_cast %mul3A_406 : vector<16xf32> to vector<16xf32>
      tpu.vector_store %arg17[%swap3A], %swap3A_409 {strides = array<i32>} : memref<8000xf32, #tpu.memory_space<vmem>>, vector<16xf32>,
      %mul3A_410 = arith.constant 4 : i32
      %mul3A_411 = arith.muli %scan3A_390, %mul3A_410 : i32
      %add3A_412 = arith.constant 1 : i32
      %add3A_413 = arith.addi %mul3A_411, %add3A_412 : i32
      %mul3A_414 = arith.constant 16 : i32
      %mul3A_415 = arith.muli %add3A_413, %mul3A_414 : i32
      %get3A_416 = arith.index_cast %mul3A_415 : i32 to index
      %get3A_417 = tpu.vector_load %arg13[%get3A_416] {strides = array<i32>} : memref<8000xf32, #tpu.memory_space<vmem>>, vector<16xf32>,
      %get3A_418 = vector.shape_cast %get3A_417 : vector<16xf32> to vector<16xf32>
      %get3A_419 = arith.index_cast %mul3A_415 : i32 to index
      %get3A_420 = tpu.vector_load %arg15[%get3A_419] {strides = array<i32>} : memref<8000xf32, #tpu.memory_space<vmem>>, vector<16xf32>,
      %get3A_421 = vector.shape_cast %get3A_420 : vector<16xf32> to vector<16xf32>
      %mul3A_422 = arith.mulf %get3A_418, %get3A_421 : vector<16xf32>
      %get3A_423 = arith.index_cast %mul3A_415 : i32 to index
      %get3A_424 = tpu.vector_load %arg11[%get3A_423] {strides = array<i32>} : memref<8000xf32, #tpu.memory_space<vmem>>, vector<16xf32>,
      %get3A_425 = vector.shape_cast %get3A_424 : vector<16xf32> to vector<16xf32>
      %mul3A_426 = arith.mulf %mul3A_422, %get3A_425 : vector<16xf32>
      %swap3A_427 = arith.index_cast %mul3A_415 : i32 to index
      %swap3A_428 = tpu.vector_load %arg17[%swap3A_427] {strides = array<i32>} : memref<8000xf32, #tpu.memory_space<vmem>>, vector<16xf32>,
      %swap3A_429 = vector.shape_cast %swap3A_428 : vector<16xf32> to vector<16xf32>
      %swap3A_430 = vector.shape_cast %mul3A_426 : vector<16xf32> to vector<16xf32>
      tpu.vector_store %arg17[%swap3A_427], %swap3A_430 {strides = array<i32>} : memref<8000xf32, #tpu.memory_space<vmem>>, vector<16xf32>,
      %mul3A_431 = arith.constant 4 : i32
      %mul3A_432 = arith.muli %scan3A_390, %mul3A_431 : i32
      %add3A_433 = arith.constant 2 : i32
      %add3A_434 = arith.addi %mul3A_432, %add3A_433 : i32
      %mul3A_435 = arith.constant 16 : i32
      %mul3A_436 = arith.muli %add3A_434, %mul3A_435 : i32
      %get3A_437 = arith.index_cast %mul3A_436 : i32 to index
      %get3A_438 = tpu.vector_load %arg13[%get3A_437] {strides = array<i32>} : memref<8000xf32, #tpu.memory_space<vmem>>, vector<16xf32>,
      %get3A_439 = vector.shape_cast %get3A_438 : vector<16xf32> to vector<16xf32>
      %get3A_440 = arith.index_cast %mul3A_436 : i32 to index
      %get3A_441 = tpu.vector_load %arg15[%get3A_440] {strides = array<i32>} : memref<8000xf32, #tpu.memory_space<vmem>>, vector<16xf32>,
      %get3A_442 = vector.shape_cast %get3A_441 : vector<16xf32> to vector<16xf32>
      %mul3A_443 = arith.mulf %get3A_439, %get3A_442 : vector<16xf32>
      %get3A_444 = arith.index_cast %mul3A_436 : i32 to index
      %get3A_445 = tpu.vector_load %arg11[%get3A_444] {strides = array<i32>} : memref<8000xf32, #tpu.memory_space<vmem>>, vector<16xf32>,
      %get3A_446 = vector.shape_cast %get3A_445 : vector<16xf32> to vector<16xf32>
      %mul3A_447 = arith.mulf %mul3A_443, %get3A_446 : vector<16xf32>
      %swap3A_448 = arith.index_cast %mul3A_436 : i32 to index
      %swap3A_449 = tpu.vector_load %arg17[%swap3A_448] {strides = array<i32>} : memref<8000xf32, #tpu.memory_space<vmem>>, vector<16xf32>,
      %swap3A_450 = vector.shape_cast %swap3A_449 : vector<16xf32> to vector<16xf32>
      %swap3A_451 = vector.shape_cast %mul3A_447 : vector<16xf32> to vector<16xf32>
      tpu.vector_store %arg17[%swap3A_448], %swap3A_451 {strides = array<i32>} : memref<8000xf32, #tpu.memory_space<vmem>>, vector<16xf32>,
      %mul3A_452 = arith.constant 4 : i32
      %mul3A_453 = arith.muli %scan3A_390, %mul3A_452 : i32
      %add3A_454 = arith.constant 3 : i32
      %add3A_455 = arith.addi %mul3A_453, %add3A_454 : i32
      %mul3A_456 = arith.constant 16 : i32
      %mul3A_457 = arith.muli %add3A_455, %mul3A_456 : i32
      %get3A_458 = arith.index_cast %mul3A_457 : i32 to index
      %get3A_459 = tpu.vector_load %arg13[%get3A_458] {strides = array<i32>} : memref<8000xf32, #tpu.memory_space<vmem>>, vector<16xf32>,
      %get3A_460 = vector.shape_cast %get3A_459 : vector<16xf32> to vector<16xf32>
      %get3A_461 = arith.index_cast %mul3A_457 : i32 to index
      %get3A_462 = tpu.vector_load %arg15[%get3A_461] {strides = array<i32>} : memref<8000xf32, #tpu.memory_space<vmem>>, vector<16xf32>,
      %get3A_463 = vector.shape_cast %get3A_462 : vector<16xf32> to vector<16xf32>
      %mul3A_464 = arith.mulf %get3A_460, %get3A_463 : vector<16xf32>
      %get3A_465 = arith.index_cast %mul3A_457 : i32 to index
      %get3A_466 = tpu.vector_load %arg11[%get3A_465] {strides = array<i32>} : memref<8000xf32, #tpu.memory_space<vmem>>, vector<16xf32>,
      %get3A_467 = vector.shape_cast %get3A_466 : vector<16xf32> to vector<16xf32>
      %mul3A_468 = arith.mulf %mul3A_464, %get3A_467 : vector<16xf32>
      %swap3A_469 = arith.index_cast %mul3A_457 : i32 to index
      %swap3A_470 = tpu.vector_load %arg17[%swap3A_469] {strides = array<i32>} : memref<8000xf32, #tpu.memory_space<vmem>>, vector<16xf32>,
      %swap3A_471 = vector.shape_cast %swap3A_470 : vector<16xf32> to vector<16xf32>
      %swap3A_472 = vector.shape_cast %mul3A_468 : vector<16xf32> to vector<16xf32>
      tpu.vector_store %arg17[%swap3A_469], %swap3A_472 {strides = array<i32>} : memref<8000xf32, #tpu.memory_space<vmem>>, vector<16xf32>,
    }
    %scan3A_266 = arith.constant 125 : i32
    %add3A_267 = arith.constant 176000 : i32
    %add3A_268 = arith.addi %mul3A_4, %add3A_267 : i32
    %dma_start3A_269 = arith.constant 0 : i32
    %dma_start3A_270 = tpu.memref_slice %arg6[%add3A_268] : memref<6400000xf32, #tpu.memory_space<hbm>> -> memref<8000xf32, #tpu.memory_space<hbm>>
    %dma_start3A_271 = tpu.memref_slice %arg23[%dma_start3A_269] : memref<2x!tpu.dma_semaphore, #tpu.memory_space<semaphore_mem>> -> memref<1x!tpu.dma_semaphore, #tpu.memory_space<semaphore_mem>>
    %dma_start3A_272 = tpu.memref_squeeze %dma_start3A_271 : memref<1x!tpu.dma_semaphore, #tpu.memory_space<semaphore_mem>> -> memref<!tpu.dma_semaphore, #tpu.memory_space<semaphore_mem>>
    %dma_start3A_273 = tpu.memref_slice %arg6[%add3A_268] : memref<6400000xf32, #tpu.memory_space<hbm>> -> memref<8000xf32, #tpu.memory_space<hbm>>
    tpu.enqueue_dma source(%arg17 : memref<8000xf32, #tpu.memory_space<vmem>>) target(%dma_start3A_273 : memref<8000xf32, #tpu.memory_space<hbm>>) target_semaphore(%dma_start3A_272 : memref<!tpu.dma_semaphore, #tpu.memory_space<semaphore_mem>>)
    %add3A_274 = arith.constant 192000 : i32
    %add3A_275 = arith.addi %mul3A_4, %add3A_274 : i32
    %dma_start3A_276 = arith.constant 0 : i32
    %dma_start3A_277 = tpu.memref_slice %arg2[%add3A_275] : memref<6400000xi32, #tpu.memory_space<hbm>> -> memref<8000xi32, #tpu.memory_space<hbm>>
    %dma_start3A_278 = tpu.memref_slice %arg21[%dma_start3A_276] : memref<2x!tpu.dma_semaphore, #tpu.memory_space<semaphore_mem>> -> memref<1x!tpu.dma_semaphore, #tpu.memory_space<semaphore_mem>>
    %dma_start3A_279 = tpu.memref_squeeze %dma_start3A_278 : memref<1x!tpu.dma_semaphore, #tpu.memory_space<semaphore_mem>> -> memref<!tpu.dma_semaphore, #tpu.memory_space<semaphore_mem>>
    %dma_start3A_280 = tpu.memref_slice %arg2[%add3A_275] : memref<6400000xi32, #tpu.memory_space<hbm>> -> memref<8000xi32, #tpu.memory_space<hbm>>
    tpu.enqueue_dma source(%dma_start3A_280 : memref<8000xi32, #tpu.memory_space<hbm>>) target(%arg7 : memref<8000xi32, #tpu.memory_space<vmem>>) target_semaphore(%dma_start3A_279 : memref<!tpu.dma_semaphore, #tpu.memory_space<semaphore_mem>>)
    %dma_start3A_281 = arith.constant 0 : i32
    %dma_start3A_282 = tpu.memref_slice %arg3[%add3A_275] : memref<6400000xi32, #tpu.memory_space<hbm>> -> memref<8000xi32, #tpu.memory_space<hbm>>
    %dma_start3A_283 = tpu.memref_slice %arg21[%dma_start3A_281] : memref<2x!tpu.dma_semaphore, #tpu.memory_space<semaphore_mem>> -> memref<1x!tpu.dma_semaphore, #tpu.memory_space<semaphore_mem>>
    %dma_start3A_284 = tpu.memref_squeeze %dma_start3A_283 : memref<1x!tpu.dma_semaphore, #tpu.memory_space<semaphore_mem>> -> memref<!tpu.dma_semaphore, #tpu.memory_space<semaphore_mem>>
    %dma_start3A_285 = tpu.memref_slice %arg3[%add3A_275] : memref<6400000xi32, #tpu.memory_space<hbm>> -> memref<8000xi32, #tpu.memory_space<hbm>>
    tpu.enqueue_dma source(%dma_start3A_285 : memref<8000xi32, #tpu.memory_space<hbm>>) target(%arg9 : memref<8000xi32, #tpu.memory_space<vmem>>) target_semaphore(%dma_start3A_284 : memref<!tpu.dma_semaphore, #tpu.memory_space<semaphore_mem>>)
    %dma_start3A_286 = arith.constant 0 : i32
    %dma_start3A_287 = tpu.memref_slice %arg4[%add3A_275] : memref<6400000xf32, #tpu.memory_space<hbm>> -> memref<8000xf32, #tpu.memory_space<hbm>>
    %dma_start3A_288 = tpu.memref_slice %arg21[%dma_start3A_286] : memref<2x!tpu.dma_semaphore, #tpu.memory_space<semaphore_mem>> -> memref<1x!tpu.dma_semaphore, #tpu.memory_space<semaphore_mem>>
    %dma_start3A_289 = tpu.memref_squeeze %dma_start3A_288 : memref<1x!tpu.dma_semaphore, #tpu.memory_space<semaphore_mem>> -> memref<!tpu.dma_semaphore, #tpu.memory_space<semaphore_mem>>
    %dma_start3A_290 = tpu.memref_slice %arg4[%add3A_275] : memref<6400000xf32, #tpu.memory_space<hbm>> -> memref<8000xf32, #tpu.memory_space<hbm>>
    tpu.enqueue_dma source(%dma_start3A_290 : memref<8000xf32, #tpu.memory_space<hbm>>) target(%arg11 : memref<8000xf32, #tpu.memory_space<vmem>>) target_semaphore(%dma_start3A_289 : memref<!tpu.dma_semaphore, #tpu.memory_space<semaphore_mem>>)
    %dma_wait3A_291 = arith.constant 1 : i32
    %dma_wait3A_292 = arith.constant 0 : i32
    %dma_wait3A_293 = tpu.memref_slice %arg24[%dma_wait3A_292] : memref<100096xf32, #tpu.memory_space<vmem_shared>> -> memref<100096xf32, #tpu.memory_space<vmem_shared>>
    %dma_wait3A_294 = tpu.memref_slice %arg22[%dma_wait3A_291] : memref<2x!tpu.dma_semaphore, #tpu.memory_space<semaphore_mem>> -> memref<1x!tpu.dma_semaphore, #tpu.memory_space<semaphore_mem>>
    %dma_wait3A_295 = tpu.memref_squeeze %dma_wait3A_294 : memref<1x!tpu.dma_semaphore, #tpu.memory_space<semaphore_mem>> -> memref<!tpu.dma_semaphore, #tpu.memory_space<semaphore_mem>>
    tpu.wait_indirect_dma semaphore(%dma_wait3A_295 : memref<!tpu.dma_semaphore, #tpu.memory_space<semaphore_mem>>) src(%dma_wait3A_293 : memref<100096xf32, #tpu.memory_space<vmem_shared>>) dst(%arg14 : memref<8000xf32, #tpu.memory_space<vmem>>)
    %dma_wait3A_296 = arith.constant 1 : i32
    %dma_wait3A_297 = arith.constant 0 : i32
    %dma_wait3A_298 = tpu.memref_slice %arg25[%dma_wait3A_297] : memref<100096xf32, #tpu.memory_space<vmem_shared>> -> memref<100096xf32, #tpu.memory_space<vmem_shared>>
    %dma_wait3A_299 = tpu.memref_slice %arg22[%dma_wait3A_296] : memref<2x!tpu.dma_semaphore, #tpu.memory_space<semaphore_mem>> -> memref<1x!tpu.dma_semaphore, #tpu.memory_space<semaphore_mem>>
    %dma_wait3A_300 = tpu.memref_squeeze %dma_wait3A_299 : memref<1x!tpu.dma_semaphore, #tpu.memory_space<semaphore_mem>> -> memref<!tpu.dma_semaphore, #tpu.memory_space<semaphore_mem>>
    tpu.wait_indirect_dma semaphore(%dma_wait3A_300 : memref<!tpu.dma_semaphore, #tpu.memory_space<semaphore_mem>>) src(%dma_wait3A_298 : memref<100096xf32, #tpu.memory_space<vmem_shared>>) dst(%arg16 : memref<8000xf32, #tpu.memory_space<vmem>>)
    %add3A_301 = arith.constant 168000 : i32
    %add3A_302 = arith.addi %mul3A_4, %add3A_301 : i32
    %dma_wait3A_303 = arith.constant 1 : i32
    %dma_wait3A_304 = tpu.memref_slice %arg6[%add3A_302] : memref<6400000xf32, #tpu.memory_space<hbm>> -> memref<8000xf32, #tpu.memory_space<hbm>>
    %dma_wait3A_305 = tpu.memref_slice %arg23[%dma_wait3A_303] : memref<2x!tpu.dma_semaphore, #tpu.memory_space<semaphore_mem>> -> memref<1x!tpu.dma_semaphore, #tpu.memory_space<semaphore_mem>>
    %dma_wait3A_306 = tpu.memref_squeeze %dma_wait3A_305 : memref<1x!tpu.dma_semaphore, #tpu.memory_space<semaphore_mem>> -> memref<!tpu.dma_semaphore, #tpu.memory_space<semaphore_mem>>
    %dma_wait3A_307 = tpu.memref_slice %arg6[%add3A_302] : memref<6400000xf32, #tpu.memory_space<hbm>> -> memref<8000xf32, #tpu.memory_space<hbm>>
    tpu.wait_dma2 semaphore(%dma_wait3A_306 : memref<!tpu.dma_semaphore, #tpu.memory_space<semaphore_mem>>) src(%arg18 : memref<8000xf32, #tpu.memory_space<vmem>>) dst(%dma_wait3A_307 : memref<8000xf32, #tpu.memory_space<hbm>>)
    %add3A_308 = arith.constant 192000 : i32
    %add3A_309 = arith.addi %mul3A_4, %add3A_308 : i32
    %dma_wait3A_310 = arith.constant 0 : i32
    %dma_wait3A_311 = tpu.memref_slice %arg2[%add3A_309] : memref<6400000xi32, #tpu.memory_space<hbm>> -> memref<8000xi32, #tpu.memory_space<hbm>>
    %dma_wait3A_312 = tpu.memref_slice %arg21[%dma_wait3A_310] : memref<2x!tpu.dma_semaphore, #tpu.memory_space<semaphore_mem>> -> memref<1x!tpu.dma_semaphore, #tpu.memory_space<semaphore_mem>>
    %dma_wait3A_313 = tpu.memref_squeeze %dma_wait3A_312 : memref<1x!tpu.dma_semaphore, #tpu.memory_space<semaphore_mem>> -> memref<!tpu.dma_semaphore, #tpu.memory_space<semaphore_mem>>
    %dma_wait3A_314 = tpu.memref_slice %arg2[%add3A_309] : memref<6400000xi32, #tpu.memory_space<hbm>> -> memref<8000xi32, #tpu.memory_space<hbm>>
    tpu.wait_dma2 semaphore(%dma_wait3A_313 : memref<!tpu.dma_semaphore, #tpu.memory_space<semaphore_mem>>) src(%dma_wait3A_314 : memref<8000xi32, #tpu.memory_space<hbm>>) dst(%arg7 : memref<8000xi32, #tpu.memory_space<vmem>>)
    %dma_wait3A_315 = arith.constant 0 : i32
    %dma_wait3A_316 = tpu.memref_slice %arg3[%add3A_309] : memref<6400000xi32, #tpu.memory_space<hbm>> -> memref<8000xi32, #tpu.memory_space<hbm>>
    %dma_wait3A_317 = tpu.memref_slice %arg21[%dma_wait3A_315] : memref<2x!tpu.dma_semaphore, #tpu.memory_space<semaphore_mem>> -> memref<1x!tpu.dma_semaphore, #tpu.memory_space<semaphore_mem>>
    %dma_wait3A_318 = tpu.memref_squeeze %dma_wait3A_317 : memref<1x!tpu.dma_semaphore, #tpu.memory_space<semaphore_mem>> -> memref<!tpu.dma_semaphore, #tpu.memory_space<semaphore_mem>>
    %dma_wait3A_319 = tpu.memref_slice %arg3[%add3A_309] : memref<6400000xi32, #tpu.memory_space<hbm>> -> memref<8000xi32, #tpu.memory_space<hbm>>
    tpu.wait_dma2 semaphore(%dma_wait3A_318 : memref<!tpu.dma_semaphore, #tpu.memory_space<semaphore_mem>>) src(%dma_wait3A_319 : memref<8000xi32, #tpu.memory_space<hbm>>) dst(%arg9 : memref<8000xi32, #tpu.memory_space<vmem>>)
    %dma_wait3A_320 = arith.constant 0 : i32
    %dma_wait3A_321 = tpu.memref_slice %arg4[%add3A_309] : memref<6400000xf32, #tpu.memory_space<hbm>> -> memref<8000xf32, #tpu.memory_space<hbm>>
    %dma_wait3A_322 = tpu.memref_slice %arg21[%dma_wait3A_320] : memref<2x!tpu.dma_semaphore, #tpu.memory_space<semaphore_mem>> -> memref<1x!tpu.dma_semaphore, #tpu.memory_space<semaphore_mem>>
    %dma_wait3A_323 = tpu.memref_squeeze %dma_wait3A_322 : memref<1x!tpu.dma_semaphore, #tpu.memory_space<semaphore_mem>> -> memref<!tpu.dma_semaphore, #tpu.memory_space<semaphore_mem>>
    %dma_wait3A_324 = tpu.memref_slice %arg4[%add3A_309] : memref<6400000xf32, #tpu.memory_space<hbm>> -> memref<8000xf32, #tpu.memory_space<hbm>>
    tpu.wait_dma2 semaphore(%dma_wait3A_323 : memref<!tpu.dma_semaphore, #tpu.memory_space<semaphore_mem>>) src(%dma_wait3A_324 : memref<8000xf32, #tpu.memory_space<hbm>>) dst(%arg11 : memref<8000xf32, #tpu.memory_space<vmem>>)
    %dma_start3A_325 = arith.constant 0 : i32
    %dma_start3A_326 = arith.constant 0 : i32
    %dma_start3A_327 = tpu.memref_slice %arg24[%dma_start3A_326] : memref<100096xf32, #tpu.memory_space<vmem_shared>> -> memref<100096xf32, #tpu.memory_space<vmem_shared>>
    %dma_start3A_328 = tpu.memref_slice %arg22[%dma_start3A_325] : memref<2x!tpu.dma_semaphore, #tpu.memory_space<semaphore_mem>> -> memref<1x!tpu.dma_semaphore, #tpu.memory_space<semaphore_mem>>
    %dma_start3A_329 = tpu.memref_squeeze %dma_start3A_328 : memref<1x!tpu.dma_semaphore, #tpu.memory_space<semaphore_mem>> -> memref<!tpu.dma_semaphore, #tpu.memory_space<semaphore_mem>>
    tpu.enqueue_indirect_dma source(%dma_start3A_327 : memref<100096xf32, #tpu.memory_space<vmem_shared>>) target(%arg13 : memref<8000xf32, #tpu.memory_space<vmem>>) offsets(%arg7 : memref<8000xi32, #tpu.memory_space<vmem>>) semaphore(%dma_start3A_329 : memref<!tpu.dma_semaphore, #tpu.memory_space<semaphore_mem>>)
    %dma_start3A_330 = arith.constant 0 : i32
    %dma_start3A_331 = arith.constant 0 : i32
    %dma_start3A_332 = tpu.memref_slice %arg25[%dma_start3A_331] : memref<100096xf32, #tpu.memory_space<vmem_shared>> -> memref<100096xf32, #tpu.memory_space<vmem_shared>>
    %dma_start3A_333 = tpu.memref_slice %arg22[%dma_start3A_330] : memref<2x!tpu.dma_semaphore, #tpu.memory_space<semaphore_mem>> -> memref<1x!tpu.dma_semaphore, #tpu.memory_space<semaphore_mem>>
    %dma_start3A_334 = tpu.memref_squeeze %dma_start3A_333 : memref<1x!tpu.dma_semaphore, #tpu.memory_space<semaphore_mem>> -> memref<!tpu.dma_semaphore, #tpu.memory_space<semaphore_mem>>
    tpu.enqueue_indirect_dma source(%dma_start3A_332 : memref<100096xf32, #tpu.memory_space<vmem_shared>>) target(%arg15 : memref<8000xf32, #tpu.memory_space<vmem>>) offsets(%arg9 : memref<8000xi32, #tpu.memory_space<vmem>>) semaphore(%dma_start3A_334 : memref<!tpu.dma_semaphore, #tpu.memory_space<semaphore_mem>>)
    %scan3A_335 = arith.constant 0 : i32
    %scan3A_336 = arith.constant 125 : i32
    %scan3A_337 = arith.addi %scan3A_335, %scan3A_336 : i32
    %scan3A_338 = arith.constant 1 : i32
    scf.for %scan3A_390 = %scan3A_335 to %scan3A_337 step %scan3A_338  : i32 {
      %mul3A_391 = arith.constant 4 : i32
      %mul3A_392 = arith.muli %scan3A_390, %mul3A_391 : i32
      %add3A_393 = arith.constant 0 : i32
      %add3A_394 = arith.addi %mul3A_392, %add3A_393 : i32
      %mul3A_395 = arith.constant 16 : i32
      %mul3A_396 = arith.muli %add3A_394, %mul3A_395 : i32
      %get3A = arith.index_cast %mul3A_396 : i32 to index
      %get3A_397 = tpu.vector_load %arg14[%get3A] {strides = array<i32>} : memref<8000xf32, #tpu.memory_space<vmem>>, vector<16xf32>,
      %get3A_398 = vector.shape_cast %get3A_397 : vector<16xf32> to vector<16xf32>
      %get3A_399 = arith.index_cast %mul3A_396 : i32 to index
      %get3A_400 = tpu.vector_load %arg16[%get3A_399] {strides = array<i32>} : memref<8000xf32, #tpu.memory_space<vmem>>, vector<16xf32>,
      %get3A_401 = vector.shape_cast %get3A_400 : vector<16xf32> to vector<16xf32>
      %mul3A_402 = arith.mulf %get3A_398, %get3A_401 : vector<16xf32>
      %get3A_403 = arith.index_cast %mul3A_396 : i32 to index
      %get3A_404 = tpu.vector_load %arg12[%get3A_403] {strides = array<i32>} : memref<8000xf32, #tpu.memory_space<vmem>>, vector<16xf32>,
      %get3A_405 = vector.shape_cast %get3A_404 : vector<16xf32> to vector<16xf32>
      %mul3A_406 = arith.mulf %mul3A_402, %get3A_405 : vector<16xf32>
      %swap3A = arith.index_cast %mul3A_396 : i32 to index
      %swap3A_407 = tpu.vector_load %arg18[%swap3A] {strides = array<i32>} : memref<8000xf32, #tpu.memory_space<vmem>>, vector<16xf32>,
      %swap3A_408 = vector.shape_cast %swap3A_407 : vector<16xf32> to vector<16xf32>
      %swap3A_409 = vector.shape_cast %mul3A_406 : vector<16xf32> to vector<16xf32>
      tpu.vector_store %arg18[%swap3A], %swap3A_409 {strides = array<i32>} : memref<8000xf32, #tpu.memory_space<vmem>>, vector<16xf32>,
      %mul3A_410 = arith.constant 4 : i32
      %mul3A_411 = arith.muli %scan3A_390, %mul3A_410 : i32
      %add3A_412 = arith.constant 1 : i32
      %add3A_413 = arith.addi %mul3A_411, %add3A_412 : i32
      %mul3A_414 = arith.constant 16 : i32
      %mul3A_415 = arith.muli %add3A_413, %mul3A_414 : i32
      %get3A_416 = arith.index_cast %mul3A_415 : i32 to index
      %get3A_417 = tpu.vector_load %arg14[%get3A_416] {strides = array<i32>} : memref<8000xf32, #tpu.memory_space<vmem>>, vector<16xf32>,
      %get3A_418 = vector.shape_cast %get3A_417 : vector<16xf32> to vector<16xf32>
      %get3A_419 = arith.index_cast %mul3A_415 : i32 to index
      %get3A_420 = tpu.vector_load %arg16[%get3A_419] {strides = array<i32>} : memref<8000xf32, #tpu.memory_space<vmem>>, vector<16xf32>,
      %get3A_421 = vector.shape_cast %get3A_420 : vector<16xf32> to vector<16xf32>
      %mul3A_422 = arith.mulf %get3A_418, %get3A_421 : vector<16xf32>
      %get3A_423 = arith.index_cast %mul3A_415 : i32 to index
      %get3A_424 = tpu.vector_load %arg12[%get3A_423] {strides = array<i32>} : memref<8000xf32, #tpu.memory_space<vmem>>, vector<16xf32>,
      %get3A_425 = vector.shape_cast %get3A_424 : vector<16xf32> to vector<16xf32>
      %mul3A_426 = arith.mulf %mul3A_422, %get3A_425 : vector<16xf32>
      %swap3A_427 = arith.index_cast %mul3A_415 : i32 to index
      %swap3A_428 = tpu.vector_load %arg18[%swap3A_427] {strides = array<i32>} : memref<8000xf32, #tpu.memory_space<vmem>>, vector<16xf32>,
      %swap3A_429 = vector.shape_cast %swap3A_428 : vector<16xf32> to vector<16xf32>
      %swap3A_430 = vector.shape_cast %mul3A_426 : vector<16xf32> to vector<16xf32>
      tpu.vector_store %arg18[%swap3A_427], %swap3A_430 {strides = array<i32>} : memref<8000xf32, #tpu.memory_space<vmem>>, vector<16xf32>,
      %mul3A_431 = arith.constant 4 : i32
      %mul3A_432 = arith.muli %scan3A_390, %mul3A_431 : i32
      %add3A_433 = arith.constant 2 : i32
      %add3A_434 = arith.addi %mul3A_432, %add3A_433 : i32
      %mul3A_435 = arith.constant 16 : i32
      %mul3A_436 = arith.muli %add3A_434, %mul3A_435 : i32
      %get3A_437 = arith.index_cast %mul3A_436 : i32 to index
      %get3A_438 = tpu.vector_load %arg14[%get3A_437] {strides = array<i32>} : memref<8000xf32, #tpu.memory_space<vmem>>, vector<16xf32>,
      %get3A_439 = vector.shape_cast %get3A_438 : vector<16xf32> to vector<16xf32>
      %get3A_440 = arith.index_cast %mul3A_436 : i32 to index
      %get3A_441 = tpu.vector_load %arg16[%get3A_440] {strides = array<i32>} : memref<8000xf32, #tpu.memory_space<vmem>>, vector<16xf32>,
      %get3A_442 = vector.shape_cast %get3A_441 : vector<16xf32> to vector<16xf32>
      %mul3A_443 = arith.mulf %get3A_439, %get3A_442 : vector<16xf32>
      %get3A_444 = arith.index_cast %mul3A_436 : i32 to index
      %get3A_445 = tpu.vector_load %arg12[%get3A_444] {strides = array<i32>} : memref<8000xf32, #tpu.memory_space<vmem>>, vector<16xf32>,
      %get3A_446 = vector.shape_cast %get3A_445 : vector<16xf32> to vector<16xf32>
      %mul3A_447 = arith.mulf %mul3A_443, %get3A_446 : vector<16xf32>
      %swap3A_448 = arith.index_cast %mul3A_436 : i32 to index
      %swap3A_449 = tpu.vector_load %arg18[%swap3A_448] {strides = array<i32>} : memref<8000xf32, #tpu.memory_space<vmem>>, vector<16xf32>,
      %swap3A_450 = vector.shape_cast %swap3A_449 : vector<16xf32> to vector<16xf32>
      %swap3A_451 = vector.shape_cast %mul3A_447 : vector<16xf32> to vector<16xf32>
      tpu.vector_store %arg18[%swap3A_448], %swap3A_451 {strides = array<i32>} : memref<8000xf32, #tpu.memory_space<vmem>>, vector<16xf32>,
      %mul3A_452 = arith.constant 4 : i32
      %mul3A_453 = arith.muli %scan3A_390, %mul3A_452 : i32
      %add3A_454 = arith.constant 3 : i32
      %add3A_455 = arith.addi %mul3A_453, %add3A_454 : i32
      %mul3A_456 = arith.constant 16 : i32
      %mul3A_457 = arith.muli %add3A_455, %mul3A_456 : i32
      %get3A_458 = arith.index_cast %mul3A_457 : i32 to index
      %get3A_459 = tpu.vector_load %arg14[%get3A_458] {strides = array<i32>} : memref<8000xf32, #tpu.memory_space<vmem>>, vector<16xf32>,
      %get3A_460 = vector.shape_cast %get3A_459 : vector<16xf32> to vector<16xf32>
      %get3A_461 = arith.index_cast %mul3A_457 : i32 to index
      %get3A_462 = tpu.vector_load %arg16[%get3A_461] {strides = array<i32>} : memref<8000xf32, #tpu.memory_space<vmem>>, vector<16xf32>,
      %get3A_463 = vector.shape_cast %get3A_462 : vector<16xf32> to vector<16xf32>
      %mul3A_464 = arith.mulf %get3A_460, %get3A_463 : vector<16xf32>
      %get3A_465 = arith.index_cast %mul3A_457 : i32 to index
      %get3A_466 = tpu.vector_load %arg12[%get3A_465] {strides = array<i32>} : memref<8000xf32, #tpu.memory_space<vmem>>, vector<16xf32>,
      %get3A_467 = vector.shape_cast %get3A_466 : vector<16xf32> to vector<16xf32>
      %mul3A_468 = arith.mulf %mul3A_464, %get3A_467 : vector<16xf32>
      %swap3A_469 = arith.index_cast %mul3A_457 : i32 to index
      %swap3A_470 = tpu.vector_load %arg18[%swap3A_469] {strides = array<i32>} : memref<8000xf32, #tpu.memory_space<vmem>>, vector<16xf32>,
      %swap3A_471 = vector.shape_cast %swap3A_470 : vector<16xf32> to vector<16xf32>
      %swap3A_472 = vector.shape_cast %mul3A_468 : vector<16xf32> to vector<16xf32>
      tpu.vector_store %arg18[%swap3A_469], %swap3A_472 {strides = array<i32>} : memref<8000xf32, #tpu.memory_space<vmem>>, vector<16xf32>,
    }
    %scan3A_339 = arith.constant 125 : i32
    %add3A_340 = arith.constant 184000 : i32
    %add3A_341 = arith.addi %mul3A_4, %add3A_340 : i32
    %dma_start3A_342 = arith.constant 1 : i32
    %dma_start3A_343 = tpu.memref_slice %arg6[%add3A_341] : memref<6400000xf32, #tpu.memory_space<hbm>> -> memref<8000xf32, #tpu.memory_space<hbm>>
    %dma_start3A_344 = tpu.memref_slice %arg23[%dma_start3A_342] : memref<2x!tpu.dma_semaphore, #tpu.memory_space<semaphore_mem>> -> memref<1x!tpu.dma_semaphore, #tpu.memory_space<semaphore_mem>>
    %dma_start3A_345 = tpu.memref_squeeze %dma_start3A_344 : memref<1x!tpu.dma_semaphore, #tpu.memory_space<semaphore_mem>> -> memref<!tpu.dma_semaphore, #tpu.memory_space<semaphore_mem>>
    %dma_start3A_346 = tpu.memref_slice %arg6[%add3A_341] : memref<6400000xf32, #tpu.memory_space<hbm>> -> memref<8000xf32, #tpu.memory_space<hbm>>
    tpu.enqueue_dma source(%arg18 : memref<8000xf32, #tpu.memory_space<vmem>>) target(%dma_start3A_346 : memref<8000xf32, #tpu.memory_space<hbm>>) target_semaphore(%dma_start3A_345 : memref<!tpu.dma_semaphore, #tpu.memory_space<semaphore_mem>>)
    %dma_wait3A_347 = arith.constant 0 : i32
    %dma_wait3A_348 = arith.constant 0 : i32
    %dma_wait3A_349 = tpu.memref_slice %arg24[%dma_wait3A_348] : memref<100096xf32, #tpu.memory_space<vmem_shared>> -> memref<100096xf32, #tpu.memory_space<vmem_shared>>
    %dma_wait3A_350 = tpu.memref_slice %arg22[%dma_wait3A_347] : memref<2x!tpu.dma_semaphore, #tpu.memory_space<semaphore_mem>> -> memref<1x!tpu.dma_semaphore, #tpu.memory_space<semaphore_mem>>
    %dma_wait3A_351 = tpu.memref_squeeze %dma_wait3A_350 : memref<1x!tpu.dma_semaphore, #tpu.memory_space<semaphore_mem>> -> memref<!tpu.dma_semaphore, #tpu.memory_space<semaphore_mem>>
    tpu.wait_indirect_dma semaphore(%dma_wait3A_351 : memref<!tpu.dma_semaphore, #tpu.memory_space<semaphore_mem>>) src(%dma_wait3A_349 : memref<100096xf32, #tpu.memory_space<vmem_shared>>) dst(%arg13 : memref<8000xf32, #tpu.memory_space<vmem>>)
    %dma_wait3A_352 = arith.constant 0 : i32
    %dma_wait3A_353 = arith.constant 0 : i32
    %dma_wait3A_354 = tpu.memref_slice %arg25[%dma_wait3A_353] : memref<100096xf32, #tpu.memory_space<vmem_shared>> -> memref<100096xf32, #tpu.memory_space<vmem_shared>>
    %dma_wait3A_355 = tpu.memref_slice %arg22[%dma_wait3A_352] : memref<2x!tpu.dma_semaphore, #tpu.memory_space<semaphore_mem>> -> memref<1x!tpu.dma_semaphore, #tpu.memory_space<semaphore_mem>>
    %dma_wait3A_356 = tpu.memref_squeeze %dma_wait3A_355 : memref<1x!tpu.dma_semaphore, #tpu.memory_space<semaphore_mem>> -> memref<!tpu.dma_semaphore, #tpu.memory_space<semaphore_mem>>
    tpu.wait_indirect_dma semaphore(%dma_wait3A_356 : memref<!tpu.dma_semaphore, #tpu.memory_space<semaphore_mem>>) src(%dma_wait3A_354 : memref<100096xf32, #tpu.memory_space<vmem_shared>>) dst(%arg15 : memref<8000xf32, #tpu.memory_space<vmem>>)
    %add3A_357 = arith.constant 176000 : i32
    %add3A_358 = arith.addi %mul3A_4, %add3A_357 : i32
    %dma_wait3A_359 = arith.constant 0 : i32
    %dma_wait3A_360 = tpu.memref_slice %arg6[%add3A_358] : memref<6400000xf32, #tpu.memory_space<hbm>> -> memref<8000xf32, #tpu.memory_space<hbm>>
    %dma_wait3A_361 = tpu.memref_slice %arg23[%dma_wait3A_359] : memref<2x!tpu.dma_semaphore, #tpu.memory_space<semaphore_mem>> -> memref<1x!tpu.dma_semaphore, #tpu.memory_space<semaphore_mem>>
    %dma_wait3A_362 = tpu.memref_squeeze %dma_wait3A_361 : memref<1x!tpu.dma_semaphore, #tpu.memory_space<semaphore_mem>> -> memref<!tpu.dma_semaphore, #tpu.memory_space<semaphore_mem>>
    %dma_wait3A_363 = tpu.memref_slice %arg6[%add3A_358] : memref<6400000xf32, #tpu.memory_space<hbm>> -> memref<8000xf32, #tpu.memory_space<hbm>>
    tpu.wait_dma2 semaphore(%dma_wait3A_362 : memref<!tpu.dma_semaphore, #tpu.memory_space<semaphore_mem>>) src(%arg17 : memref<8000xf32, #tpu.memory_space<vmem>>) dst(%dma_wait3A_363 : memref<8000xf32, #tpu.memory_space<hbm>>)
    %scan3A_364 = arith.constant 0 : i32
    %scan3A_365 = arith.constant 125 : i32
    %scan3A_366 = arith.addi %scan3A_364, %scan3A_365 : i32
    %scan3A_367 = arith.constant 1 : i32
    scf.for %scan3A_390 = %scan3A_364 to %scan3A_366 step %scan3A_367  : i32 {
      %mul3A_391 = arith.constant 4 : i32
      %mul3A_392 = arith.muli %scan3A_390, %mul3A_391 : i32
      %add3A_393 = arith.constant 0 : i32
      %add3A_394 = arith.addi %mul3A_392, %add3A_393 : i32
      %mul3A_395 = arith.constant 16 : i32
      %mul3A_396 = arith.muli %add3A_394, %mul3A_395 : i32
      %get3A = arith.index_cast %mul3A_396 : i32 to index
      %get3A_397 = tpu.vector_load %arg13[%get3A] {strides = array<i32>} : memref<8000xf32, #tpu.memory_space<vmem>>, vector<16xf32>,
      %get3A_398 = vector.shape_cast %get3A_397 : vector<16xf32> to vector<16xf32>
      %get3A_399 = arith.index_cast %mul3A_396 : i32 to index
      %get3A_400 = tpu.vector_load %arg15[%get3A_399] {strides = array<i32>} : memref<8000xf32, #tpu.memory_space<vmem>>, vector<16xf32>,
      %get3A_401 = vector.shape_cast %get3A_400 : vector<16xf32> to vector<16xf32>
      %mul3A_402 = arith.mulf %get3A_398, %get3A_401 : vector<16xf32>
      %get3A_403 = arith.index_cast %mul3A_396 : i32 to index
      %get3A_404 = tpu.vector_load %arg11[%get3A_403] {strides = array<i32>} : memref<8000xf32, #tpu.memory_space<vmem>>, vector<16xf32>,
      %get3A_405 = vector.shape_cast %get3A_404 : vector<16xf32> to vector<16xf32>
      %mul3A_406 = arith.mulf %mul3A_402, %get3A_405 : vector<16xf32>
      %swap3A = arith.index_cast %mul3A_396 : i32 to index
      %swap3A_407 = tpu.vector_load %arg17[%swap3A] {strides = array<i32>} : memref<8000xf32, #tpu.memory_space<vmem>>, vector<16xf32>,
      %swap3A_408 = vector.shape_cast %swap3A_407 : vector<16xf32> to vector<16xf32>
      %swap3A_409 = vector.shape_cast %mul3A_406 : vector<16xf32> to vector<16xf32>
      tpu.vector_store %arg17[%swap3A], %swap3A_409 {strides = array<i32>} : memref<8000xf32, #tpu.memory_space<vmem>>, vector<16xf32>,
      %mul3A_410 = arith.constant 4 : i32
      %mul3A_411 = arith.muli %scan3A_390, %mul3A_410 : i32
      %add3A_412 = arith.constant 1 : i32
      %add3A_413 = arith.addi %mul3A_411, %add3A_412 : i32
      %mul3A_414 = arith.constant 16 : i32
      %mul3A_415 = arith.muli %add3A_413, %mul3A_414 : i32
      %get3A_416 = arith.index_cast %mul3A_415 : i32 to index
      %get3A_417 = tpu.vector_load %arg13[%get3A_416] {strides = array<i32>} : memref<8000xf32, #tpu.memory_space<vmem>>, vector<16xf32>,
      %get3A_418 = vector.shape_cast %get3A_417 : vector<16xf32> to vector<16xf32>
      %get3A_419 = arith.index_cast %mul3A_415 : i32 to index
      %get3A_420 = tpu.vector_load %arg15[%get3A_419] {strides = array<i32>} : memref<8000xf32, #tpu.memory_space<vmem>>, vector<16xf32>,
      %get3A_421 = vector.shape_cast %get3A_420 : vector<16xf32> to vector<16xf32>
      %mul3A_422 = arith.mulf %get3A_418, %get3A_421 : vector<16xf32>
      %get3A_423 = arith.index_cast %mul3A_415 : i32 to index
      %get3A_424 = tpu.vector_load %arg11[%get3A_423] {strides = array<i32>} : memref<8000xf32, #tpu.memory_space<vmem>>, vector<16xf32>,
      %get3A_425 = vector.shape_cast %get3A_424 : vector<16xf32> to vector<16xf32>
      %mul3A_426 = arith.mulf %mul3A_422, %get3A_425 : vector<16xf32>
      %swap3A_427 = arith.index_cast %mul3A_415 : i32 to index
      %swap3A_428 = tpu.vector_load %arg17[%swap3A_427] {strides = array<i32>} : memref<8000xf32, #tpu.memory_space<vmem>>, vector<16xf32>,
      %swap3A_429 = vector.shape_cast %swap3A_428 : vector<16xf32> to vector<16xf32>
      %swap3A_430 = vector.shape_cast %mul3A_426 : vector<16xf32> to vector<16xf32>
      tpu.vector_store %arg17[%swap3A_427], %swap3A_430 {strides = array<i32>} : memref<8000xf32, #tpu.memory_space<vmem>>, vector<16xf32>,
      %mul3A_431 = arith.constant 4 : i32
      %mul3A_432 = arith.muli %scan3A_390, %mul3A_431 : i32
      %add3A_433 = arith.constant 2 : i32
      %add3A_434 = arith.addi %mul3A_432, %add3A_433 : i32
      %mul3A_435 = arith.constant 16 : i32
      %mul3A_436 = arith.muli %add3A_434, %mul3A_435 : i32
      %get3A_437 = arith.index_cast %mul3A_436 : i32 to index
      %get3A_438 = tpu.vector_load %arg13[%get3A_437] {strides = array<i32>} : memref<8000xf32, #tpu.memory_space<vmem>>, vector<16xf32>,
      %get3A_439 = vector.shape_cast %get3A_438 : vector<16xf32> to vector<16xf32>
      %get3A_440 = arith.index_cast %mul3A_436 : i32 to index
      %get3A_441 = tpu.vector_load %arg15[%get3A_440] {strides = array<i32>} : memref<8000xf32, #tpu.memory_space<vmem>>, vector<16xf32>,
      %get3A_442 = vector.shape_cast %get3A_441 : vector<16xf32> to vector<16xf32>
      %mul3A_443 = arith.mulf %get3A_439, %get3A_442 : vector<16xf32>
      %get3A_444 = arith.index_cast %mul3A_436 : i32 to index
      %get3A_445 = tpu.vector_load %arg11[%get3A_444] {strides = array<i32>} : memref<8000xf32, #tpu.memory_space<vmem>>, vector<16xf32>,
      %get3A_446 = vector.shape_cast %get3A_445 : vector<16xf32> to vector<16xf32>
      %mul3A_447 = arith.mulf %mul3A_443, %get3A_446 : vector<16xf32>
      %swap3A_448 = arith.index_cast %mul3A_436 : i32 to index
      %swap3A_449 = tpu.vector_load %arg17[%swap3A_448] {strides = array<i32>} : memref<8000xf32, #tpu.memory_space<vmem>>, vector<16xf32>,
      %swap3A_450 = vector.shape_cast %swap3A_449 : vector<16xf32> to vector<16xf32>
      %swap3A_451 = vector.shape_cast %mul3A_447 : vector<16xf32> to vector<16xf32>
      tpu.vector_store %arg17[%swap3A_448], %swap3A_451 {strides = array<i32>} : memref<8000xf32, #tpu.memory_space<vmem>>, vector<16xf32>,
      %mul3A_452 = arith.constant 4 : i32
      %mul3A_453 = arith.muli %scan3A_390, %mul3A_452 : i32
      %add3A_454 = arith.constant 3 : i32
      %add3A_455 = arith.addi %mul3A_453, %add3A_454 : i32
      %mul3A_456 = arith.constant 16 : i32
      %mul3A_457 = arith.muli %add3A_455, %mul3A_456 : i32
      %get3A_458 = arith.index_cast %mul3A_457 : i32 to index
      %get3A_459 = tpu.vector_load %arg13[%get3A_458] {strides = array<i32>} : memref<8000xf32, #tpu.memory_space<vmem>>, vector<16xf32>,
      %get3A_460 = vector.shape_cast %get3A_459 : vector<16xf32> to vector<16xf32>
      %get3A_461 = arith.index_cast %mul3A_457 : i32 to index
      %get3A_462 = tpu.vector_load %arg15[%get3A_461] {strides = array<i32>} : memref<8000xf32, #tpu.memory_space<vmem>>, vector<16xf32>,
      %get3A_463 = vector.shape_cast %get3A_462 : vector<16xf32> to vector<16xf32>
      %mul3A_464 = arith.mulf %get3A_460, %get3A_463 : vector<16xf32>
      %get3A_465 = arith.index_cast %mul3A_457 : i32 to index
      %get3A_466 = tpu.vector_load %arg11[%get3A_465] {strides = array<i32>} : memref<8000xf32, #tpu.memory_space<vmem>>, vector<16xf32>,
      %get3A_467 = vector.shape_cast %get3A_466 : vector<16xf32> to vector<16xf32>
      %mul3A_468 = arith.mulf %mul3A_464, %get3A_467 : vector<16xf32>
      %swap3A_469 = arith.index_cast %mul3A_457 : i32 to index
      %swap3A_470 = tpu.vector_load %arg17[%swap3A_469] {strides = array<i32>} : memref<8000xf32, #tpu.memory_space<vmem>>, vector<16xf32>,
      %swap3A_471 = vector.shape_cast %swap3A_470 : vector<16xf32> to vector<16xf32>
      %swap3A_472 = vector.shape_cast %mul3A_468 : vector<16xf32> to vector<16xf32>
      tpu.vector_store %arg17[%swap3A_469], %swap3A_472 {strides = array<i32>} : memref<8000xf32, #tpu.memory_space<vmem>>, vector<16xf32>,
    }
    %scan3A_368 = arith.constant 125 : i32
    %add3A_369 = arith.constant 192000 : i32
    %add3A_370 = arith.addi %mul3A_4, %add3A_369 : i32
    %dma_start3A_371 = arith.constant 0 : i32
    %dma_start3A_372 = tpu.memref_slice %arg6[%add3A_370] : memref<6400000xf32, #tpu.memory_space<hbm>> -> memref<8000xf32, #tpu.memory_space<hbm>>
    %dma_start3A_373 = tpu.memref_slice %arg23[%dma_start3A_371] : memref<2x!tpu.dma_semaphore, #tpu.memory_space<semaphore_mem>> -> memref<1x!tpu.dma_semaphore, #tpu.memory_space<semaphore_mem>>
    %dma_start3A_374 = tpu.memref_squeeze %dma_start3A_373 : memref<1x!tpu.dma_semaphore, #tpu.memory_space<semaphore_mem>> -> memref<!tpu.dma_semaphore, #tpu.memory_space<semaphore_mem>>
    %dma_start3A_375 = tpu.memref_slice %arg6[%add3A_370] : memref<6400000xf32, #tpu.memory_space<hbm>> -> memref<8000xf32, #tpu.memory_space<hbm>>
    tpu.enqueue_dma source(%arg17 : memref<8000xf32, #tpu.memory_space<vmem>>) target(%dma_start3A_375 : memref<8000xf32, #tpu.memory_space<hbm>>) target_semaphore(%dma_start3A_374 : memref<!tpu.dma_semaphore, #tpu.memory_space<semaphore_mem>>)
    %add3A_376 = arith.constant 184000 : i32
    %add3A_377 = arith.addi %mul3A_4, %add3A_376 : i32
    %dma_wait3A_378 = arith.constant 1 : i32
    %dma_wait3A_379 = tpu.memref_slice %arg6[%add3A_377] : memref<6400000xf32, #tpu.memory_space<hbm>> -> memref<8000xf32, #tpu.memory_space<hbm>>
    %dma_wait3A_380 = tpu.memref_slice %arg23[%dma_wait3A_378] : memref<2x!tpu.dma_semaphore, #tpu.memory_space<semaphore_mem>> -> memref<1x!tpu.dma_semaphore, #tpu.memory_space<semaphore_mem>>
    %dma_wait3A_381 = tpu.memref_squeeze %dma_wait3A_380 : memref<1x!tpu.dma_semaphore, #tpu.memory_space<semaphore_mem>> -> memref<!tpu.dma_semaphore, #tpu.memory_space<semaphore_mem>>
    %dma_wait3A_382 = tpu.memref_slice %arg6[%add3A_377] : memref<6400000xf32, #tpu.memory_space<hbm>> -> memref<8000xf32, #tpu.memory_space<hbm>>
    tpu.wait_dma2 semaphore(%dma_wait3A_381 : memref<!tpu.dma_semaphore, #tpu.memory_space<semaphore_mem>>) src(%arg18 : memref<8000xf32, #tpu.memory_space<vmem>>) dst(%dma_wait3A_382 : memref<8000xf32, #tpu.memory_space<hbm>>)
    %add3A_383 = arith.constant 192000 : i32
    %add3A_384 = arith.addi %mul3A_4, %add3A_383 : i32
    %dma_wait3A_385 = arith.constant 0 : i32
    %dma_wait3A_386 = tpu.memref_slice %arg6[%add3A_384] : memref<6400000xf32, #tpu.memory_space<hbm>> -> memref<8000xf32, #tpu.memory_space<hbm>>
    %dma_wait3A_387 = tpu.memref_slice %arg23[%dma_wait3A_385] : memref<2x!tpu.dma_semaphore, #tpu.memory_space<semaphore_mem>> -> memref<1x!tpu.dma_semaphore, #tpu.memory_space<semaphore_mem>>
    %dma_wait3A_388 = tpu.memref_squeeze %dma_wait3A_387 : memref<1x!tpu.dma_semaphore, #tpu.memory_space<semaphore_mem>> -> memref<!tpu.dma_semaphore, #tpu.memory_space<semaphore_mem>>
    %dma_wait3A_389 = tpu.memref_slice %arg6[%add3A_384] : memref<6400000xf32, #tpu.memory_space<hbm>> -> memref<8000xf32, #tpu.memory_space<hbm>>
    tpu.wait_dma2 semaphore(%dma_wait3A_388 : memref<!tpu.dma_semaphore, #tpu.memory_space<semaphore_mem>>) src(%arg17 : memref<8000xf32, #tpu.memory_space<vmem>>) dst(%dma_wait3A_389 : memref<8000xf32, #tpu.memory_space<hbm>>)
    return
  }
}

#map = affine_map<(d0, d1) -> (0)>
module attributes {stable_mosaic.version = 14 : i64} {
  func.func @_body_a(%arg0: i32, %arg1: i32, %arg2: memref<6400000xi32, #tpu.memory_space<hbm>>, %arg3: memref<6400000xi32, #tpu.memory_space<hbm>>, %arg4: memref<6400000xf32, #tpu.memory_space<hbm>>, %arg5: memref<400384xf32, #tpu.memory_space<hbm>>, %arg6: memref<10000xi32, #tpu.memory_space<vmem>>, %arg7: memref<10000xi32, #tpu.memory_space<vmem>>, %arg8: memref<10000xi32, #tpu.memory_space<vmem>>, %arg9: memref<10000xi32, #tpu.memory_space<vmem>>, %arg10: memref<10000xf32, #tpu.memory_space<vmem>>, %arg11: memref<10000xf32, #tpu.memory_space<vmem>>, %arg12: memref<6256xf32, #tpu.memory_space<vmem>>, %arg13: memref<2x!tpu.dma_semaphore, #tpu.memory_space<semaphore_mem>>, %arg14: memref<2x!tpu.dma_semaphore, #tpu.memory_space<semaphore_mem>>, %arg15: memref<100096xf32, #tpu.memory_space<vmem_shared>>, %arg16: memref<100096xf32, #tpu.memory_space<vmem_shared>>) attributes {dimension_semantics = [#tpu.dimension_semantics<core_parallel>, #tpu.dimension_semantics<subcore_parallel>], iteration_bounds = array<i64: 2, 16>, scalar_prefetch = 0 : i64, scratch_operands = 11 : i64, tpu.core_type = #tpu.core_type<sc_vector_subcore>, window_params = [{transform_indices = #map}, {transform_indices = #map}, {transform_indices = #map}, {transform_indices = #map}]} {
    %mul3A = arith.constant 6256 : i32
    %mul3A_0 = arith.muli %arg1, %mul3A : i32
    %mul3A_1 = arith.constant 16 : i32
    %mul3A_2 = arith.muli %arg0, %mul3A_1 : i32
    %add3A = arith.addi %mul3A_2, %arg1 : i32
    %mul3A_3 = arith.constant 200000 : i32
    %mul3A_4 = arith.muli %add3A, %mul3A_3 : i32
    %add3A_5 = arith.constant 0 : i32
    %add3A_6 = arith.addi %mul3A_4, %add3A_5 : i32
    %dma_start3A = arith.constant 0 : i32
    %dma_start3A_7 = tpu.memref_slice %arg4[%add3A_6] : memref<6400000xf32, #tpu.memory_space<hbm>> -> memref<10000xf32, #tpu.memory_space<hbm>>
    %dma_start3A_8 = tpu.memref_slice %arg13[%dma_start3A] : memref<2x!tpu.dma_semaphore, #tpu.memory_space<semaphore_mem>> -> memref<1x!tpu.dma_semaphore, #tpu.memory_space<semaphore_mem>>
    %dma_start3A_9 = tpu.memref_squeeze %dma_start3A_8 : memref<1x!tpu.dma_semaphore, #tpu.memory_space<semaphore_mem>> -> memref<!tpu.dma_semaphore, #tpu.memory_space<semaphore_mem>>
    %dma_start3A_10 = tpu.memref_slice %arg4[%add3A_6] : memref<6400000xf32, #tpu.memory_space<hbm>> -> memref<10000xf32, #tpu.memory_space<hbm>>
    tpu.enqueue_dma source(%dma_start3A_10 : memref<10000xf32, #tpu.memory_space<hbm>>) target(%arg10 : memref<10000xf32, #tpu.memory_space<vmem>>) target_semaphore(%dma_start3A_9 : memref<!tpu.dma_semaphore, #tpu.memory_space<semaphore_mem>>)
    %dma_start3A_11 = arith.constant 0 : i32
    %dma_start3A_12 = tpu.memref_slice %arg2[%add3A_6] : memref<6400000xi32, #tpu.memory_space<hbm>> -> memref<10000xi32, #tpu.memory_space<hbm>>
    %dma_start3A_13 = tpu.memref_slice %arg13[%dma_start3A_11] : memref<2x!tpu.dma_semaphore, #tpu.memory_space<semaphore_mem>> -> memref<1x!tpu.dma_semaphore, #tpu.memory_space<semaphore_mem>>
    %dma_start3A_14 = tpu.memref_squeeze %dma_start3A_13 : memref<1x!tpu.dma_semaphore, #tpu.memory_space<semaphore_mem>> -> memref<!tpu.dma_semaphore, #tpu.memory_space<semaphore_mem>>
    %dma_start3A_15 = tpu.memref_slice %arg2[%add3A_6] : memref<6400000xi32, #tpu.memory_space<hbm>> -> memref<10000xi32, #tpu.memory_space<hbm>>
    tpu.enqueue_dma source(%dma_start3A_15 : memref<10000xi32, #tpu.memory_space<hbm>>) target(%arg6 : memref<10000xi32, #tpu.memory_space<vmem>>) target_semaphore(%dma_start3A_14 : memref<!tpu.dma_semaphore, #tpu.memory_space<semaphore_mem>>)
    %dma_start3A_16 = arith.constant 0 : i32
    %dma_start3A_17 = tpu.memref_slice %arg3[%add3A_6] : memref<6400000xi32, #tpu.memory_space<hbm>> -> memref<10000xi32, #tpu.memory_space<hbm>>
    %dma_start3A_18 = tpu.memref_slice %arg13[%dma_start3A_16] : memref<2x!tpu.dma_semaphore, #tpu.memory_space<semaphore_mem>> -> memref<1x!tpu.dma_semaphore, #tpu.memory_space<semaphore_mem>>
    %dma_start3A_19 = tpu.memref_squeeze %dma_start3A_18 : memref<1x!tpu.dma_semaphore, #tpu.memory_space<semaphore_mem>> -> memref<!tpu.dma_semaphore, #tpu.memory_space<semaphore_mem>>
    %dma_start3A_20 = tpu.memref_slice %arg3[%add3A_6] : memref<6400000xi32, #tpu.memory_space<hbm>> -> memref<10000xi32, #tpu.memory_space<hbm>>
    tpu.enqueue_dma source(%dma_start3A_20 : memref<10000xi32, #tpu.memory_space<hbm>>) target(%arg8 : memref<10000xi32, #tpu.memory_space<vmem>>) target_semaphore(%dma_start3A_19 : memref<!tpu.dma_semaphore, #tpu.memory_space<semaphore_mem>>)
    %scan3A = arith.constant 0 : i32
    %scan3A_21 = arith.constant 391 : i32
    %scan3A_22 = arith.addi %scan3A, %scan3A_21 : i32
    %scan3A_23 = arith.constant 1 : i32
    scf.for %scan3A_135 = %scan3A to %scan3A_22 step %scan3A_23  : i32 {
      %broadcast_in_dim3A = arith.constant 0.000000e+00 : f32
      %broadcast_in_dim3A_136 = vector.broadcast %broadcast_in_dim3A : f32 to vector<16xf32>
      %mul3A_137 = arith.constant 16 : i32
      %mul3A_138 = arith.muli %scan3A_135, %mul3A_137 : i32
      %swap3A = arith.index_cast %mul3A_138 : i32 to index
      %swap3A_139 = tpu.vector_load %arg12[%swap3A] {strides = array<i32>} : memref<6256xf32, #tpu.memory_space<vmem>>, vector<16xf32>,
      %swap3A_140 = vector.shape_cast %swap3A_139 : vector<16xf32> to vector<16xf32>
      %swap3A_141 = vector.shape_cast %broadcast_in_dim3A_136 : vector<16xf32> to vector<16xf32>
      tpu.vector_store %arg12[%swap3A], %swap3A_141 {strides = array<i32>} : memref<6256xf32, #tpu.memory_space<vmem>>, vector<16xf32>,
    }
    %scan3A_24 = arith.constant 391 : i32
    "tpu.region"() ({
      %run_scoped3A = tpu.sem_alloc : memref<!tpu.dma_semaphore, #tpu.memory_space<semaphore_mem>>
      %dma_start3A_135 = tpu.memref_slice %arg15[%mul3A_0] : memref<100096xf32, #tpu.memory_space<vmem_shared>> -> memref<6256xf32, #tpu.memory_space<vmem_shared>>
      %dma_start3A_136 = tpu.memref_slice %arg15[%mul3A_0] : memref<100096xf32, #tpu.memory_space<vmem_shared>> -> memref<6256xf32, #tpu.memory_space<vmem_shared>>
      tpu.enqueue_dma source(%arg12 : memref<6256xf32, #tpu.memory_space<vmem>>) target(%dma_start3A_136 : memref<6256xf32, #tpu.memory_space<vmem_shared>>) target_semaphore(%run_scoped3A : memref<!tpu.dma_semaphore, #tpu.memory_space<semaphore_mem>>)
      %dma_wait3A_137 = tpu.memref_slice %arg15[%mul3A_0] : memref<100096xf32, #tpu.memory_space<vmem_shared>> -> memref<6256xf32, #tpu.memory_space<vmem_shared>>
      %dma_wait3A_138 = tpu.memref_slice %arg15[%mul3A_0] : memref<100096xf32, #tpu.memory_space<vmem_shared>> -> memref<6256xf32, #tpu.memory_space<vmem_shared>>
      tpu.wait_dma2 semaphore(%run_scoped3A : memref<!tpu.dma_semaphore, #tpu.memory_space<semaphore_mem>>) src(%arg12 : memref<6256xf32, #tpu.memory_space<vmem>>) dst(%dma_wait3A_138 : memref<6256xf32, #tpu.memory_space<vmem_shared>>)
      tpu.yield
    }) : () -> ()
    "tpu.region"() ({
      %run_scoped3A = tpu.sem_alloc : memref<!tpu.dma_semaphore, #tpu.memory_space<semaphore_mem>>
      %dma_start3A_135 = tpu.memref_slice %arg16[%mul3A_0] : memref<100096xf32, #tpu.memory_space<vmem_shared>> -> memref<6256xf32, #tpu.memory_space<vmem_shared>>
      %dma_start3A_136 = tpu.memref_slice %arg16[%mul3A_0] : memref<100096xf32, #tpu.memory_space<vmem_shared>> -> memref<6256xf32, #tpu.memory_space<vmem_shared>>
      tpu.enqueue_dma source(%arg12 : memref<6256xf32, #tpu.memory_space<vmem>>) target(%dma_start3A_136 : memref<6256xf32, #tpu.memory_space<vmem_shared>>) target_semaphore(%run_scoped3A : memref<!tpu.dma_semaphore, #tpu.memory_space<semaphore_mem>>)
      %dma_wait3A_137 = tpu.memref_slice %arg16[%mul3A_0] : memref<100096xf32, #tpu.memory_space<vmem_shared>> -> memref<6256xf32, #tpu.memory_space<vmem_shared>>
      %dma_wait3A_138 = tpu.memref_slice %arg16[%mul3A_0] : memref<100096xf32, #tpu.memory_space<vmem_shared>> -> memref<6256xf32, #tpu.memory_space<vmem_shared>>
      tpu.wait_dma2 semaphore(%run_scoped3A : memref<!tpu.dma_semaphore, #tpu.memory_space<semaphore_mem>>) src(%arg12 : memref<6256xf32, #tpu.memory_space<vmem>>) dst(%dma_wait3A_138 : memref<6256xf32, #tpu.memory_space<vmem_shared>>)
      tpu.yield
    }) : () -> ()
    %barrier3A = arith.constant 0 : index
    tpu.barrier barrier_id(%barrier3A)
    %add3A_25 = arith.constant 0 : i32
    %add3A_26 = arith.addi %mul3A_4, %add3A_25 : i32
    %dma_wait3A = arith.constant 0 : i32
    %dma_wait3A_27 = tpu.memref_slice %arg4[%add3A_26] : memref<6400000xf32, #tpu.memory_space<hbm>> -> memref<10000xf32, #tpu.memory_space<hbm>>
    %dma_wait3A_28 = tpu.memref_slice %arg13[%dma_wait3A] : memref<2x!tpu.dma_semaphore, #tpu.memory_space<semaphore_mem>> -> memref<1x!tpu.dma_semaphore, #tpu.memory_space<semaphore_mem>>
    %dma_wait3A_29 = tpu.memref_squeeze %dma_wait3A_28 : memref<1x!tpu.dma_semaphore, #tpu.memory_space<semaphore_mem>> -> memref<!tpu.dma_semaphore, #tpu.memory_space<semaphore_mem>>
    %dma_wait3A_30 = tpu.memref_slice %arg4[%add3A_26] : memref<6400000xf32, #tpu.memory_space<hbm>> -> memref<10000xf32, #tpu.memory_space<hbm>>
    tpu.wait_dma2 semaphore(%dma_wait3A_29 : memref<!tpu.dma_semaphore, #tpu.memory_space<semaphore_mem>>) src(%dma_wait3A_30 : memref<10000xf32, #tpu.memory_space<hbm>>) dst(%arg10 : memref<10000xf32, #tpu.memory_space<vmem>>)
    %dma_wait3A_31 = arith.constant 0 : i32
    %dma_wait3A_32 = tpu.memref_slice %arg2[%add3A_26] : memref<6400000xi32, #tpu.memory_space<hbm>> -> memref<10000xi32, #tpu.memory_space<hbm>>
    %dma_wait3A_33 = tpu.memref_slice %arg13[%dma_wait3A_31] : memref<2x!tpu.dma_semaphore, #tpu.memory_space<semaphore_mem>> -> memref<1x!tpu.dma_semaphore, #tpu.memory_space<semaphore_mem>>
    %dma_wait3A_34 = tpu.memref_squeeze %dma_wait3A_33 : memref<1x!tpu.dma_semaphore, #tpu.memory_space<semaphore_mem>> -> memref<!tpu.dma_semaphore, #tpu.memory_space<semaphore_mem>>
    %dma_wait3A_35 = tpu.memref_slice %arg2[%add3A_26] : memref<6400000xi32, #tpu.memory_space<hbm>> -> memref<10000xi32, #tpu.memory_space<hbm>>
    tpu.wait_dma2 semaphore(%dma_wait3A_34 : memref<!tpu.dma_semaphore, #tpu.memory_space<semaphore_mem>>) src(%dma_wait3A_35 : memref<10000xi32, #tpu.memory_space<hbm>>) dst(%arg6 : memref<10000xi32, #tpu.memory_space<vmem>>)
    %dma_wait3A_36 = arith.constant 0 : i32
    %dma_wait3A_37 = tpu.memref_slice %arg3[%add3A_26] : memref<6400000xi32, #tpu.memory_space<hbm>> -> memref<10000xi32, #tpu.memory_space<hbm>>
    %dma_wait3A_38 = tpu.memref_slice %arg13[%dma_wait3A_36] : memref<2x!tpu.dma_semaphore, #tpu.memory_space<semaphore_mem>> -> memref<1x!tpu.dma_semaphore, #tpu.memory_space<semaphore_mem>>
    %dma_wait3A_39 = tpu.memref_squeeze %dma_wait3A_38 : memref<1x!tpu.dma_semaphore, #tpu.memory_space<semaphore_mem>> -> memref<!tpu.dma_semaphore, #tpu.memory_space<semaphore_mem>>
    %dma_wait3A_40 = tpu.memref_slice %arg3[%add3A_26] : memref<6400000xi32, #tpu.memory_space<hbm>> -> memref<10000xi32, #tpu.memory_space<hbm>>
    tpu.wait_dma2 semaphore(%dma_wait3A_39 : memref<!tpu.dma_semaphore, #tpu.memory_space<semaphore_mem>>) src(%dma_wait3A_40 : memref<10000xi32, #tpu.memory_space<hbm>>) dst(%arg8 : memref<10000xi32, #tpu.memory_space<vmem>>)
    %dma_start3A_41 = arith.constant 0 : i32
    %dma_start3A_42 = arith.constant 0 : i32
    %dma_start3A_43 = tpu.memref_slice %arg15[%dma_start3A_42] : memref<100096xf32, #tpu.memory_space<vmem_shared>> -> memref<100096xf32, #tpu.memory_space<vmem_shared>>
    %dma_start3A_44 = tpu.memref_slice %arg14[%dma_start3A_41] : memref<2x!tpu.dma_semaphore, #tpu.memory_space<semaphore_mem>> -> memref<1x!tpu.dma_semaphore, #tpu.memory_space<semaphore_mem>>
    %dma_start3A_45 = tpu.memref_squeeze %dma_start3A_44 : memref<1x!tpu.dma_semaphore, #tpu.memory_space<semaphore_mem>> -> memref<!tpu.dma_semaphore, #tpu.memory_space<semaphore_mem>>
    tpu.enqueue_indirect_dma source(%arg10 : memref<10000xf32, #tpu.memory_space<vmem>>) target(%dma_start3A_43 : memref<100096xf32, #tpu.memory_space<vmem_shared>>) offsets(%arg6 : memref<10000xi32, #tpu.memory_space<vmem>>) semaphore(%dma_start3A_45 : memref<!tpu.dma_semaphore, #tpu.memory_space<semaphore_mem>>) {add = true}
    %dma_start3A_46 = arith.constant 0 : i32
    %dma_start3A_47 = arith.constant 0 : i32
    %dma_start3A_48 = tpu.memref_slice %arg16[%dma_start3A_47] : memref<100096xf32, #tpu.memory_space<vmem_shared>> -> memref<100096xf32, #tpu.memory_space<vmem_shared>>
    %dma_start3A_49 = tpu.memref_slice %arg14[%dma_start3A_46] : memref<2x!tpu.dma_semaphore, #tpu.memory_space<semaphore_mem>> -> memref<1x!tpu.dma_semaphore, #tpu.memory_space<semaphore_mem>>
    %dma_start3A_50 = tpu.memref_squeeze %dma_start3A_49 : memref<1x!tpu.dma_semaphore, #tpu.memory_space<semaphore_mem>> -> memref<!tpu.dma_semaphore, #tpu.memory_space<semaphore_mem>>
    tpu.enqueue_indirect_dma source(%arg10 : memref<10000xf32, #tpu.memory_space<vmem>>) target(%dma_start3A_48 : memref<100096xf32, #tpu.memory_space<vmem_shared>>) offsets(%arg8 : memref<10000xi32, #tpu.memory_space<vmem>>) semaphore(%dma_start3A_50 : memref<!tpu.dma_semaphore, #tpu.memory_space<semaphore_mem>>) {add = true}
    %add3A_51 = arith.constant 10000 : i32
    %add3A_52 = arith.addi %mul3A_4, %add3A_51 : i32
    %dma_start3A_53 = arith.constant 1 : i32
    %dma_start3A_54 = tpu.memref_slice %arg4[%add3A_52] : memref<6400000xf32, #tpu.memory_space<hbm>> -> memref<10000xf32, #tpu.memory_space<hbm>>
    %dma_start3A_55 = tpu.memref_slice %arg13[%dma_start3A_53] : memref<2x!tpu.dma_semaphore, #tpu.memory_space<semaphore_mem>> -> memref<1x!tpu.dma_semaphore, #tpu.memory_space<semaphore_mem>>
    %dma_start3A_56 = tpu.memref_squeeze %dma_start3A_55 : memref<1x!tpu.dma_semaphore, #tpu.memory_space<semaphore_mem>> -> memref<!tpu.dma_semaphore, #tpu.memory_space<semaphore_mem>>
    %dma_start3A_57 = tpu.memref_slice %arg4[%add3A_52] : memref<6400000xf32, #tpu.memory_space<hbm>> -> memref<10000xf32, #tpu.memory_space<hbm>>
    tpu.enqueue_dma source(%dma_start3A_57 : memref<10000xf32, #tpu.memory_space<hbm>>) target(%arg11 : memref<10000xf32, #tpu.memory_space<vmem>>) target_semaphore(%dma_start3A_56 : memref<!tpu.dma_semaphore, #tpu.memory_space<semaphore_mem>>)
    %dma_start3A_58 = arith.constant 1 : i32
    %dma_start3A_59 = tpu.memref_slice %arg2[%add3A_52] : memref<6400000xi32, #tpu.memory_space<hbm>> -> memref<10000xi32, #tpu.memory_space<hbm>>
    %dma_start3A_60 = tpu.memref_slice %arg13[%dma_start3A_58] : memref<2x!tpu.dma_semaphore, #tpu.memory_space<semaphore_mem>> -> memref<1x!tpu.dma_semaphore, #tpu.memory_space<semaphore_mem>>
    %dma_start3A_61 = tpu.memref_squeeze %dma_start3A_60 : memref<1x!tpu.dma_semaphore, #tpu.memory_space<semaphore_mem>> -> memref<!tpu.dma_semaphore, #tpu.memory_space<semaphore_mem>>
    %dma_start3A_62 = tpu.memref_slice %arg2[%add3A_52] : memref<6400000xi32, #tpu.memory_space<hbm>> -> memref<10000xi32, #tpu.memory_space<hbm>>
    tpu.enqueue_dma source(%dma_start3A_62 : memref<10000xi32, #tpu.memory_space<hbm>>) target(%arg7 : memref<10000xi32, #tpu.memory_space<vmem>>) target_semaphore(%dma_start3A_61 : memref<!tpu.dma_semaphore, #tpu.memory_space<semaphore_mem>>)
    %dma_start3A_63 = arith.constant 1 : i32
    %dma_start3A_64 = tpu.memref_slice %arg3[%add3A_52] : memref<6400000xi32, #tpu.memory_space<hbm>> -> memref<10000xi32, #tpu.memory_space<hbm>>
    %dma_start3A_65 = tpu.memref_slice %arg13[%dma_start3A_63] : memref<2x!tpu.dma_semaphore, #tpu.memory_space<semaphore_mem>> -> memref<1x!tpu.dma_semaphore, #tpu.memory_space<semaphore_mem>>
    %dma_start3A_66 = tpu.memref_squeeze %dma_start3A_65 : memref<1x!tpu.dma_semaphore, #tpu.memory_space<semaphore_mem>> -> memref<!tpu.dma_semaphore, #tpu.memory_space<semaphore_mem>>
    %dma_start3A_67 = tpu.memref_slice %arg3[%add3A_52] : memref<6400000xi32, #tpu.memory_space<hbm>> -> memref<10000xi32, #tpu.memory_space<hbm>>
    tpu.enqueue_dma source(%dma_start3A_67 : memref<10000xi32, #tpu.memory_space<hbm>>) target(%arg9 : memref<10000xi32, #tpu.memory_space<vmem>>) target_semaphore(%dma_start3A_66 : memref<!tpu.dma_semaphore, #tpu.memory_space<semaphore_mem>>)
    %scan3A_68 = arith.constant 0 : i32
    %scan3A_69 = arith.constant 9 : i32
    %scan3A_70 = arith.addi %scan3A_68, %scan3A_69 : i32
    %scan3A_71 = arith.constant 1 : i32
    scf.for %scan3A_135 = %scan3A_68 to %scan3A_70 step %scan3A_71  : i32 {
      %mul3A_136 = arith.constant 2 : i32
      %mul3A_137 = arith.muli %mul3A_136, %scan3A_135 : i32
      %add3A_138 = arith.constant 1 : i32
      %add3A_139 = arith.addi %mul3A_137, %add3A_138 : i32
      %mul3A_140 = arith.constant 10000 : i32
      %mul3A_141 = arith.muli %add3A_139, %mul3A_140 : i32
      %add3A_142 = arith.addi %mul3A_4, %mul3A_141 : i32
      %dma_wait3A_143 = arith.constant 1 : i32
      %dma_wait3A_144 = tpu.memref_slice %arg4[%add3A_142] : memref<6400000xf32, #tpu.memory_space<hbm>> -> memref<10000xf32, #tpu.memory_space<hbm>>
      %dma_wait3A_145 = tpu.memref_slice %arg13[%dma_wait3A_143] : memref<2x!tpu.dma_semaphore, #tpu.memory_space<semaphore_mem>> -> memref<1x!tpu.dma_semaphore, #tpu.memory_space<semaphore_mem>>
      %dma_wait3A_146 = tpu.memref_squeeze %dma_wait3A_145 : memref<1x!tpu.dma_semaphore, #tpu.memory_space<semaphore_mem>> -> memref<!tpu.dma_semaphore, #tpu.memory_space<semaphore_mem>>
      %dma_wait3A_147 = tpu.memref_slice %arg4[%add3A_142] : memref<6400000xf32, #tpu.memory_space<hbm>> -> memref<10000xf32, #tpu.memory_space<hbm>>
      tpu.wait_dma2 semaphore(%dma_wait3A_146 : memref<!tpu.dma_semaphore, #tpu.memory_space<semaphore_mem>>) src(%dma_wait3A_147 : memref<10000xf32, #tpu.memory_space<hbm>>) dst(%arg11 : memref<10000xf32, #tpu.memory_space<vmem>>)
      %dma_wait3A_148 = arith.constant 1 : i32
      %dma_wait3A_149 = tpu.memref_slice %arg2[%add3A_142] : memref<6400000xi32, #tpu.memory_space<hbm>> -> memref<10000xi32, #tpu.memory_space<hbm>>
      %dma_wait3A_150 = tpu.memref_slice %arg13[%dma_wait3A_148] : memref<2x!tpu.dma_semaphore, #tpu.memory_space<semaphore_mem>> -> memref<1x!tpu.dma_semaphore, #tpu.memory_space<semaphore_mem>>
      %dma_wait3A_151 = tpu.memref_squeeze %dma_wait3A_150 : memref<1x!tpu.dma_semaphore, #tpu.memory_space<semaphore_mem>> -> memref<!tpu.dma_semaphore, #tpu.memory_space<semaphore_mem>>
      %dma_wait3A_152 = tpu.memref_slice %arg2[%add3A_142] : memref<6400000xi32, #tpu.memory_space<hbm>> -> memref<10000xi32, #tpu.memory_space<hbm>>
      tpu.wait_dma2 semaphore(%dma_wait3A_151 : memref<!tpu.dma_semaphore, #tpu.memory_space<semaphore_mem>>) src(%dma_wait3A_152 : memref<10000xi32, #tpu.memory_space<hbm>>) dst(%arg7 : memref<10000xi32, #tpu.memory_space<vmem>>)
      %dma_wait3A_153 = arith.constant 1 : i32
      %dma_wait3A_154 = tpu.memref_slice %arg3[%add3A_142] : memref<6400000xi32, #tpu.memory_space<hbm>> -> memref<10000xi32, #tpu.memory_space<hbm>>
      %dma_wait3A_155 = tpu.memref_slice %arg13[%dma_wait3A_153] : memref<2x!tpu.dma_semaphore, #tpu.memory_space<semaphore_mem>> -> memref<1x!tpu.dma_semaphore, #tpu.memory_space<semaphore_mem>>
      %dma_wait3A_156 = tpu.memref_squeeze %dma_wait3A_155 : memref<1x!tpu.dma_semaphore, #tpu.memory_space<semaphore_mem>> -> memref<!tpu.dma_semaphore, #tpu.memory_space<semaphore_mem>>
      %dma_wait3A_157 = tpu.memref_slice %arg3[%add3A_142] : memref<6400000xi32, #tpu.memory_space<hbm>> -> memref<10000xi32, #tpu.memory_space<hbm>>
      tpu.wait_dma2 semaphore(%dma_wait3A_156 : memref<!tpu.dma_semaphore, #tpu.memory_space<semaphore_mem>>) src(%dma_wait3A_157 : memref<10000xi32, #tpu.memory_space<hbm>>) dst(%arg9 : memref<10000xi32, #tpu.memory_space<vmem>>)
      %dma_start3A_158 = arith.constant 1 : i32
      %dma_start3A_159 = arith.constant 0 : i32
      %dma_start3A_160 = tpu.memref_slice %arg15[%dma_start3A_159] : memref<100096xf32, #tpu.memory_space<vmem_shared>> -> memref<100096xf32, #tpu.memory_space<vmem_shared>>
      %dma_start3A_161 = tpu.memref_slice %arg14[%dma_start3A_158] : memref<2x!tpu.dma_semaphore, #tpu.memory_space<semaphore_mem>> -> memref<1x!tpu.dma_semaphore, #tpu.memory_space<semaphore_mem>>
      %dma_start3A_162 = tpu.memref_squeeze %dma_start3A_161 : memref<1x!tpu.dma_semaphore, #tpu.memory_space<semaphore_mem>> -> memref<!tpu.dma_semaphore, #tpu.memory_space<semaphore_mem>>
      tpu.enqueue_indirect_dma source(%arg11 : memref<10000xf32, #tpu.memory_space<vmem>>) target(%dma_start3A_160 : memref<100096xf32, #tpu.memory_space<vmem_shared>>) offsets(%arg7 : memref<10000xi32, #tpu.memory_space<vmem>>) semaphore(%dma_start3A_162 : memref<!tpu.dma_semaphore, #tpu.memory_space<semaphore_mem>>) {add = true}
      %dma_start3A_163 = arith.constant 1 : i32
      %dma_start3A_164 = arith.constant 0 : i32
      %dma_start3A_165 = tpu.memref_slice %arg16[%dma_start3A_164] : memref<100096xf32, #tpu.memory_space<vmem_shared>> -> memref<100096xf32, #tpu.memory_space<vmem_shared>>
      %dma_start3A_166 = tpu.memref_slice %arg14[%dma_start3A_163] : memref<2x!tpu.dma_semaphore, #tpu.memory_space<semaphore_mem>> -> memref<1x!tpu.dma_semaphore, #tpu.memory_space<semaphore_mem>>
      %dma_start3A_167 = tpu.memref_squeeze %dma_start3A_166 : memref<1x!tpu.dma_semaphore, #tpu.memory_space<semaphore_mem>> -> memref<!tpu.dma_semaphore, #tpu.memory_space<semaphore_mem>>
      tpu.enqueue_indirect_dma source(%arg11 : memref<10000xf32, #tpu.memory_space<vmem>>) target(%dma_start3A_165 : memref<100096xf32, #tpu.memory_space<vmem_shared>>) offsets(%arg9 : memref<10000xi32, #tpu.memory_space<vmem>>) semaphore(%dma_start3A_167 : memref<!tpu.dma_semaphore, #tpu.memory_space<semaphore_mem>>) {add = true}
      %dma_wait3A_168 = arith.constant 0 : i32
      %dma_wait3A_169 = arith.constant 0 : i32
      %dma_wait3A_170 = tpu.memref_slice %arg15[%dma_wait3A_169] : memref<100096xf32, #tpu.memory_space<vmem_shared>> -> memref<100096xf32, #tpu.memory_space<vmem_shared>>
      %dma_wait3A_171 = tpu.memref_slice %arg14[%dma_wait3A_168] : memref<2x!tpu.dma_semaphore, #tpu.memory_space<semaphore_mem>> -> memref<1x!tpu.dma_semaphore, #tpu.memory_space<semaphore_mem>>
      %dma_wait3A_172 = tpu.memref_squeeze %dma_wait3A_171 : memref<1x!tpu.dma_semaphore, #tpu.memory_space<semaphore_mem>> -> memref<!tpu.dma_semaphore, #tpu.memory_space<semaphore_mem>>
      tpu.wait_indirect_dma semaphore(%dma_wait3A_172 : memref<!tpu.dma_semaphore, #tpu.memory_space<semaphore_mem>>) src(%arg10 : memref<10000xf32, #tpu.memory_space<vmem>>) dst(%dma_wait3A_170 : memref<100096xf32, #tpu.memory_space<vmem_shared>>)
      %dma_wait3A_173 = arith.constant 0 : i32
      %dma_wait3A_174 = arith.constant 0 : i32
      %dma_wait3A_175 = tpu.memref_slice %arg16[%dma_wait3A_174] : memref<100096xf32, #tpu.memory_space<vmem_shared>> -> memref<100096xf32, #tpu.memory_space<vmem_shared>>
      %dma_wait3A_176 = tpu.memref_slice %arg14[%dma_wait3A_173] : memref<2x!tpu.dma_semaphore, #tpu.memory_space<semaphore_mem>> -> memref<1x!tpu.dma_semaphore, #tpu.memory_space<semaphore_mem>>
      %dma_wait3A_177 = tpu.memref_squeeze %dma_wait3A_176 : memref<1x!tpu.dma_semaphore, #tpu.memory_space<semaphore_mem>> -> memref<!tpu.dma_semaphore, #tpu.memory_space<semaphore_mem>>
      tpu.wait_indirect_dma semaphore(%dma_wait3A_177 : memref<!tpu.dma_semaphore, #tpu.memory_space<semaphore_mem>>) src(%arg10 : memref<10000xf32, #tpu.memory_space<vmem>>) dst(%dma_wait3A_175 : memref<100096xf32, #tpu.memory_space<vmem_shared>>)
      %add3A_178 = arith.constant 1 : i32
      %add3A_179 = arith.addi %add3A_139, %add3A_178 : i32
      %mul3A_180 = arith.constant 10000 : i32
      %mul3A_181 = arith.muli %add3A_179, %mul3A_180 : i32
      %add3A_182 = arith.addi %mul3A_4, %mul3A_181 : i32
      %dma_start3A_183 = arith.constant 0 : i32
      %dma_start3A_184 = tpu.memref_slice %arg4[%add3A_182] : memref<6400000xf32, #tpu.memory_space<hbm>> -> memref<10000xf32, #tpu.memory_space<hbm>>
      %dma_start3A_185 = tpu.memref_slice %arg13[%dma_start3A_183] : memref<2x!tpu.dma_semaphore, #tpu.memory_space<semaphore_mem>> -> memref<1x!tpu.dma_semaphore, #tpu.memory_space<semaphore_mem>>
      %dma_start3A_186 = tpu.memref_squeeze %dma_start3A_185 : memref<1x!tpu.dma_semaphore, #tpu.memory_space<semaphore_mem>> -> memref<!tpu.dma_semaphore, #tpu.memory_space<semaphore_mem>>
      %dma_start3A_187 = tpu.memref_slice %arg4[%add3A_182] : memref<6400000xf32, #tpu.memory_space<hbm>> -> memref<10000xf32, #tpu.memory_space<hbm>>
      tpu.enqueue_dma source(%dma_start3A_187 : memref<10000xf32, #tpu.memory_space<hbm>>) target(%arg10 : memref<10000xf32, #tpu.memory_space<vmem>>) target_semaphore(%dma_start3A_186 : memref<!tpu.dma_semaphore, #tpu.memory_space<semaphore_mem>>)
      %dma_start3A_188 = arith.constant 0 : i32
      %dma_start3A_189 = tpu.memref_slice %arg2[%add3A_182] : memref<6400000xi32, #tpu.memory_space<hbm>> -> memref<10000xi32, #tpu.memory_space<hbm>>
      %dma_start3A_190 = tpu.memref_slice %arg13[%dma_start3A_188] : memref<2x!tpu.dma_semaphore, #tpu.memory_space<semaphore_mem>> -> memref<1x!tpu.dma_semaphore, #tpu.memory_space<semaphore_mem>>
      %dma_start3A_191 = tpu.memref_squeeze %dma_start3A_190 : memref<1x!tpu.dma_semaphore, #tpu.memory_space<semaphore_mem>> -> memref<!tpu.dma_semaphore, #tpu.memory_space<semaphore_mem>>
      %dma_start3A_192 = tpu.memref_slice %arg2[%add3A_182] : memref<6400000xi32, #tpu.memory_space<hbm>> -> memref<10000xi32, #tpu.memory_space<hbm>>
      tpu.enqueue_dma source(%dma_start3A_192 : memref<10000xi32, #tpu.memory_space<hbm>>) target(%arg6 : memref<10000xi32, #tpu.memory_space<vmem>>) target_semaphore(%dma_start3A_191 : memref<!tpu.dma_semaphore, #tpu.memory_space<semaphore_mem>>)
      %dma_start3A_193 = arith.constant 0 : i32
      %dma_start3A_194 = tpu.memref_slice %arg3[%add3A_182] : memref<6400000xi32, #tpu.memory_space<hbm>> -> memref<10000xi32, #tpu.memory_space<hbm>>
      %dma_start3A_195 = tpu.memref_slice %arg13[%dma_start3A_193] : memref<2x!tpu.dma_semaphore, #tpu.memory_space<semaphore_mem>> -> memref<1x!tpu.dma_semaphore, #tpu.memory_space<semaphore_mem>>
      %dma_start3A_196 = tpu.memref_squeeze %dma_start3A_195 : memref<1x!tpu.dma_semaphore, #tpu.memory_space<semaphore_mem>> -> memref<!tpu.dma_semaphore, #tpu.memory_space<semaphore_mem>>
      %dma_start3A_197 = tpu.memref_slice %arg3[%add3A_182] : memref<6400000xi32, #tpu.memory_space<hbm>> -> memref<10000xi32, #tpu.memory_space<hbm>>
      tpu.enqueue_dma source(%dma_start3A_197 : memref<10000xi32, #tpu.memory_space<hbm>>) target(%arg8 : memref<10000xi32, #tpu.memory_space<vmem>>) target_semaphore(%dma_start3A_196 : memref<!tpu.dma_semaphore, #tpu.memory_space<semaphore_mem>>)
      %mul3A_198 = arith.constant 2 : i32
      %mul3A_199 = arith.muli %mul3A_198, %scan3A_135 : i32
      %add3A_200 = arith.constant 2 : i32
      %add3A_201 = arith.addi %mul3A_199, %add3A_200 : i32
      %mul3A_202 = arith.constant 10000 : i32
      %mul3A_203 = arith.muli %add3A_201, %mul3A_202 : i32
      %add3A_204 = arith.addi %mul3A_4, %mul3A_203 : i32
      %dma_wait3A_205 = arith.constant 0 : i32
      %dma_wait3A_206 = tpu.memref_slice %arg4[%add3A_204] : memref<6400000xf32, #tpu.memory_space<hbm>> -> memref<10000xf32, #tpu.memory_space<hbm>>
      %dma_wait3A_207 = tpu.memref_slice %arg13[%dma_wait3A_205] : memref<2x!tpu.dma_semaphore, #tpu.memory_space<semaphore_mem>> -> memref<1x!tpu.dma_semaphore, #tpu.memory_space<semaphore_mem>>
      %dma_wait3A_208 = tpu.memref_squeeze %dma_wait3A_207 : memref<1x!tpu.dma_semaphore, #tpu.memory_space<semaphore_mem>> -> memref<!tpu.dma_semaphore, #tpu.memory_space<semaphore_mem>>
      %dma_wait3A_209 = tpu.memref_slice %arg4[%add3A_204] : memref<6400000xf32, #tpu.memory_space<hbm>> -> memref<10000xf32, #tpu.memory_space<hbm>>
      tpu.wait_dma2 semaphore(%dma_wait3A_208 : memref<!tpu.dma_semaphore, #tpu.memory_space<semaphore_mem>>) src(%dma_wait3A_209 : memref<10000xf32, #tpu.memory_space<hbm>>) dst(%arg10 : memref<10000xf32, #tpu.memory_space<vmem>>)
      %dma_wait3A_210 = arith.constant 0 : i32
      %dma_wait3A_211 = tpu.memref_slice %arg2[%add3A_204] : memref<6400000xi32, #tpu.memory_space<hbm>> -> memref<10000xi32, #tpu.memory_space<hbm>>
      %dma_wait3A_212 = tpu.memref_slice %arg13[%dma_wait3A_210] : memref<2x!tpu.dma_semaphore, #tpu.memory_space<semaphore_mem>> -> memref<1x!tpu.dma_semaphore, #tpu.memory_space<semaphore_mem>>
      %dma_wait3A_213 = tpu.memref_squeeze %dma_wait3A_212 : memref<1x!tpu.dma_semaphore, #tpu.memory_space<semaphore_mem>> -> memref<!tpu.dma_semaphore, #tpu.memory_space<semaphore_mem>>
      %dma_wait3A_214 = tpu.memref_slice %arg2[%add3A_204] : memref<6400000xi32, #tpu.memory_space<hbm>> -> memref<10000xi32, #tpu.memory_space<hbm>>
      tpu.wait_dma2 semaphore(%dma_wait3A_213 : memref<!tpu.dma_semaphore, #tpu.memory_space<semaphore_mem>>) src(%dma_wait3A_214 : memref<10000xi32, #tpu.memory_space<hbm>>) dst(%arg6 : memref<10000xi32, #tpu.memory_space<vmem>>)
      %dma_wait3A_215 = arith.constant 0 : i32
      %dma_wait3A_216 = tpu.memref_slice %arg3[%add3A_204] : memref<6400000xi32, #tpu.memory_space<hbm>> -> memref<10000xi32, #tpu.memory_space<hbm>>
      %dma_wait3A_217 = tpu.memref_slice %arg13[%dma_wait3A_215] : memref<2x!tpu.dma_semaphore, #tpu.memory_space<semaphore_mem>> -> memref<1x!tpu.dma_semaphore, #tpu.memory_space<semaphore_mem>>
      %dma_wait3A_218 = tpu.memref_squeeze %dma_wait3A_217 : memref<1x!tpu.dma_semaphore, #tpu.memory_space<semaphore_mem>> -> memref<!tpu.dma_semaphore, #tpu.memory_space<semaphore_mem>>
      %dma_wait3A_219 = tpu.memref_slice %arg3[%add3A_204] : memref<6400000xi32, #tpu.memory_space<hbm>> -> memref<10000xi32, #tpu.memory_space<hbm>>
      tpu.wait_dma2 semaphore(%dma_wait3A_218 : memref<!tpu.dma_semaphore, #tpu.memory_space<semaphore_mem>>) src(%dma_wait3A_219 : memref<10000xi32, #tpu.memory_space<hbm>>) dst(%arg8 : memref<10000xi32, #tpu.memory_space<vmem>>)
      %dma_start3A_220 = arith.constant 0 : i32
      %dma_start3A_221 = arith.constant 0 : i32
      %dma_start3A_222 = tpu.memref_slice %arg15[%dma_start3A_221] : memref<100096xf32, #tpu.memory_space<vmem_shared>> -> memref<100096xf32, #tpu.memory_space<vmem_shared>>
      %dma_start3A_223 = tpu.memref_slice %arg14[%dma_start3A_220] : memref<2x!tpu.dma_semaphore, #tpu.memory_space<semaphore_mem>> -> memref<1x!tpu.dma_semaphore, #tpu.memory_space<semaphore_mem>>
      %dma_start3A_224 = tpu.memref_squeeze %dma_start3A_223 : memref<1x!tpu.dma_semaphore, #tpu.memory_space<semaphore_mem>> -> memref<!tpu.dma_semaphore, #tpu.memory_space<semaphore_mem>>
      tpu.enqueue_indirect_dma source(%arg10 : memref<10000xf32, #tpu.memory_space<vmem>>) target(%dma_start3A_222 : memref<100096xf32, #tpu.memory_space<vmem_shared>>) offsets(%arg6 : memref<10000xi32, #tpu.memory_space<vmem>>) semaphore(%dma_start3A_224 : memref<!tpu.dma_semaphore, #tpu.memory_space<semaphore_mem>>) {add = true}
      %dma_start3A_225 = arith.constant 0 : i32
      %dma_start3A_226 = arith.constant 0 : i32
      %dma_start3A_227 = tpu.memref_slice %arg16[%dma_start3A_226] : memref<100096xf32, #tpu.memory_space<vmem_shared>> -> memref<100096xf32, #tpu.memory_space<vmem_shared>>
      %dma_start3A_228 = tpu.memref_slice %arg14[%dma_start3A_225] : memref<2x!tpu.dma_semaphore, #tpu.memory_space<semaphore_mem>> -> memref<1x!tpu.dma_semaphore, #tpu.memory_space<semaphore_mem>>
      %dma_start3A_229 = tpu.memref_squeeze %dma_start3A_228 : memref<1x!tpu.dma_semaphore, #tpu.memory_space<semaphore_mem>> -> memref<!tpu.dma_semaphore, #tpu.memory_space<semaphore_mem>>
      tpu.enqueue_indirect_dma source(%arg10 : memref<10000xf32, #tpu.memory_space<vmem>>) target(%dma_start3A_227 : memref<100096xf32, #tpu.memory_space<vmem_shared>>) offsets(%arg8 : memref<10000xi32, #tpu.memory_space<vmem>>) semaphore(%dma_start3A_229 : memref<!tpu.dma_semaphore, #tpu.memory_space<semaphore_mem>>) {add = true}
      %dma_wait3A_230 = arith.constant 1 : i32
      %dma_wait3A_231 = arith.constant 0 : i32
      %dma_wait3A_232 = tpu.memref_slice %arg15[%dma_wait3A_231] : memref<100096xf32, #tpu.memory_space<vmem_shared>> -> memref<100096xf32, #tpu.memory_space<vmem_shared>>
      %dma_wait3A_233 = tpu.memref_slice %arg14[%dma_wait3A_230] : memref<2x!tpu.dma_semaphore, #tpu.memory_space<semaphore_mem>> -> memref<1x!tpu.dma_semaphore, #tpu.memory_space<semaphore_mem>>
      %dma_wait3A_234 = tpu.memref_squeeze %dma_wait3A_233 : memref<1x!tpu.dma_semaphore, #tpu.memory_space<semaphore_mem>> -> memref<!tpu.dma_semaphore, #tpu.memory_space<semaphore_mem>>
      tpu.wait_indirect_dma semaphore(%dma_wait3A_234 : memref<!tpu.dma_semaphore, #tpu.memory_space<semaphore_mem>>) src(%arg11 : memref<10000xf32, #tpu.memory_space<vmem>>) dst(%dma_wait3A_232 : memref<100096xf32, #tpu.memory_space<vmem_shared>>)
      %dma_wait3A_235 = arith.constant 1 : i32
      %dma_wait3A_236 = arith.constant 0 : i32
      %dma_wait3A_237 = tpu.memref_slice %arg16[%dma_wait3A_236] : memref<100096xf32, #tpu.memory_space<vmem_shared>> -> memref<100096xf32, #tpu.memory_space<vmem_shared>>
      %dma_wait3A_238 = tpu.memref_slice %arg14[%dma_wait3A_235] : memref<2x!tpu.dma_semaphore, #tpu.memory_space<semaphore_mem>> -> memref<1x!tpu.dma_semaphore, #tpu.memory_space<semaphore_mem>>
      %dma_wait3A_239 = tpu.memref_squeeze %dma_wait3A_238 : memref<1x!tpu.dma_semaphore, #tpu.memory_space<semaphore_mem>> -> memref<!tpu.dma_semaphore, #tpu.memory_space<semaphore_mem>>
      tpu.wait_indirect_dma semaphore(%dma_wait3A_239 : memref<!tpu.dma_semaphore, #tpu.memory_space<semaphore_mem>>) src(%arg11 : memref<10000xf32, #tpu.memory_space<vmem>>) dst(%dma_wait3A_237 : memref<100096xf32, #tpu.memory_space<vmem_shared>>)
      %add3A_240 = arith.constant 1 : i32
      %add3A_241 = arith.addi %add3A_201, %add3A_240 : i32
      %mul3A_242 = arith.constant 10000 : i32
      %mul3A_243 = arith.muli %add3A_241, %mul3A_242 : i32
      %add3A_244 = arith.addi %mul3A_4, %mul3A_243 : i32
      %dma_start3A_245 = arith.constant 1 : i32
      %dma_start3A_246 = tpu.memref_slice %arg4[%add3A_244] : memref<6400000xf32, #tpu.memory_space<hbm>> -> memref<10000xf32, #tpu.memory_space<hbm>>
      %dma_start3A_247 = tpu.memref_slice %arg13[%dma_start3A_245] : memref<2x!tpu.dma_semaphore, #tpu.memory_space<semaphore_mem>> -> memref<1x!tpu.dma_semaphore, #tpu.memory_space<semaphore_mem>>
      %dma_start3A_248 = tpu.memref_squeeze %dma_start3A_247 : memref<1x!tpu.dma_semaphore, #tpu.memory_space<semaphore_mem>> -> memref<!tpu.dma_semaphore, #tpu.memory_space<semaphore_mem>>
      %dma_start3A_249 = tpu.memref_slice %arg4[%add3A_244] : memref<6400000xf32, #tpu.memory_space<hbm>> -> memref<10000xf32, #tpu.memory_space<hbm>>
      tpu.enqueue_dma source(%dma_start3A_249 : memref<10000xf32, #tpu.memory_space<hbm>>) target(%arg11 : memref<10000xf32, #tpu.memory_space<vmem>>) target_semaphore(%dma_start3A_248 : memref<!tpu.dma_semaphore, #tpu.memory_space<semaphore_mem>>)
      %dma_start3A_250 = arith.constant 1 : i32
      %dma_start3A_251 = tpu.memref_slice %arg2[%add3A_244] : memref<6400000xi32, #tpu.memory_space<hbm>> -> memref<10000xi32, #tpu.memory_space<hbm>>
      %dma_start3A_252 = tpu.memref_slice %arg13[%dma_start3A_250] : memref<2x!tpu.dma_semaphore, #tpu.memory_space<semaphore_mem>> -> memref<1x!tpu.dma_semaphore, #tpu.memory_space<semaphore_mem>>
      %dma_start3A_253 = tpu.memref_squeeze %dma_start3A_252 : memref<1x!tpu.dma_semaphore, #tpu.memory_space<semaphore_mem>> -> memref<!tpu.dma_semaphore, #tpu.memory_space<semaphore_mem>>
      %dma_start3A_254 = tpu.memref_slice %arg2[%add3A_244] : memref<6400000xi32, #tpu.memory_space<hbm>> -> memref<10000xi32, #tpu.memory_space<hbm>>
      tpu.enqueue_dma source(%dma_start3A_254 : memref<10000xi32, #tpu.memory_space<hbm>>) target(%arg7 : memref<10000xi32, #tpu.memory_space<vmem>>) target_semaphore(%dma_start3A_253 : memref<!tpu.dma_semaphore, #tpu.memory_space<semaphore_mem>>)
      %dma_start3A_255 = arith.constant 1 : i32
      %dma_start3A_256 = tpu.memref_slice %arg3[%add3A_244] : memref<6400000xi32, #tpu.memory_space<hbm>> -> memref<10000xi32, #tpu.memory_space<hbm>>
      %dma_start3A_257 = tpu.memref_slice %arg13[%dma_start3A_255] : memref<2x!tpu.dma_semaphore, #tpu.memory_space<semaphore_mem>> -> memref<1x!tpu.dma_semaphore, #tpu.memory_space<semaphore_mem>>
      %dma_start3A_258 = tpu.memref_squeeze %dma_start3A_257 : memref<1x!tpu.dma_semaphore, #tpu.memory_space<semaphore_mem>> -> memref<!tpu.dma_semaphore, #tpu.memory_space<semaphore_mem>>
      %dma_start3A_259 = tpu.memref_slice %arg3[%add3A_244] : memref<6400000xi32, #tpu.memory_space<hbm>> -> memref<10000xi32, #tpu.memory_space<hbm>>
      tpu.enqueue_dma source(%dma_start3A_259 : memref<10000xi32, #tpu.memory_space<hbm>>) target(%arg9 : memref<10000xi32, #tpu.memory_space<vmem>>) target_semaphore(%dma_start3A_258 : memref<!tpu.dma_semaphore, #tpu.memory_space<semaphore_mem>>)
    }
    %scan3A_72 = arith.constant 9 : i32
    %add3A_73 = arith.constant 190000 : i32
    %add3A_74 = arith.addi %mul3A_4, %add3A_73 : i32
    %dma_wait3A_75 = arith.constant 1 : i32
    %dma_wait3A_76 = tpu.memref_slice %arg4[%add3A_74] : memref<6400000xf32, #tpu.memory_space<hbm>> -> memref<10000xf32, #tpu.memory_space<hbm>>
    %dma_wait3A_77 = tpu.memref_slice %arg13[%dma_wait3A_75] : memref<2x!tpu.dma_semaphore, #tpu.memory_space<semaphore_mem>> -> memref<1x!tpu.dma_semaphore, #tpu.memory_space<semaphore_mem>>
    %dma_wait3A_78 = tpu.memref_squeeze %dma_wait3A_77 : memref<1x!tpu.dma_semaphore, #tpu.memory_space<semaphore_mem>> -> memref<!tpu.dma_semaphore, #tpu.memory_space<semaphore_mem>>
    %dma_wait3A_79 = tpu.memref_slice %arg4[%add3A_74] : memref<6400000xf32, #tpu.memory_space<hbm>> -> memref<10000xf32, #tpu.memory_space<hbm>>
    tpu.wait_dma2 semaphore(%dma_wait3A_78 : memref<!tpu.dma_semaphore, #tpu.memory_space<semaphore_mem>>) src(%dma_wait3A_79 : memref<10000xf32, #tpu.memory_space<hbm>>) dst(%arg11 : memref<10000xf32, #tpu.memory_space<vmem>>)
    %dma_wait3A_80 = arith.constant 1 : i32
    %dma_wait3A_81 = tpu.memref_slice %arg2[%add3A_74] : memref<6400000xi32, #tpu.memory_space<hbm>> -> memref<10000xi32, #tpu.memory_space<hbm>>
    %dma_wait3A_82 = tpu.memref_slice %arg13[%dma_wait3A_80] : memref<2x!tpu.dma_semaphore, #tpu.memory_space<semaphore_mem>> -> memref<1x!tpu.dma_semaphore, #tpu.memory_space<semaphore_mem>>
    %dma_wait3A_83 = tpu.memref_squeeze %dma_wait3A_82 : memref<1x!tpu.dma_semaphore, #tpu.memory_space<semaphore_mem>> -> memref<!tpu.dma_semaphore, #tpu.memory_space<semaphore_mem>>
    %dma_wait3A_84 = tpu.memref_slice %arg2[%add3A_74] : memref<6400000xi32, #tpu.memory_space<hbm>> -> memref<10000xi32, #tpu.memory_space<hbm>>
    tpu.wait_dma2 semaphore(%dma_wait3A_83 : memref<!tpu.dma_semaphore, #tpu.memory_space<semaphore_mem>>) src(%dma_wait3A_84 : memref<10000xi32, #tpu.memory_space<hbm>>) dst(%arg7 : memref<10000xi32, #tpu.memory_space<vmem>>)
    %dma_wait3A_85 = arith.constant 1 : i32
    %dma_wait3A_86 = tpu.memref_slice %arg3[%add3A_74] : memref<6400000xi32, #tpu.memory_space<hbm>> -> memref<10000xi32, #tpu.memory_space<hbm>>
    %dma_wait3A_87 = tpu.memref_slice %arg13[%dma_wait3A_85] : memref<2x!tpu.dma_semaphore, #tpu.memory_space<semaphore_mem>> -> memref<1x!tpu.dma_semaphore, #tpu.memory_space<semaphore_mem>>
    %dma_wait3A_88 = tpu.memref_squeeze %dma_wait3A_87 : memref<1x!tpu.dma_semaphore, #tpu.memory_space<semaphore_mem>> -> memref<!tpu.dma_semaphore, #tpu.memory_space<semaphore_mem>>
    %dma_wait3A_89 = tpu.memref_slice %arg3[%add3A_74] : memref<6400000xi32, #tpu.memory_space<hbm>> -> memref<10000xi32, #tpu.memory_space<hbm>>
    tpu.wait_dma2 semaphore(%dma_wait3A_88 : memref<!tpu.dma_semaphore, #tpu.memory_space<semaphore_mem>>) src(%dma_wait3A_89 : memref<10000xi32, #tpu.memory_space<hbm>>) dst(%arg9 : memref<10000xi32, #tpu.memory_space<vmem>>)
    %dma_start3A_90 = arith.constant 1 : i32
    %dma_start3A_91 = arith.constant 0 : i32
    %dma_start3A_92 = tpu.memref_slice %arg15[%dma_start3A_91] : memref<100096xf32, #tpu.memory_space<vmem_shared>> -> memref<100096xf32, #tpu.memory_space<vmem_shared>>
    %dma_start3A_93 = tpu.memref_slice %arg14[%dma_start3A_90] : memref<2x!tpu.dma_semaphore, #tpu.memory_space<semaphore_mem>> -> memref<1x!tpu.dma_semaphore, #tpu.memory_space<semaphore_mem>>
    %dma_start3A_94 = tpu.memref_squeeze %dma_start3A_93 : memref<1x!tpu.dma_semaphore, #tpu.memory_space<semaphore_mem>> -> memref<!tpu.dma_semaphore, #tpu.memory_space<semaphore_mem>>
    tpu.enqueue_indirect_dma source(%arg11 : memref<10000xf32, #tpu.memory_space<vmem>>) target(%dma_start3A_92 : memref<100096xf32, #tpu.memory_space<vmem_shared>>) offsets(%arg7 : memref<10000xi32, #tpu.memory_space<vmem>>) semaphore(%dma_start3A_94 : memref<!tpu.dma_semaphore, #tpu.memory_space<semaphore_mem>>) {add = true}
    %dma_start3A_95 = arith.constant 1 : i32
    %dma_start3A_96 = arith.constant 0 : i32
    %dma_start3A_97 = tpu.memref_slice %arg16[%dma_start3A_96] : memref<100096xf32, #tpu.memory_space<vmem_shared>> -> memref<100096xf32, #tpu.memory_space<vmem_shared>>
    %dma_start3A_98 = tpu.memref_slice %arg14[%dma_start3A_95] : memref<2x!tpu.dma_semaphore, #tpu.memory_space<semaphore_mem>> -> memref<1x!tpu.dma_semaphore, #tpu.memory_space<semaphore_mem>>
    %dma_start3A_99 = tpu.memref_squeeze %dma_start3A_98 : memref<1x!tpu.dma_semaphore, #tpu.memory_space<semaphore_mem>> -> memref<!tpu.dma_semaphore, #tpu.memory_space<semaphore_mem>>
    tpu.enqueue_indirect_dma source(%arg11 : memref<10000xf32, #tpu.memory_space<vmem>>) target(%dma_start3A_97 : memref<100096xf32, #tpu.memory_space<vmem_shared>>) offsets(%arg9 : memref<10000xi32, #tpu.memory_space<vmem>>) semaphore(%dma_start3A_99 : memref<!tpu.dma_semaphore, #tpu.memory_space<semaphore_mem>>) {add = true}
    %dma_wait3A_100 = arith.constant 0 : i32
    %dma_wait3A_101 = arith.constant 0 : i32
    %dma_wait3A_102 = tpu.memref_slice %arg15[%dma_wait3A_101] : memref<100096xf32, #tpu.memory_space<vmem_shared>> -> memref<100096xf32, #tpu.memory_space<vmem_shared>>
    %dma_wait3A_103 = tpu.memref_slice %arg14[%dma_wait3A_100] : memref<2x!tpu.dma_semaphore, #tpu.memory_space<semaphore_mem>> -> memref<1x!tpu.dma_semaphore, #tpu.memory_space<semaphore_mem>>
    %dma_wait3A_104 = tpu.memref_squeeze %dma_wait3A_103 : memref<1x!tpu.dma_semaphore, #tpu.memory_space<semaphore_mem>> -> memref<!tpu.dma_semaphore, #tpu.memory_space<semaphore_mem>>
    tpu.wait_indirect_dma semaphore(%dma_wait3A_104 : memref<!tpu.dma_semaphore, #tpu.memory_space<semaphore_mem>>) src(%arg10 : memref<10000xf32, #tpu.memory_space<vmem>>) dst(%dma_wait3A_102 : memref<100096xf32, #tpu.memory_space<vmem_shared>>)
    %dma_wait3A_105 = arith.constant 0 : i32
    %dma_wait3A_106 = arith.constant 0 : i32
    %dma_wait3A_107 = tpu.memref_slice %arg16[%dma_wait3A_106] : memref<100096xf32, #tpu.memory_space<vmem_shared>> -> memref<100096xf32, #tpu.memory_space<vmem_shared>>
    %dma_wait3A_108 = tpu.memref_slice %arg14[%dma_wait3A_105] : memref<2x!tpu.dma_semaphore, #tpu.memory_space<semaphore_mem>> -> memref<1x!tpu.dma_semaphore, #tpu.memory_space<semaphore_mem>>
    %dma_wait3A_109 = tpu.memref_squeeze %dma_wait3A_108 : memref<1x!tpu.dma_semaphore, #tpu.memory_space<semaphore_mem>> -> memref<!tpu.dma_semaphore, #tpu.memory_space<semaphore_mem>>
    tpu.wait_indirect_dma semaphore(%dma_wait3A_109 : memref<!tpu.dma_semaphore, #tpu.memory_space<semaphore_mem>>) src(%arg10 : memref<10000xf32, #tpu.memory_space<vmem>>) dst(%dma_wait3A_107 : memref<100096xf32, #tpu.memory_space<vmem_shared>>)
    %dma_wait3A_110 = arith.constant 1 : i32
    %dma_wait3A_111 = arith.constant 0 : i32
    %dma_wait3A_112 = tpu.memref_slice %arg15[%dma_wait3A_111] : memref<100096xf32, #tpu.memory_space<vmem_shared>> -> memref<100096xf32, #tpu.memory_space<vmem_shared>>
    %dma_wait3A_113 = tpu.memref_slice %arg14[%dma_wait3A_110] : memref<2x!tpu.dma_semaphore, #tpu.memory_space<semaphore_mem>> -> memref<1x!tpu.dma_semaphore, #tpu.memory_space<semaphore_mem>>
    %dma_wait3A_114 = tpu.memref_squeeze %dma_wait3A_113 : memref<1x!tpu.dma_semaphore, #tpu.memory_space<semaphore_mem>> -> memref<!tpu.dma_semaphore, #tpu.memory_space<semaphore_mem>>
    tpu.wait_indirect_dma semaphore(%dma_wait3A_114 : memref<!tpu.dma_semaphore, #tpu.memory_space<semaphore_mem>>) src(%arg11 : memref<10000xf32, #tpu.memory_space<vmem>>) dst(%dma_wait3A_112 : memref<100096xf32, #tpu.memory_space<vmem_shared>>)
    %dma_wait3A_115 = arith.constant 1 : i32
    %dma_wait3A_116 = arith.constant 0 : i32
    %dma_wait3A_117 = tpu.memref_slice %arg16[%dma_wait3A_116] : memref<100096xf32, #tpu.memory_space<vmem_shared>> -> memref<100096xf32, #tpu.memory_space<vmem_shared>>
    %dma_wait3A_118 = tpu.memref_slice %arg14[%dma_wait3A_115] : memref<2x!tpu.dma_semaphore, #tpu.memory_space<semaphore_mem>> -> memref<1x!tpu.dma_semaphore, #tpu.memory_space<semaphore_mem>>
    %dma_wait3A_119 = tpu.memref_squeeze %dma_wait3A_118 : memref<1x!tpu.dma_semaphore, #tpu.memory_space<semaphore_mem>> -> memref<!tpu.dma_semaphore, #tpu.memory_space<semaphore_mem>>
    tpu.wait_indirect_dma semaphore(%dma_wait3A_119 : memref<!tpu.dma_semaphore, #tpu.memory_space<semaphore_mem>>) src(%arg11 : memref<10000xf32, #tpu.memory_space<vmem>>) dst(%dma_wait3A_117 : memref<100096xf32, #tpu.memory_space<vmem_shared>>)
    %barrier3A_120 = arith.constant 0 : index
    tpu.barrier barrier_id(%barrier3A_120)
    "tpu.region"() ({
      %run_scoped3A = tpu.sem_alloc : memref<!tpu.dma_semaphore, #tpu.memory_space<semaphore_mem>>
      %dma_start3A_135 = tpu.memref_slice %arg15[%mul3A_0] : memref<100096xf32, #tpu.memory_space<vmem_shared>> -> memref<6256xf32, #tpu.memory_space<vmem_shared>>
      %dma_start3A_136 = tpu.memref_slice %arg15[%mul3A_0] : memref<100096xf32, #tpu.memory_space<vmem_shared>> -> memref<6256xf32, #tpu.memory_space<vmem_shared>>
      tpu.enqueue_dma source(%dma_start3A_136 : memref<6256xf32, #tpu.memory_space<vmem_shared>>) target(%arg12 : memref<6256xf32, #tpu.memory_space<vmem>>) target_semaphore(%run_scoped3A : memref<!tpu.dma_semaphore, #tpu.memory_space<semaphore_mem>>)
      %dma_wait3A_137 = tpu.memref_slice %arg15[%mul3A_0] : memref<100096xf32, #tpu.memory_space<vmem_shared>> -> memref<6256xf32, #tpu.memory_space<vmem_shared>>
      %dma_wait3A_138 = tpu.memref_slice %arg15[%mul3A_0] : memref<100096xf32, #tpu.memory_space<vmem_shared>> -> memref<6256xf32, #tpu.memory_space<vmem_shared>>
      tpu.wait_dma2 semaphore(%run_scoped3A : memref<!tpu.dma_semaphore, #tpu.memory_space<semaphore_mem>>) src(%dma_wait3A_138 : memref<6256xf32, #tpu.memory_space<vmem_shared>>) dst(%arg12 : memref<6256xf32, #tpu.memory_space<vmem>>)
      tpu.yield
    }) : () -> ()
    %mul3A_121 = arith.constant 2 : i32
    %mul3A_122 = arith.muli %arg0, %mul3A_121 : i32
    %add3A_123 = arith.constant 0 : i32
    %add3A_124 = arith.addi %mul3A_122, %add3A_123 : i32
    %mul3A_125 = arith.constant 100096 : i32
    %mul3A_126 = arith.muli %add3A_124, %mul3A_125 : i32
    %add3A_127 = arith.addi %mul3A_126, %mul3A_0 : i32
    "tpu.region"() ({
      %run_scoped3A = tpu.sem_alloc : memref<!tpu.dma_semaphore, #tpu.memory_space<semaphore_mem>>
      %dma_start3A_135 = tpu.memref_slice %arg5[%add3A_127] : memref<400384xf32, #tpu.memory_space<hbm>> -> memref<6256xf32, #tpu.memory_space<hbm>>
      %dma_start3A_136 = tpu.memref_slice %arg5[%add3A_127] : memref<400384xf32, #tpu.memory_space<hbm>> -> memref<6256xf32, #tpu.memory_space<hbm>>
      tpu.enqueue_dma source(%arg12 : memref<6256xf32, #tpu.memory_space<vmem>>) target(%dma_start3A_136 : memref<6256xf32, #tpu.memory_space<hbm>>) target_semaphore(%run_scoped3A : memref<!tpu.dma_semaphore, #tpu.memory_space<semaphore_mem>>)
      %dma_wait3A_137 = tpu.memref_slice %arg5[%add3A_127] : memref<400384xf32, #tpu.memory_space<hbm>> -> memref<6256xf32, #tpu.memory_space<hbm>>
      %dma_wait3A_138 = tpu.memref_slice %arg5[%add3A_127] : memref<400384xf32, #tpu.memory_space<hbm>> -> memref<6256xf32, #tpu.memory_space<hbm>>
      tpu.wait_dma2 semaphore(%run_scoped3A : memref<!tpu.dma_semaphore, #tpu.memory_space<semaphore_mem>>) src(%arg12 : memref<6256xf32, #tpu.memory_space<vmem>>) dst(%dma_wait3A_138 : memref<6256xf32, #tpu.memory_space<hbm>>)
      tpu.yield
    }) : () -> ()
    "tpu.region"() ({
      %run_scoped3A = tpu.sem_alloc : memref<!tpu.dma_semaphore, #tpu.memory_space<semaphore_mem>>
      %dma_start3A_135 = tpu.memref_slice %arg16[%mul3A_0] : memref<100096xf32, #tpu.memory_space<vmem_shared>> -> memref<6256xf32, #tpu.memory_space<vmem_shared>>
      %dma_start3A_136 = tpu.memref_slice %arg16[%mul3A_0] : memref<100096xf32, #tpu.memory_space<vmem_shared>> -> memref<6256xf32, #tpu.memory_space<vmem_shared>>
      tpu.enqueue_dma source(%dma_start3A_136 : memref<6256xf32, #tpu.memory_space<vmem_shared>>) target(%arg12 : memref<6256xf32, #tpu.memory_space<vmem>>) target_semaphore(%run_scoped3A : memref<!tpu.dma_semaphore, #tpu.memory_space<semaphore_mem>>)
      %dma_wait3A_137 = tpu.memref_slice %arg16[%mul3A_0] : memref<100096xf32, #tpu.memory_space<vmem_shared>> -> memref<6256xf32, #tpu.memory_space<vmem_shared>>
      %dma_wait3A_138 = tpu.memref_slice %arg16[%mul3A_0] : memref<100096xf32, #tpu.memory_space<vmem_shared>> -> memref<6256xf32, #tpu.memory_space<vmem_shared>>
      tpu.wait_dma2 semaphore(%run_scoped3A : memref<!tpu.dma_semaphore, #tpu.memory_space<semaphore_mem>>) src(%dma_wait3A_138 : memref<6256xf32, #tpu.memory_space<vmem_shared>>) dst(%arg12 : memref<6256xf32, #tpu.memory_space<vmem>>)
      tpu.yield
    }) : () -> ()
    %mul3A_128 = arith.constant 2 : i32
    %mul3A_129 = arith.muli %arg0, %mul3A_128 : i32
    %add3A_130 = arith.constant 1 : i32
    %add3A_131 = arith.addi %mul3A_129, %add3A_130 : i32
    %mul3A_132 = arith.constant 100096 : i32
    %mul3A_133 = arith.muli %add3A_131, %mul3A_132 : i32
    %add3A_134 = arith.addi %mul3A_133, %mul3A_0 : i32
    "tpu.region"() ({
      %run_scoped3A = tpu.sem_alloc : memref<!tpu.dma_semaphore, #tpu.memory_space<semaphore_mem>>
      %dma_start3A_135 = tpu.memref_slice %arg5[%add3A_134] : memref<400384xf32, #tpu.memory_space<hbm>> -> memref<6256xf32, #tpu.memory_space<hbm>>
      %dma_start3A_136 = tpu.memref_slice %arg5[%add3A_134] : memref<400384xf32, #tpu.memory_space<hbm>> -> memref<6256xf32, #tpu.memory_space<hbm>>
      tpu.enqueue_dma source(%arg12 : memref<6256xf32, #tpu.memory_space<vmem>>) target(%dma_start3A_136 : memref<6256xf32, #tpu.memory_space<hbm>>) target_semaphore(%run_scoped3A : memref<!tpu.dma_semaphore, #tpu.memory_space<semaphore_mem>>)
      %dma_wait3A_137 = tpu.memref_slice %arg5[%add3A_134] : memref<400384xf32, #tpu.memory_space<hbm>> -> memref<6256xf32, #tpu.memory_space<hbm>>
      %dma_wait3A_138 = tpu.memref_slice %arg5[%add3A_134] : memref<400384xf32, #tpu.memory_space<hbm>> -> memref<6256xf32, #tpu.memory_space<hbm>>
      tpu.wait_dma2 semaphore(%run_scoped3A : memref<!tpu.dma_semaphore, #tpu.memory_space<semaphore_mem>>) src(%arg12 : memref<6256xf32, #tpu.memory_space<vmem>>) dst(%dma_wait3A_138 : memref<6256xf32, #tpu.memory_space<hbm>>)
      tpu.yield
    }) : () -> ()
    return
  }
}

</mosaic_0001>

<sc_bundles>
// kernel: kernel.4.cloned.1.call-start
scs
__scs_entry_jumppad:
0x0: {  	(pc) =	sbr.rel $0x88, $3  }
0x1: {  	(tag) =	ssettag $0x0;
	lr =	simm.s32 $0x1  }
0x2: {  	[smem:$0x3F9F] =	sst lr;
	_ =	strace $0xD0000000  }
0x3: {  	_ = 	snop  }
0x4: {  	_ = 	snop  }
0x5: {  	_ = 	snop  }
0x6: {  	_ = 	snop  }
0x7: {  	_ = 	snop  }
__scs_overlays_trampoline_lowered:
0x8: {  	[smem:$0x3FAE] =	sst s0  }
0x9: {  	[smem:$0x3FAF] =	sst s1  }
0xa: {  	[smem:$0x3FB0] =	sst s2  }
0xb: {  	[smem:$0x3FB1] =	sst s3  }
0xc: {  	[smem:$0x3FB2] =	sst s4  }
0xd: {  	[smem:$0x3FB3] =	sst s5  }
0xe: {  	[smem:$0x3FB4] =	sst s6  }
0xf: {  	[smem:$0x3FB5] =	sst s7  }
0x10: {  	[smem:$0x3FB6] =	sst s8  }
0x11: {  	[smem:$0x3FB7] =	sst s9;
	s0 =	simm.s32 @!p0 $0x0  }
0x12: {  	s1 =	sld [smem:$0x3F9D];
	s0 =	simm.s32 @p0 $0x1  }
0x13: {  	[smem:$0x3FB8] =	sst s0;
	s0 =	simm.s32 @!p1 $0x0  }
0x14: {  	s2 =	sld [smem:$0x3F9C];
	s0 =	simm.s32 @p1 $0x1  }
0x15: {  	[smem:$0x3FB9] =	sst s0;
	s0 =	simm.s32 @!p2 $0x0  }
0x16: {  	s3 =	sld [smem:$0x3FDB];
	s0 =	simm.s32 @p2 $0x1  }
0x17: {  	s4 =	simm.s32 $0x1BF5;
	[smem:$0x3FBB] =	sst s0  }
0x18: {  	s0 =	sld [smem:$0x3F9E];
	_ =	swait.ge [sflag:s4], $0x0  }
0x19: {  	s7 =	sld [smem:$0x3F9F]  }
0x1a: {  	s8 =	sadd.s32 $0xFFFFE003, lr  }
0x1b: {  	s9 =	sadd.s32 $0xFFFFFEF7, lr;
	s5 =	simm.s32 $0xFFFFFFFF;
	p2 =	slt.u32 s8, $0xFFFFF086  }
0x1c: {  	p1 =	slt.u32 s9, $0xF7A;
	s5 =	simm.s32 @!p2 $0x0  }
0x1d: {  	s5 =	simm.s32 @p1 $0x1;
	p0 =	seq.s32 s7, s2  }
0x1e: {  	s7 =	smul.u32 @!p0 $0xF7A, s2;
	p2 =	seq.s32 @!p0 s5, $0x0  }
0x1f: {  	s9 =	smul.u32 $0xF7A, s1;
	s8 =	simm.s32 @!p0 $0x1BF5;
	p2 =	por !p2, p0  }
0x20: {  	[sflag:s8] =	ssyncset.s32 @!p0 $0xFFFFF086;
	s6 =	sadd.s32 @!p0 s3, s7;
	s7 =	simm.s32 @!p0 $0x108  }
0x21: {  	s3 =	sadd.s32 s3, s9;
	s6 =	sadd.s32 @!p0 $0x88, s6;
	s7 =	simm.s32 @p2 $0x1082  }
0x22: {  	[simem:s7], [sflag:s8] =	dma.local @!p0 [hbm:s6], $0xF7A  }
0x23: {  	s9 =	sor.u32 $0xD0000000, s2;
	s6 =	simm.s32 $0x108;
	_ =	swait.ge @!p0 [sflag:s8], $0x0  }
0x24: {  	s3 =	sadd.s32 $0x88, s3;
	s6 =	simm.s32 @!p1 $0x1082;
	[sflag:s4] =	ssyncset.s32 $0xFFFFF086  }
0x25: {  	[simem:s6], [sflag:s4] =	dma.local [hbm:s3], $0xF7A  }
0x26: {  	[smem:$0x3F9F] =	sst s1;
	(tag) =	ssettag s2;
	_ =	strace s9  }
0x27: {  	s1 =	sld [smem:$0x3FAF]  }
0x28: {  	s2 =	sld [smem:$0x3FB0]  }
0x29: {  	s4 =	sld [smem:$0x3FB2]  }
0x2a: {  	p0 =	seq.s32 s5, $0x0;
	s5 =	sld [smem:$0x3FB3]  }
0x2b: {  	s6 =	sld [smem:$0x3FB4]  }
0x2c: {  	s7 =	sld [smem:$0x3FB5]  }
0x2d: {  	s3 =	simm.s32 $0x108;
	s8 =	sld [smem:$0x3FB6]  }
0x2e: {  	s3 =	simm.s32 @!p0 $0x1082;
	s9 =	sld [smem:$0x3FB7]  }
0x2f: {  	lr =	sadd.s32 s0, s3;
	s0 =	sld [smem:$0x3FAE]  }
0x30: {  	s3 =	sld [smem:$0x3FB1]  }
0x31: {  	[smem:$0x3FBA] =	sst s10  }
0x32: {  	s10 =	sld [smem:$0x3FB8];
	_ =	sdelay $0x3  }
0x33: {  	p0 =	seq.s32 s10, $0x1;
	s10 =	sld [smem:$0x3FBA];
	_ =	sdelay $0x3  }
0x34: {  	[smem:$0x3FBA] =	sst s10  }
0x35: {  	s10 =	sld [smem:$0x3FB9];
	_ =	sdelay $0x3  }
0x36: {  	p1 =	seq.s32 s10, $0x1;
	s10 =	sld [smem:$0x3FBA];
	_ =	sdelay $0x3  }
0x37: {  	[smem:$0x3FBA] =	sst s10  }
0x38: {  	s10 =	sld [smem:$0x3FBB]  }
0x39: {  	_ = 	snop;
	(pc) =	sbr.ind lr, $3  }
0x3a: {  	_ = 	snop  }
0x3b: {  	_ = 	snop  }
0x3c: {  	p2 =	seq.s32 s10, $0x1;
	s10 =	sld [smem:$0x3FBA]  }
0x3d: {  	_ =	shalt  }
0x3e: {  	_ =	shalt  }
0x3f: {  	_ =	shalt  }
0x40: {  	_ =	shalt  }
0x41: {  	_ =	shalt  }
0x42: {  	_ =	shalt  }
0x43: {  	_ =	shalt  }
0x44: {  	_ =	shalt  }
0x45: {  	_ =	shalt  }
0x46: {  	_ =	shalt  }
0x47: {  	_ =	shalt  }
0x48: {  	_ =	shalt  }
0x49: {  	_ =	shalt  }
0x4a: {  	_ =	shalt  }
0x4b: {  	_ =	shalt  }
0x4c: {  	_ =	shalt  }
0x4d: {  	_ =	shalt  }
0x4e: {  	_ =	shalt  }
0x4f: {  	_ =	shalt  }
0x50: {  	_ =	shalt  }
0x51: {  	_ =	shalt  }
0x52: {  	_ =	shalt  }
0x53: {  	_ =	shalt  }
0x54: {  	_ =	shalt  }
0x55: {  	_ =	shalt  }
0x56: {  	_ =	shalt  }
0x57: {  	_ =	shalt  }
0x58: {  	_ =	shalt  }
0x59: {  	_ =	shalt  }
0x5a: {  	_ =	shalt  }
0x5b: {  	_ =	shalt  }
0x5c: {  	_ =	shalt  }
0x5d: {  	_ =	shalt  }
0x5e: {  	_ =	shalt  }
0x5f: {  	_ =	shalt  }
0x60: {  	_ =	shalt  }
0x61: {  	_ =	shalt  }
0x62: {  	_ =	shalt  }
0x63: {  	_ =	shalt  }
0x64: {  	_ =	shalt  }
0x65: {  	_ =	shalt  }
0x66: {  	_ =	shalt  }
0x67: {  	_ =	shalt  }
0x68: {  	_ =	shalt  }
0x69: {  	_ =	shalt  }
0x6a: {  	_ =	shalt  }
0x6b: {  	_ =	shalt  }
0x6c: {  	_ =	shalt  }
0x6d: {  	_ =	shalt  }
0x6e: {  	_ =	shalt  }
0x6f: {  	_ =	shalt  }
0x70: {  	_ =	shalt  }
0x71: {  	_ =	shalt  }
0x72: {  	_ =	shalt  }
0x73: {  	_ =	shalt  }
0x74: {  	_ =	shalt  }
0x75: {  	_ =	shalt  }
0x76: {  	_ =	shalt  }
0x77: {  	_ =	shalt  }
0x78: {  	_ =	shalt  }
0x79: {  	_ =	shalt  }
0x7a: {  	_ =	shalt  }
0x7b: {  	_ =	shalt  }
0x7c: {  	_ =	shalt  }
0x7d: {  	_ =	shalt  }
0x7e: {  	_ =	shalt  }
0x7f: {  	_ =	shalt  }
0x80: {  	_ =	shalt  }
0x81: {  	_ =	shalt  }
0x82: {  	_ =	shalt  }
0x83: {  	_ =	shalt  }
0x84: {  	_ =	shalt  }
0x85: {  	_ =	shalt  }
0x86: {  	_ =	shalt  }
0x87: {  	_ =	shalt  }
.Lfunc_end0:
.L_simem_size_0:
called_computation_lowered:
.L_overlay_start_0:
0x88: {  	s2 =	sld [smem:$0x3FD9]  }
0x89: {  	s3 =	sld [smem:$0x3FFE];
	_ =	sdelay $0x1  }
0x8a: {  	s1 =	srdreg.scid  }
0x8b: {  	s0 =	sand.u32 $0x1, s1  }
0x8c: {  	s17 =	sshll.u32 s0, $0xA;
	s2 =	sadd.s32 s3, s2  }
0x8d: {  	s2 =	sadd.s32 s2, s17  }
0x8e: {  	[smem:$0x3FC6] =	sst s2  }
0x8f: {  	_ = 	snop  }
0x90: {  	s2 =	sld [smem:$0x3FC9];
	(tm) =	ssettm $0x1  }
0x91: {  	s18 =	sld [smem:$0x3FFB];
	_ =	sdelay $0x3  }
0x92: {  	_ =	strace s18  }
0x93: {  	s3 =	sld [smem:$0x3FFC];
	_ =	sdelay $0x3  }
0x94: {  	_ =	strace s3  }
0x95: {  	s3 =	sld [smem:$0x3FFD];
	_ =	sdelay $0x3  }
0x96: {  	_ =	strace s3  }
0x97: {  	_ =	strace $0x8FFFFFFF  }
0x98: {  	s19 =	sld [smem:$0x3FDB];
	_ =	sdelay $0x1  }
0x99: {  	s4 =	simm.s32 $_scs_section_size  }
0x9a: {  	s5 =	simm.s32 $_size__tile_overlayer_lowered;
	s6 =	simm.s32 $_tile_overlayer_lowered  }
0x9b: {  	s22 =	simm.s32 $0x1BFF;
	s21 =	sshll.u32 s6, $0x1;
	s3 =	sadd.s32 s4, s19  }
0x9c: {  	s7 =	simm.s32 $0x0;
	s20 =	sshll.u32 s5, $0x1;
	s5 =	sadd.s32 s21, s3  }
0x9d: {  	[timem:s7], [sflag:s22] =	dma.local [hbm:s5], s20  }
0x9e: {  	_ =	swait.ge [sflag:s22], s20  }
0x9f: {  	s4 =	ssub.s32 $0x0, s20;
	[sflag:s22] =	ssyncset.done $0x0  }
0xa0: {  	[sflag:s22] =	ssyncadd.s32 s4;
	_ =	sdelay $0x1  }
0xa1: {  	s23 =	simm.s32 $0x1B8B  }
0xa2: {  	_ =	swait.ge [sflag:s23], $0x1  }
0xa3: {  	[sflag:s23] =	ssyncset.done $0x0  }
0xa4: {  	s25 =	simm.s32 $0x1B8E;
	s24 =	sld [smem:$0x3FFE];
	[sflag:s23] =	ssyncadd.s32 $0xFFFFFFFF  }
0xa5: {  	s26 =	simm.s32 $execute0_lowered;
	[smem:$0x3FD2] =	sst s25  }
0xa6: {  	s5 =	sshll.u32 s26, $0x1;
	_ =	strace $0x80000046;
	[dreg:$0x1] =	wrdreg $0xFFFFFFFF  }
0xa7: {  	s28 =	simm.s32 $_size_execute0_lowered;
	s3 =	sadd.s32 s3, s5;
	[dreg:$0x0] =	wrdreg $0x0  }
0xa8: {  	s5 =	sshll.u32 s28, $0x1;
	[dreg:$0x2] =	wrdreg s3  }
0xa9: {  	[dreg:$0x3] =	wrdreg s5  }
0xaa: {  	[dreg:$0x4] =	wrdreg $0xC0  }
0xab: {  	_ =	task [dreg:s7], $0x5FFFF  }
0xac: {  	[dreg:$0x1] =	wrdreg $0xFFFFFFFF  }
0xad: {  	[dreg:$0x0] =	wrdreg $0x60  }
0xae: {  	[dreg:$0x2] =	wrdreg s24  }
0xaf: {  	[dreg:$0x3] =	wrdreg s2  }
0xb0: {  	[dreg:$0x4] =	wrdreg $0x105800  }
0xb1: {  	[dreg:$0x5] =	wrdreg $0x11DF00  }
0xb2: {  	[dreg:$0x6] =	wrdreg $0x9  }
0xb3: {  	_ =	task.clear_ibuf [dreg:s7], $0x7FFFF;
	_ =	strace $0x90000046  }
0xb4: {  	s29 =	simm.s32 $0x9;
	_ =	strace $0x80000048  }
0xb5: {  	_ =	swait.ge [sflag:s29], $0x1  }
0xb6: {  	[sflag:s29] =	ssyncadd.s32 $0xFFFFFFFF  }
0xb7: {  	_ =	strace $0x90000048  }
0xb8: {  	_ =	sfence  }
0xb9: {  	s30 =	sld [smem:$0x0];
	_ =	sdelay $0x2  }
0xba: {  	s31 =	sshll.u32 s1, $0xD;
	s1 =	sshrl.u32 s1, $0x2  }
0xbb: {  	s3 =	sand.u32 $0x4000, s31;
	s1 =	sadd.s32 s1, s30  }
0xbc: {  	s0 =	sor.u32 s3, s0;
	s1 =	sshll.u32 s1, $0x11  }
0xbd: {  	s0 =	sor.u32 s1, s0  }
0xbe: {  	s0 =	sadd.s32 $0x8F2B, s0  }
0xbf: {  	[sflag:s0] =	ssyncadd.remote.s32 $0x1  }
0xc0: {  	_ =	sfence.sel $0xFFFF  }
0xc1: {  	[dreg:$0x0] =	wrdreg $0xFFFFFFFF;
	(pc) =	sbr.abs _section_cstart, $3  }
0xc2: {  	[dreg:$0x1] =	wrdreg $0xFFFFFFFF  }
0xc3: {  	_ =	task.clear_ibuf [dreg:s7], $0x2FFFF;
	_ =	strace $0x9FFFFFFF  }
0xc4: {  	(tm) =	ssettm $0x7FFFFFFF  }
0xc5: {  	_ =	shalt  }
tec
execute0_lowered:
.L_overlay_start_1:
0x0: {  	(tag) =	ssettag $0x1  }
0x1: {  	s0 =	rddreg [dreg:$0x0]  }
0x2: {  	s1 =	rddreg [dreg:$0x1]  }
0x3: {  	s3 =	rddreg [dreg:$0x2]  }
0x4: {  	s4 =	rddreg [dreg:$0x3]  }
0x5: {  	s2 =	srdreg.scid;
	s12 =	stileid.u32  }
0x6: {  	s5 =	simm.s32 $0x0;
	s28 =	simm.s32 $0x1;
	s29 =	simm.s32 $0x2710  }
0x7: {  	s30 =	simm.s32 $0xC580;
	s31 =	simm.s32 $0x2780;
	s8 =	smul.u32 $0x1870, s12  }
0x8: {  	s2 =	sand.u32 $0x1, s2;
	[smem:$0x7FF] =	sst s5;
	s13 =	smul.u32 $0x30D40, s12  }
0x9: {  	s6 =	sadd.s32 $0xC4000, s0;
	s7 =	smul.u32 $0x30E00, s2;
	_ =	strace $0x80000047  }
0xa: {  	s9 =	sshll.u32 s2, $0x4;
	s11 =	ssub.s32 $0x2, s2;
	s2 =	smul.u32 $0x30D400, s2  }
0xb: {  	s9 =	sor.u32 s12, s9;
	s17 =	sshrl.u32 s11, $0x1;
	s12 =	sadd.s32 s8, s4  }
0xc: {  	s7 =	sadd.s32 s8, s7;
	s9 =	smul.u32 $0x30D40, s9;
	s2 =	sadd.s32 s13, s2  }
0xd: {  	s10 =	sshrl.u32 s7, $0x3;
	s7 =	sadd.s32 $0xA00, s0;
	s24 =	sadd.s32 $0x7530, s2  }
0xe: {  	s0 =	sadd.s32 s10, s0;
	s10 =	ssub.s32 s11, s17;
	s9 =	sshrl.u32 s9, $0x3  }
0xf: {  	s11 =	sadd.s32 s8, s3;
	s26 =	sshrl.u32 s24, $0x3;
	s18 =	sadd.s32 s1, s9  }
0x10: {  	s24 =	simm.s32 $0x4F00;
	s19 =	sadd.s32 s6, s9;
	[dreg:$0x5] =	wrdreg s18  }
0x11: {  	s8 =	simm.s32 $0x3;
	s20 =	sadd.s32 s7, s9;
	[dreg:$0x6] =	wrdreg s19  }
0x12: {  	s9 =	sadd.s32 $0x4E2, s9;
	s25 =	sadd.s32 $0x187600, s0;
	[dreg:$0x7] =	wrdreg s20  }
0x13: {  	s0 =	sadd.s32 $0x18A6E0, s0;
	s21 =	sadd.s32 s1, s9;
	[dreg:$0xb] =	wrdreg s25  }
0x14: {  	s22 =	sadd.s32 s6, s9;
	s23 =	sadd.s32 s7, s9;
	[dreg:$0xc] =	wrdreg s0  }
0x15: {  	s18 =	smax.u32 s10, $0x1;
	s19 =	sadd.s32 s26, s7;
	s20 =	sadd.s32 s26, s6  }
0x16: {  	s25 =	simm.s32 $0xED00;
	s0 =	simm.s32 $0x7680;
	[dreg:$0x8] =	wrdreg s21  }
0x17: {  	s9 =	simm.s32 $0x4;
	s10 =	simm.s32 $0x0;
	[dreg:$0x9] =	wrdreg s22  }
0x18: {  	[dreg:$0xa] =	wrdreg s23;
	s21 =	sadd.s32 s26, s1;
	s22 =	sadd.s32 $0x4E20, s2  }
0x19: {  	v0 =	vimm.f32 $0.0e+00;
	s23 =	simm.s32 $0x9E00;
	s26 =	simm.s32 $0x5;
	s2 =	simm.s32 $0x2  }
.LBB2_1:
0x1a: {  	s13 =	rddreg [dreg:$0x5]  }
0x1b: {  	[tilespmem:s23], [sflag:$0x1] =	stream.linear.gather [hbm4b:s13+s5], $0x2710, $0x38;
	[tilespmem:$0x13660] =	vst v63  }
0x1c: {  	s16 =	rddreg [dreg:$0x6]  }
0x1d: {  	[tilespmem:s5], [sflag:$0x1] =	stream.linear.gather [hbm4b:s16+s5], $0x2710, $0x38;
	[tilespmem:$0x13660] =	vst v63  }
0x1e: {  	s17 =	rddreg [dreg:$0x7];
	s14 =	simm.s32 $0x0;
	s13 =	simm.s32 $0x40  }
0x1f: {  	[tilespmem:s24], [sflag:$0x1] =	stream.linear.gather [hbm4b:s17+s5], $0x2710, $0x38;
	[tilespmem:$0x13660] =	vst v63  }
.LBB2_2:
0x20: {  	p0 =	sne.s32 s13, $0x6180;
	[tilespmem:s14+$0xED00] =	vst v0;
	s14 =	smov.u32 s13;
	s13 =	sadd.s32 $0x40, s13  }
.Ltmp0:
0x21: {  	(pc) =	sbr.rel @p0 .LBB2_2-.Ltmp0, $2  }
0x22: {  	_ =	sdelay $0x2  }
0x23: {  	s14 =	sshra.s32 s14, $0x2  }
0x24: {  	[tilespmem:s14+$0xED00] =	vst v0  }
0x25: {  	[spmem:s11] =	stream.linear.scatter [tilespmem:s25], [sflag:$0x5], $0x1870, $0x38;
	[tilespmem:$0x13660] =	vst v63  }
0x26: {  	_ =	swait.ge [sflag:s26], $0x1870  }
0x27: {  	[sflag:s26] =	ssyncset.done $0x0  }
0x28: {  	[sflag:s26] =	ssyncadd.s32 $0xFFFFE790  }
0x29: {  	[spmem:s12] =	stream.linear.scatter [tilespmem:s25], [sflag:$0x5], $0x1870, $0x38;
	[tilespmem:$0x13660] =	vst v63  }
0x2a: {  	_ =	swait.ge [sflag:s26], $0x1870  }
0x2b: {  	[sflag:s26] =	ssyncset.done $0x0  }
0x2c: {  	[sflag:s26] =	ssyncadd.s32 $0xFFFFE790  }
0x2d: {  	[bflag:$0x0] =	sbarrier.arrive $0xFFFF  }
0x2e: {  	_ =	swait.ge [sflag:s28], $0x2710  }
0x2f: {  	[sflag:s28] =	ssyncset.done $0x0  }
0x30: {  	[sflag:s28] =	ssyncadd.s32 $0xFFFFD8F0  }
0x31: {  	_ =	swait.ge [sflag:s28], $0x2710  }
0x32: {  	[sflag:s28] =	ssyncset.done $0x0  }
0x33: {  	[sflag:s28] =	ssyncadd.s32 $0xFFFFD8F0  }
0x34: {  	_ =	swait.ge [sflag:s28], $0x2710  }
0x35: {  	[sflag:s28] =	ssyncset.done $0x0  }
0x36: {  	s13 =	simm.s32 $0x0;
	[sflag:s28] =	ssyncadd.s32 $0xFFFFD8F0  }
0x37: {  	[spmem:s3] =	stream.indirect.scatter.add.f32 [tilespmem:s23], [sflag:$0x3], $0x1, s13, s29, $0xb8;
	[tilespmem:$0x13660] =	vst v63  }
0x38: {  	_ = 	snop  }
0x39: {  	[spmem:s4] =	stream.indirect.scatter.add.f32 [tilespmem:s23], [sflag:$0x3], $0x1, s24, s29, $0xb8;
	[tilespmem:$0x13660] =	vst v63  }
0x3a: {  	s16 =	rddreg [dreg:$0x8]  }
0x3b: {  	[tilespmem:s30], [sflag:$0x2] =	stream.linear.gather [hbm4b:s16+s13], $0x2710, $0x38;
	[tilespmem:$0x13660] =	vst v63  }
0x3c: {  	s17 =	rddreg [dreg:$0x9]  }
0x3d: {  	[tilespmem:s31], [sflag:$0x2] =	stream.linear.gather [hbm4b:s17+s13], $0x2710, $0x38;
	[tilespmem:$0x13660] =	vst v63  }
0x3e: {  	s15 =	rddreg [dreg:$0xa]  }
0x3f: {  	[tilespmem:s0], [sflag:$0x2] =	stream.linear.gather [hbm4b:s15+s13], $0x2710, $0x38;
	[tilespmem:$0x13660] =	vst v63  }
0x40: {  	_ =	swait.ge [sflag:s2], $0x2710  }
0x41: {  	[sflag:s2] =	ssyncset.done $0x0  }
0x42: {  	[sflag:s2] =	ssyncadd.s32 $0xFFFFD8F0  }
0x43: {  	_ =	swait.ge [sflag:s2], $0x2710  }
0x44: {  	[sflag:s2] =	ssyncset.done $0x0  }
0x45: {  	[sflag:s2] =	ssyncadd.s32 $0xFFFFD8F0  }
0x46: {  	_ =	swait.ge [sflag:s2], $0x2710  }
0x47: {  	[sflag:s2] =	ssyncset.done $0x0  }
0x48: {  	[sflag:s2] =	ssyncadd.s32 $0xFFFFD8F0  }
0x49: {  	[spmem:s3] =	stream.indirect.scatter.add.f32 [tilespmem:s30], [sflag:$0x4], $0x1, s31, s29, $0xb8;
	[tilespmem:$0x13660] =	vst v63  }
0x4a: {  	_ = 	snop  }
0x4b: {  	[spmem:s4] =	stream.indirect.scatter.add.f32 [tilespmem:s30], [sflag:$0x4], $0x1, s0, s29, $0xb8;
	[tilespmem:$0x13660] =	vst v63  }
0x4c: {  	_ =	swait.ge [sflag:s8], $0x2710  }
0x4d: {  	[sflag:s8] =	ssyncset.done $0x0  }
0x4e: {  	[sflag:s8] =	ssyncadd.s32 $0xFFFFD8F0  }
0x4f: {  	_ =	swait.ge [sflag:s8], $0x2710  }
0x50: {  	s16 =	sshrl.u32 s22, $0x3;
	[sflag:s8] =	ssyncset.done $0x0  }
0x51: {  	s17 =	sadd.s32 s1, s16;
	[sflag:s8] =	ssyncadd.s32 $0xFFFFD8F0  }
0x52: {  	[tilespmem:s23], [sflag:$0x1] =	stream.linear.gather [hbm4b:s17+s5], $0x2710, $0x38;
	[tilespmem:$0x13660] =	vst v63  }
0x53: {  	s15 =	sadd.s32 s6, s16  }
0x54: {  	[tilespmem:s5], [sflag:$0x1] =	stream.linear.gather [hbm4b:s15+s5], $0x2710, $0x38;
	[tilespmem:$0x13660] =	vst v63  }
0x55: {  	s13 =	sadd.s32 s7, s16  }
0x56: {  	[tilespmem:s24], [sflag:$0x1] =	stream.linear.gather [hbm4b:s13+s5], $0x2710, $0x38;
	[tilespmem:$0x13660] =	vst v63  }
0x57: {  	_ =	swait.ge [sflag:s28], $0x2710  }
0x58: {  	[sflag:s28] =	ssyncset.done $0x0  }
0x59: {  	[sflag:s28] =	ssyncadd.s32 $0xFFFFD8F0  }
0x5a: {  	_ =	swait.ge [sflag:s28], $0x2710  }
0x5b: {  	[sflag:s28] =	ssyncset.done $0x0  }
0x5c: {  	[sflag:s28] =	ssyncadd.s32 $0xFFFFD8F0  }
0x5d: {  	_ =	swait.ge [sflag:s28], $0x2710  }
0x5e: {  	[sflag:s28] =	ssyncset.done $0x0  }
0x5f: {  	[sflag:s28] =	ssyncadd.s32 $0xFFFFD8F0  }
0x60: {  	[spmem:s3] =	stream.indirect.scatter.add.f32 [tilespmem:s23], [sflag:$0x3], $0x1, s5, s29, $0xb8;
	[tilespmem:$0x13660] =	vst v63  }
0x61: {  	_ = 	snop  }
0x62: {  	[spmem:s4] =	stream.indirect.scatter.add.f32 [tilespmem:s23], [sflag:$0x3], $0x1, s24, s29, $0xb8;
	[tilespmem:$0x13660] =	vst v63  }
0x63: {  	_ =	swait.ge [sflag:s9], $0x2710  }
0x64: {  	[sflag:s9] =	ssyncset.done $0x0  }
0x65: {  	[sflag:s9] =	ssyncadd.s32 $0xFFFFD8F0  }
0x66: {  	_ =	swait.ge [sflag:s9], $0x2710  }
0x67: {  	[sflag:s9] =	ssyncset.done $0x0  }
0x68: {  	s14 =	sadd.s32 $0x4E20, s22;
	s16 =	sadd.s32 $0x0, s21;
	[sflag:s9] =	ssyncadd.s32 $0xFFFFD8F0  }
0x69: {  	[tilespmem:s30], [sflag:$0x2] =	stream.linear.gather [hbm4b:s16+s5], $0x2710, $0x38;
	[tilespmem:$0x13660] =	vst v63  }
0x6a: {  	s17 =	sadd.s32 $0x0, s20;
	s15 =	sadd.s32 $0x0, s19;
	s13 =	simm.s32 $0x9C4  }
0x6b: {  	[tilespmem:s31], [sflag:$0x2] =	stream.linear.gather [hbm4b:s17+s5], $0x2710, $0x38;
	[tilespmem:$0x13660] =	vst v63  }
.LBB2_4:
0x6c: {  	[tilespmem:s0], [sflag:$0x2] =	stream.linear.gather [hbm4b:s15+s5], $0x2710, $0x38;
	[tilespmem:$0x13660] =	vst v63  }
0x6d: {  	s15 =	smov.u32 s13  }
0x6e: {  	p0 =	sne.s32 s13, $0x4E20;
	s13 =	sadd.s32 $0x9C4, s13;
	_ =	swait.ge [sflag:s2], $0x2710  }
0x6f: {  	[sflag:s2] =	ssyncset.done $0x0  }
0x70: {  	[sflag:s2] =	ssyncadd.s32 $0xFFFFD8F0  }
0x71: {  	_ =	swait.ge [sflag:s2], $0x2710  }
0x72: {  	[sflag:s2] =	ssyncset.done $0x0  }
0x73: {  	[sflag:s2] =	ssyncadd.s32 $0xFFFFD8F0  }
0x74: {  	_ =	swait.ge [sflag:s2], $0x2710  }
0x75: {  	[sflag:s2] =	ssyncset.done $0x0  }
0x76: {  	[sflag:s2] =	ssyncadd.s32 $0xFFFFD8F0  }
0x77: {  	[spmem:s3] =	stream.indirect.scatter.add.f32 [tilespmem:s30], [sflag:$0x4], $0x1, s31, s29, $0xb8;
	[tilespmem:$0x13660] =	vst v63  }
0x78: {  	_ = 	snop  }
0x79: {  	[spmem:s4] =	stream.indirect.scatter.add.f32 [tilespmem:s30], [sflag:$0x4], $0x1, s0, s29, $0xb8;
	[tilespmem:$0x13660] =	vst v63  }
0x7a: {  	_ =	swait.ge [sflag:s8], $0x2710  }
0x7b: {  	[sflag:s8] =	ssyncset.done $0x0  }
0x7c: {  	[sflag:s8] =	ssyncadd.s32 $0xFFFFD8F0  }
0x7d: {  	_ =	swait.ge [sflag:s8], $0x2710  }
0x7e: {  	s16 =	sshrl.u32 s14, $0x3;
	[sflag:s8] =	ssyncset.done $0x0  }
0x7f: {  	s17 =	sadd.s32 s1, s16;
	[sflag:s8] =	ssyncadd.s32 $0xFFFFD8F0  }
0x80: {  	[tilespmem:s23], [sflag:$0x1] =	stream.linear.gather [hbm4b:s17+s5], $0x2710, $0x38;
	[tilespmem:$0x13660] =	vst v63  }
0x81: {  	s17 =	sadd.s32 s6, s16  }
0x82: {  	[tilespmem:s5], [sflag:$0x1] =	stream.linear.gather [hbm4b:s17+s5], $0x2710, $0x38;
	[tilespmem:$0x13660] =	vst v63  }
0x83: {  	s16 =	sadd.s32 s7, s16  }
0x84: {  	[tilespmem:s24], [sflag:$0x1] =	stream.linear.gather [hbm4b:s16+s5], $0x2710, $0x38;
	[tilespmem:$0x13660] =	vst v63  }
0x85: {  	_ =	swait.ge [sflag:s28], $0x2710  }
0x86: {  	[sflag:s28] =	ssyncset.done $0x0  }
0x87: {  	[sflag:s28] =	ssyncadd.s32 $0xFFFFD8F0  }
0x88: {  	_ =	swait.ge [sflag:s28], $0x2710  }
0x89: {  	[sflag:s28] =	ssyncset.done $0x0  }
0x8a: {  	[sflag:s28] =	ssyncadd.s32 $0xFFFFD8F0  }
0x8b: {  	_ =	swait.ge [sflag:s28], $0x2710  }
0x8c: {  	[sflag:s28] =	ssyncset.done $0x0  }
0x8d: {  	[sflag:s28] =	ssyncadd.s32 $0xFFFFD8F0  }
0x8e: {  	[spmem:s3] =	stream.indirect.scatter.add.f32 [tilespmem:s23], [sflag:$0x3], $0x1, s5, s29, $0xb8;
	[tilespmem:$0x13660] =	vst v63  }
0x8f: {  	_ = 	snop  }
0x90: {  	[spmem:s4] =	stream.indirect.scatter.add.f32 [tilespmem:s23], [sflag:$0x3], $0x1, s24, s29, $0xb8;
	[tilespmem:$0x13660] =	vst v63  }
0x91: {  	_ =	swait.ge [sflag:s9], $0x2710  }
0x92: {  	[sflag:s9] =	ssyncset.done $0x0  }
0x93: {  	[sflag:s9] =	ssyncadd.s32 $0xFFFFD8F0  }
0x94: {  	_ =	swait.ge [sflag:s9], $0x2710  }
0x95: {  	[sflag:s9] =	ssyncset.done $0x0  }
.Ltmp1:
0x96: {  	s16 =	sadd.s32 s15, s21;
	[sflag:s9] =	ssyncadd.s32 $0xFFFFD8F0;
	(pc) =	sbr.rel @p0 .LBB2_4-.Ltmp1, $4  }
0x97: {  	[tilespmem:s30], [sflag:$0x2] =	stream.linear.gather [hbm4b:s16+s5], $0x2710, $0x38;
	[tilespmem:$0x13660] =	vst v63  }
0x98: {  	s16 =	sadd.s32 s15, s20  }
0x99: {  	[tilespmem:s31], [sflag:$0x2] =	stream.linear.gather [hbm4b:s16+s5], $0x2710, $0x38;
	[tilespmem:$0x13660] =	vst v63  }
0x9a: {  	s14 =	sadd.s32 $0x4E20, s14;
	s15 =	sadd.s32 s15, s19  }
0x9b: {  	[tilespmem:s0], [sflag:$0x2] =	stream.linear.gather [hbm4b:s15+s5], $0x2710, $0x38;
	[tilespmem:$0x13660] =	vst v63  }
0x9c: {  	_ =	swait.ge [sflag:s2], $0x2710  }
0x9d: {  	[sflag:s2] =	ssyncset.done $0x0  }
0x9e: {  	[sflag:s2] =	ssyncadd.s32 $0xFFFFD8F0  }
0x9f: {  	_ =	swait.ge [sflag:s2], $0x2710  }
0xa0: {  	[sflag:s2] =	ssyncset.done $0x0  }
0xa1: {  	[sflag:s2] =	ssyncadd.s32 $0xFFFFD8F0  }
0xa2: {  	_ =	swait.ge [sflag:s2], $0x2710  }
0xa3: {  	[sflag:s2] =	ssyncset.done $0x0  }
0xa4: {  	[sflag:s2] =	ssyncadd.s32 $0xFFFFD8F0  }
0xa5: {  	[spmem:s3] =	stream.indirect.scatter.add.f32 [tilespmem:s30], [sflag:$0x4], $0x1, s31, s29, $0xb8;
	[tilespmem:$0x13660] =	vst v63  }
0xa6: {  	_ = 	snop  }
0xa7: {  	[spmem:s4] =	stream.indirect.scatter.add.f32 [tilespmem:s30], [sflag:$0x4], $0x1, s0, s29, $0xb8;
	[tilespmem:$0x13660] =	vst v63  }
0xa8: {  	_ =	swait.ge [sflag:s8], $0x2710  }
0xa9: {  	[sflag:s8] =	ssyncset.done $0x0  }
0xaa: {  	[sflag:s8] =	ssyncadd.s32 $0xFFFFD8F0  }
0xab: {  	_ =	swait.ge [sflag:s8], $0x2710  }
0xac: {  	[sflag:s8] =	ssyncset.done $0x0  }
0xad: {  	[sflag:s8] =	ssyncadd.s32 $0xFFFFD8F0  }
0xae: {  	_ =	swait.ge [sflag:s9], $0x2710  }
0xaf: {  	[sflag:s9] =	ssyncset.done $0x0  }
0xb0: {  	[sflag:s9] =	ssyncadd.s32 $0xFFFFD8F0  }
0xb1: {  	_ =	swait.ge [sflag:s9], $0x2710  }
0xb2: {  	[sflag:s9] =	ssyncset.done $0x0  }
0xb3: {  	[sflag:s9] =	ssyncadd.s32 $0xFFFFD8F0  }
0xb4: {  	[bflag:$0x0] =	sbarrier.arrive $0xFFFF  }
0xb5: {  	[tilespmem:s25], [sflag:$0x5] =	stream.linear.gather [spmem:s11], $0x1870, $0x38;
	[tilespmem:$0x13660] =	vst v63  }
0xb6: {  	_ =	swait.ge [sflag:s26], $0x1870  }
0xb7: {  	[sflag:s26] =	ssyncset.done $0x0  }
0xb8: {  	s13 =	rddreg [dreg:$0xb];
	[sflag:s26] =	ssyncadd.s32 $0xFFFFE790  }
0xb9: {  	[hbm4b:s13+s5] =	stream.linear.scatter [tilespmem:s25], [sflag:$0x5], $0x1870, $0x38;
	[tilespmem:$0x13660] =	vst v63  }
0xba: {  	_ =	swait.ge [sflag:s26], $0x1870  }
0xbb: {  	[sflag:s26] =	ssyncset.done $0x0  }
0xbc: {  	[sflag:s26] =	ssyncadd.s32 $0xFFFFE790  }
0xbd: {  	[tilespmem:s25], [sflag:$0x5] =	stream.linear.gather [spmem:s12], $0x1870, $0x38;
	[tilespmem:$0x13660] =	vst v63  }
0xbe: {  	s10 =	sadd.s32 $0x1, s10;
	_ =	swait.ge [sflag:s26], $0x1870  }
0xbf: {  	p0 =	sne.s32 s10, s18;
	[sflag:s26] =	ssyncset.done $0x0  }
.Ltmp2:
0xc0: {  	s17 =	rddreg [dreg:$0xc];
	[sflag:s26] =	ssyncadd.s32 $0xFFFFE790;
	(pc) =	sbr.rel @p0 .LBB2_1-.Ltmp2, $4  }
0xc1: {  	[hbm4b:s17+s5] =	stream.linear.scatter [tilespmem:s25], [sflag:$0x5], $0x1870, $0x38;
	[tilespmem:$0x13660] =	vst v63  }
0xc2: {  	_ =	swait.ge [sflag:s26], $0x1870  }
0xc3: {  	[sflag:s26] =	ssyncset.done $0x0  }
0xc4: {  	[sflag:s26] =	ssyncadd.s32 $0xFFFFE790  }
0xc5: {  	_ =	sfence.sel $0x180000  }
0xc6: {  	[bflag:$0x0] =	sbarrier.arrive $0xFFFF  }
0xc7: {  	_ =	strace $0x90000047  }
0xc8: {  	s0 =	stileid.u32;
	[bflag:$0x2] =	sbarrier.arrive $0xFFFF  }
0xc9: {  	p0 =	sne.s32 s0, $0x0;
	s0 =	rddreg [dreg:$0x4]  }
0xca: {  	s0 =	sadd.s32 @!p0 $0x100000, s0  }
0xcb: {  	[sflag:s0] =	ssyncadd.tile.s32 @!p0 $0x1;
	_ =	shalt  }
.Lfunc_end2:
_tile_overlayer_lowered:
.L_overlay_start_2:
0xcc: {  	(tag) =	ssettag $0x2  }
0xcd: {  	s0 =	rddreg [dreg:$0x0];
	s2 =	stileid.u32  }
0xce: {  	s1 =	rddreg [dreg:$0x1];
	p0 =	sne.s32 s2, $0x0  }
0xcf: {  	s3 =	rddreg [dreg:$0x2];
	[bflag:$0x3] =	sbarrier.arrive $0xFFFF;
	s2 =	simm.s32 @!p0 $0x1C05  }
0xd0: {  	[timem:s3], [sflag:s2] =	dma.local @!p0 [hbm:s0], s1  }
0xd1: {  	s0 =	simm.s32 @!p0 $0x5  }
0xd2: {  	_ =	swait.ge @!p0 [sflag:s0], s1  }
0xd3: {  	s1 =	ssub.s32 @!p0 $0x0, s1;
	[sflag:s0] =	ssyncset.done @!p0 $0x0  }
0xd4: {  	[sflag:s0] =	ssyncadd.s32 @!p0 s1  }
0xd5: {  	[bflag:$0x3] =	sbarrier.arrive $0xFFFF  }
0xd6: {  	_ =	shalt  }

// kernel: kernel.7.cloned.1.call-start
scs
__scs_entry_jumppad:
0x0: {  	(pc) =	sbr.rel $0x88, $3  }
0x1: {  	(tag) =	ssettag $0x0;
	lr =	simm.s32 $0x1  }
0x2: {  	[smem:$0x3F9F] =	sst lr;
	_ =	strace $0xD0000000  }
0x3: {  	_ = 	snop  }
0x4: {  	_ = 	snop  }
0x5: {  	_ = 	snop  }
0x6: {  	_ = 	snop  }
0x7: {  	_ = 	snop  }
__scs_overlays_trampoline_lowered:
0x8: {  	[smem:$0x3FAE] =	sst s0  }
0x9: {  	[smem:$0x3FAF] =	sst s1  }
0xa: {  	[smem:$0x3FB0] =	sst s2  }
0xb: {  	[smem:$0x3FB1] =	sst s3  }
0xc: {  	[smem:$0x3FB2] =	sst s4  }
0xd: {  	[smem:$0x3FB3] =	sst s5  }
0xe: {  	[smem:$0x3FB4] =	sst s6  }
0xf: {  	[smem:$0x3FB5] =	sst s7  }
0x10: {  	[smem:$0x3FB6] =	sst s8  }
0x11: {  	[smem:$0x3FB7] =	sst s9;
	s0 =	simm.s32 @!p0 $0x0  }
0x12: {  	s1 =	sld [smem:$0x3F9D];
	s0 =	simm.s32 @p0 $0x1  }
0x13: {  	[smem:$0x3FB8] =	sst s0;
	s0 =	simm.s32 @!p1 $0x0  }
0x14: {  	s2 =	sld [smem:$0x3F9C];
	s0 =	simm.s32 @p1 $0x1  }
0x15: {  	[smem:$0x3FB9] =	sst s0;
	s0 =	simm.s32 @!p2 $0x0  }
0x16: {  	s3 =	sld [smem:$0x3FDB];
	s0 =	simm.s32 @p2 $0x1  }
0x17: {  	s4 =	simm.s32 $0x1BF5;
	[smem:$0x3FBB] =	sst s0  }
0x18: {  	s0 =	sld [smem:$0x3F9E];
	_ =	swait.ge [sflag:s4], $0x0  }
0x19: {  	s7 =	sld [smem:$0x3F9F]  }
0x1a: {  	s8 =	sadd.s32 $0xFFFFE003, lr  }
0x1b: {  	s9 =	sadd.s32 $0xFFFFFEF7, lr;
	s5 =	simm.s32 $0xFFFFFFFF;
	p2 =	slt.u32 s8, $0xFFFFF086  }
0x1c: {  	p1 =	slt.u32 s9, $0xF7A;
	s5 =	simm.s32 @!p2 $0x0  }
0x1d: {  	s5 =	simm.s32 @p1 $0x1;
	p0 =	seq.s32 s7, s2  }
0x1e: {  	s7 =	smul.u32 @!p0 $0xF7A, s2;
	p2 =	seq.s32 @!p0 s5, $0x0  }
0x1f: {  	s9 =	smul.u32 $0xF7A, s1;
	s8 =	simm.s32 @!p0 $0x1BF5;
	p2 =	por !p2, p0  }
0x20: {  	[sflag:s8] =	ssyncset.s32 @!p0 $0xFFFFF086;
	s6 =	sadd.s32 @!p0 s3, s7;
	s7 =	simm.s32 @!p0 $0x108  }
0x21: {  	s3 =	sadd.s32 s3, s9;
	s6 =	sadd.s32 @!p0 $0x88, s6;
	s7 =	simm.s32 @p2 $0x1082  }
0x22: {  	[simem:s7], [sflag:s8] =	dma.local @!p0 [hbm:s6], $0xF7A  }
0x23: {  	s9 =	sor.u32 $0xD0000000, s2;
	s6 =	simm.s32 $0x108;
	_ =	swait.ge @!p0 [sflag:s8], $0x0  }
0x24: {  	s3 =	sadd.s32 $0x88, s3;
	s6 =	simm.s32 @!p1 $0x1082;
	[sflag:s4] =	ssyncset.s32 $0xFFFFF086  }
0x25: {  	[simem:s6], [sflag:s4] =	dma.local [hbm:s3], $0xF7A  }
0x26: {  	[smem:$0x3F9F] =	sst s1;
	(tag) =	ssettag s2;
	_ =	strace s9  }
0x27: {  	s1 =	sld [smem:$0x3FAF]  }
0x28: {  	s2 =	sld [smem:$0x3FB0]  }
0x29: {  	s4 =	sld [smem:$0x3FB2]  }
0x2a: {  	p0 =	seq.s32 s5, $0x0;
	s5 =	sld [smem:$0x3FB3]  }
0x2b: {  	s6 =	sld [smem:$0x3FB4]  }
0x2c: {  	s7 =	sld [smem:$0x3FB5]  }
0x2d: {  	s3 =	simm.s32 $0x108;
	s8 =	sld [smem:$0x3FB6]  }
0x2e: {  	s3 =	simm.s32 @!p0 $0x1082;
	s9 =	sld [smem:$0x3FB7]  }
0x2f: {  	lr =	sadd.s32 s0, s3;
	s0 =	sld [smem:$0x3FAE]  }
0x30: {  	s3 =	sld [smem:$0x3FB1]  }
0x31: {  	[smem:$0x3FBA] =	sst s10  }
0x32: {  	s10 =	sld [smem:$0x3FB8];
	_ =	sdelay $0x3  }
0x33: {  	p0 =	seq.s32 s10, $0x1;
	s10 =	sld [smem:$0x3FBA];
	_ =	sdelay $0x3  }
0x34: {  	[smem:$0x3FBA] =	sst s10  }
0x35: {  	s10 =	sld [smem:$0x3FB9];
	_ =	sdelay $0x3  }
0x36: {  	p1 =	seq.s32 s10, $0x1;
	s10 =	sld [smem:$0x3FBA];
	_ =	sdelay $0x3  }
0x37: {  	[smem:$0x3FBA] =	sst s10  }
0x38: {  	s10 =	sld [smem:$0x3FBB]  }
0x39: {  	_ = 	snop;
	(pc) =	sbr.ind lr, $3  }
0x3a: {  	_ = 	snop  }
0x3b: {  	_ = 	snop  }
0x3c: {  	p2 =	seq.s32 s10, $0x1;
	s10 =	sld [smem:$0x3FBA]  }
0x3d: {  	_ =	shalt  }
0x3e: {  	_ =	shalt  }
0x3f: {  	_ =	shalt  }
0x40: {  	_ =	shalt  }
0x41: {  	_ =	shalt  }
0x42: {  	_ =	shalt  }
0x43: {  	_ =	shalt  }
0x44: {  	_ =	shalt  }
0x45: {  	_ =	shalt  }
0x46: {  	_ =	shalt  }
0x47: {  	_ =	shalt  }
0x48: {  	_ =	shalt  }
0x49: {  	_ =	shalt  }
0x4a: {  	_ =	shalt  }
0x4b: {  	_ =	shalt  }
0x4c: {  	_ =	shalt  }
0x4d: {  	_ =	shalt  }
0x4e: {  	_ =	shalt  }
0x4f: {  	_ =	shalt  }
0x50: {  	_ =	shalt  }
0x51: {  	_ =	shalt  }
0x52: {  	_ =	shalt  }
0x53: {  	_ =	shalt  }
0x54: {  	_ =	shalt  }
0x55: {  	_ =	shalt  }
0x56: {  	_ =	shalt  }
0x57: {  	_ =	shalt  }
0x58: {  	_ =	shalt  }
0x59: {  	_ =	shalt  }
0x5a: {  	_ =	shalt  }
0x5b: {  	_ =	shalt  }
0x5c: {  	_ =	shalt  }
0x5d: {  	_ =	shalt  }
0x5e: {  	_ =	shalt  }
0x5f: {  	_ =	shalt  }
0x60: {  	_ =	shalt  }
0x61: {  	_ =	shalt  }
0x62: {  	_ =	shalt  }
0x63: {  	_ =	shalt  }
0x64: {  	_ =	shalt  }
0x65: {  	_ =	shalt  }
0x66: {  	_ =	shalt  }
0x67: {  	_ =	shalt  }
0x68: {  	_ =	shalt  }
0x69: {  	_ =	shalt  }
0x6a: {  	_ =	shalt  }
0x6b: {  	_ =	shalt  }
0x6c: {  	_ =	shalt  }
0x6d: {  	_ =	shalt  }
0x6e: {  	_ =	shalt  }
0x6f: {  	_ =	shalt  }
0x70: {  	_ =	shalt  }
0x71: {  	_ =	shalt  }
0x72: {  	_ =	shalt  }
0x73: {  	_ =	shalt  }
0x74: {  	_ =	shalt  }
0x75: {  	_ =	shalt  }
0x76: {  	_ =	shalt  }
0x77: {  	_ =	shalt  }
0x78: {  	_ =	shalt  }
0x79: {  	_ =	shalt  }
0x7a: {  	_ =	shalt  }
0x7b: {  	_ =	shalt  }
0x7c: {  	_ =	shalt  }
0x7d: {  	_ =	shalt  }
0x7e: {  	_ =	shalt  }
0x7f: {  	_ =	shalt  }
0x80: {  	_ =	shalt  }
0x81: {  	_ =	shalt  }
0x82: {  	_ =	shalt  }
0x83: {  	_ =	shalt  }
0x84: {  	_ =	shalt  }
0x85: {  	_ =	shalt  }
0x86: {  	_ =	shalt  }
0x87: {  	_ =	shalt  }
.Lfunc_end0:
.L_simem_size_0:
called_computation.1_lowered:
.L_overlay_start_0:
0x88: {  	s2 =	sld [smem:$0x3FD9]  }
0x89: {  	s3 =	sld [smem:$0x3FFE];
	_ =	sdelay $0x1  }
0x8a: {  	s1 =	srdreg.scid  }
0x8b: {  	s0 =	sand.u32 $0x1, s1  }
0x8c: {  	s17 =	sshll.u32 s0, $0xA;
	s2 =	sadd.s32 s3, s2  }
0x8d: {  	s2 =	sadd.s32 s2, s17  }
0x8e: {  	[smem:$0x3FC6] =	sst s2  }
0x8f: {  	_ = 	snop  }
0x90: {  	s2 =	sld [smem:$0x3FC9]  }
0x91: {  	s18 =	sld [smem:$0x3FD0];
	(tm) =	ssettm $0x1  }
0x92: {  	s4 =	sld [smem:$0x3FFB];
	_ =	sdelay $0x3  }
0x93: {  	_ =	strace s4  }
0x94: {  	s4 =	sld [smem:$0x3FFC];
	_ =	sdelay $0x3  }
0x95: {  	_ =	strace s4  }
0x96: {  	s4 =	sld [smem:$0x3FFD];
	_ =	sdelay $0x3  }
0x97: {  	_ =	strace s4  }
0x98: {  	_ =	strace $0x8FFFFFFF  }
0x99: {  	s19 =	sld [smem:$0x3FDB];
	_ =	sdelay $0x1  }
0x9a: {  	s5 =	simm.s32 $_scs_section_size  }
0x9b: {  	s6 =	simm.s32 $_size__tile_overlayer_lowered;
	s7 =	simm.s32 $_tile_overlayer_lowered  }
0x9c: {  	s22 =	simm.s32 $0x1BFF;
	s21 =	sshll.u32 s7, $0x1;
	s4 =	sadd.s32 s5, s19  }
0x9d: {  	s8 =	simm.s32 $0x0;
	s20 =	sshll.u32 s6, $0x1;
	s6 =	sadd.s32 s21, s4  }
0x9e: {  	[timem:s8], [sflag:s22] =	dma.local [hbm:s6], s20  }
0x9f: {  	_ =	swait.ge [sflag:s22], s20  }
0xa0: {  	s5 =	ssub.s32 $0x0, s20;
	[sflag:s22] =	ssyncset.done $0x0  }
0xa1: {  	[sflag:s22] =	ssyncadd.s32 s5;
	_ =	sdelay $0x1  }
0xa2: {  	s23 =	simm.s32 $0x1B8B  }
0xa3: {  	_ =	swait.ge [sflag:s23], $0x1  }
0xa4: {  	[sflag:s23] =	ssyncset.done $0x0  }
0xa5: {  	s25 =	simm.s32 $0x1B8E;
	s24 =	sld [smem:$0x3FFE];
	[sflag:s23] =	ssyncadd.s32 $0xFFFFFFFF  }
0xa6: {  	s26 =	simm.s32 $execute0_lowered;
	[smem:$0x3FD2] =	sst s25  }
0xa7: {  	s6 =	sshll.u32 s26, $0x1;
	_ =	strace $0x80000049;
	[dreg:$0x1] =	wrdreg $0xFFFFFFFF  }
0xa8: {  	s28 =	simm.s32 $_size_execute0_lowered;
	s4 =	sadd.s32 s4, s6;
	[dreg:$0x0] =	wrdreg $0x0  }
0xa9: {  	s6 =	sshll.u32 s28, $0x1;
	[dreg:$0x2] =	wrdreg s4  }
0xaa: {  	[dreg:$0x3] =	wrdreg s6  }
0xab: {  	[dreg:$0x4] =	wrdreg $0xC0  }
0xac: {  	_ =	task [dreg:s8], $0x5FFFF  }
0xad: {  	[dreg:$0x1] =	wrdreg $0xFFFFFFFF  }
0xae: {  	[dreg:$0x0] =	wrdreg $0x60  }
0xaf: {  	[dreg:$0x2] =	wrdreg s24  }
0xb0: {  	[dreg:$0x3] =	wrdreg s2  }
0xb1: {  	[dreg:$0x4] =	wrdreg s18  }
0xb2: {  	[dreg:$0x5] =	wrdreg $0x1AB000  }
0xb3: {  	[dreg:$0x6] =	wrdreg $0x1C3700  }
0xb4: {  	[dreg:$0x7] =	wrdreg $0x9  }
0xb5: {  	_ =	task.clear_ibuf [dreg:s8], $0x8FFFF;
	_ =	strace $0x90000049  }
0xb6: {  	s29 =	simm.s32 $0x9;
	_ =	strace $0x8000004B  }
0xb7: {  	_ =	swait.ge [sflag:s29], $0x1  }
0xb8: {  	[sflag:s29] =	ssyncadd.s32 $0xFFFFFFFF  }
0xb9: {  	_ =	strace $0x9000004B  }
0xba: {  	_ =	sfence  }
0xbb: {  	s30 =	sld [smem:$0x0];
	_ =	sdelay $0x2  }
0xbc: {  	s31 =	sshll.u32 s1, $0xD;
	s1 =	sshrl.u32 s1, $0x2  }
0xbd: {  	s3 =	sand.u32 $0x4000, s31;
	s1 =	sadd.s32 s1, s30  }
0xbe: {  	s0 =	sor.u32 s3, s0;
	s1 =	sshll.u32 s1, $0x11  }
0xbf: {  	s0 =	sor.u32 s1, s0  }
0xc0: {  	s0 =	sadd.s32 $0x8F2B, s0  }
0xc1: {  	[sflag:s0] =	ssyncadd.remote.s32 $0x1  }
0xc2: {  	_ =	sfence.sel $0xFFFF  }
0xc3: {  	[dreg:$0x0] =	wrdreg $0xFFFFFFFF;
	(pc) =	sbr.abs _section_cstart, $3  }
0xc4: {  	[dreg:$0x1] =	wrdreg $0xFFFFFFFF  }
0xc5: {  	_ =	task.clear_ibuf [dreg:s8], $0x2FFFF;
	_ =	strace $0x9FFFFFFF  }
0xc6: {  	(tm) =	ssettm $0x7FFFFFFF  }
0xc7: {  	_ =	shalt  }
tec
execute0_lowered:
.L_overlay_start_1:
0x0: {  	(tag) =	ssettag $0x1  }
0x1: {  	s0 =	rddreg [dreg:$0x0]  }
0x2: {  	s1 =	rddreg [dreg:$0x1]  }
0x3: {  	s2 =	rddreg [dreg:$0x2]  }
0x4: {  	s3 =	rddreg [dreg:$0x3]  }
0x5: {  	s4 =	srdreg.scid;
	s8 =	stileid.u32;
	s6 =	simm.s32 $0x0  }
0x6: {  	s4 =	sand.u32 $0x1, s4;
	s9 =	smul.u32 $0x1870, s8;
	[smem:$0x7FF] =	sst s6  }
0x7: {  	s5 =	rddreg [dreg:$0x4];
	s7 =	sshll.u32 s4, $0x4;
	_ =	strace $0x8000004A  }
0x8: {  	s7 =	sor.u32 s8, s7;
	s8 =	sadd.s32 $0xA00, s0;
	s11 =	sshrl.u32 s9, $0x3  }
0x9: {  	s17 =	sadd.s32 s9, s3;
	s20 =	sadd.s32 s9, s5;
	s10 =	smul.u32 $0x30D40, s7  }
0xa: {  	s7 =	sadd.s32 $0xC4000, s0;
	s0 =	sadd.s32 s11, s0;
	[dreg:$0xa] =	wrdreg s17  }
0xb: {  	[dreg:$0xd] =	wrdreg s20;
	s13 =	sadd.s32 $0x187600, s0  }
0xc: {  	s16 =	sadd.s32 $0x18D7C0, s0;
	[dreg:$0x7] =	wrdreg s13  }
0xd: {  	s18 =	sadd.s32 $0x18A6E0, s0;
	[dreg:$0x9] =	wrdreg s16  }
0xe: {  	s0 =	sadd.s32 $0x1908A0, s0;
	s12 =	sshrl.u32 s10, $0x3;
	[dreg:$0xb] =	wrdreg s18  }
0xf: {  	s28 =	simm.s32 $0x1F40;
	[dreg:$0xc] =	wrdreg s0;
	s16 =	sadd.s32 s8, s12  }
0x10: {  	s29 =	simm.s32 $0xBD00;
	s17 =	sadd.s32 s1, s12;
	[dreg:$0x17] =	wrdreg s16  }
0x11: {  	s14 =	sadd.s32 $0x3E8, s12;
	s18 =	sadd.s32 s2, s12;
	[dreg:$0x18] =	wrdreg s17  }
0x12: {  	s13 =	sadd.s32 $0x3E80, s10;
	s26 =	sadd.s32 s7, s14;
	[dreg:$0x19] =	wrdreg s18  }
0x13: {  	s19 =	sshrl.u32 s13, $0x3;
	s15 =	sadd.s32 s8, s14;
	[dreg:$0x6] =	wrdreg s26  }
0x14: {  	s30 =	simm.s32 $0xFC00;
	s21 =	sadd.s32 s7, s19;
	[dreg:$0x8] =	wrdreg s15  }
0x15: {  	s31 =	simm.s32 $0x6;
	s22 =	sadd.s32 s8, s19;
	[dreg:$0xe] =	wrdreg s21  }
0x16: {  	s4 =	ssub.s32 $0x2, s4;
	s23 =	sadd.s32 s1, s19;
	[dreg:$0xf] =	wrdreg s22  }
0x17: {  	s25 =	sshrl.u32 s4, $0x1;
	s24 =	sadd.s32 s1, s14;
	[dreg:$0x10] =	wrdreg s23  }
0x18: {  	s11 =	ssub.s32 s4, s25;
	s25 =	sadd.s32 s2, s14;
	[dreg:$0x11] =	wrdreg s24  }
0x19: {  	s19 =	sadd.s32 $0x5DC0, s12;
	[dreg:$0x12] =	wrdreg s25;
	s15 =	sadd.s32 s7, s12  }
0x1a: {  	s4 =	sadd.s32 $0x9C40, s10;
	s20 =	sadd.s32 s7, s19;
	[dreg:$0x16] =	wrdreg s15  }
0x1b: {  	s17 =	simm.s32 $0x3F00;
	s22 =	sadd.s32 s8, s19;
	[dreg:$0x1a] =	wrdreg s20  }
0x1c: {  	s16 =	simm.s32 $0x5;
	s23 =	sadd.s32 s1, s19;
	[dreg:$0x1b] =	wrdreg s22  }
0x1d: {  	s21 =	sadd.s32 $0x5DC0, s10;
	s24 =	smax.u32 s11, $0x1;
	[dreg:$0x1c] =	wrdreg s23  }
0x1e: {  	s25 =	sadd.s32 $0x55F0, s18;
	s12 =	simm.s32 $0x13B00;
	[dreg:$0x1e] =	wrdreg s24  }
0x1f: {  	s11 =	simm.s32 $0x0;
	s26 =	sshrl.u32 s21, $0x3;
	[dreg:$0x1f] =	wrdreg s25  }
0x20: {  	s20 =	simm.s32 $0x5E80;
	s22 =	simm.s32 $0x17A00;
	s24 =	simm.s32 $0x7  }
0x21: {  	s25 =	simm.s32 $0x3;
	s15 =	simm.s32 $0x15A80;
	s9 =	sadd.s32 s7, s26  }
0x22: {  	s14 =	sadd.s32 s8, s26;
	s0 =	sadd.s32 s1, s26;
	[dreg:$0x13] =	wrdreg s9  }
0x23: {  	s26 =	sadd.s32 $0x59D8, s18;
	s18 =	simm.s32 $0x7E00;
	[dreg:$0x14] =	wrdreg s14  }
0x24: {  	[dreg:$0x15] =	wrdreg s0;
	s0 =	sadd.s32 $0x7D00, s10;
	s9 =	sadd.s32 s2, s19  }
0x25: {  	[smem:$0x7FD] =	sst s26;
	s19 =	simm.s32 $0x1F80;
	s26 =	simm.s32 $0x1  }
0x26: {  	s14 =	simm.s32 $0x4;
	[dreg:$0x1d] =	wrdreg s9;
	s9 =	simm.s32 $0x2  }
.LBB2_1:
0x27: {  	[smem:$0x7FC] =	sst s11  }
0x28: {  	s10 =	rddreg [dreg:$0x16]  }
0x29: {  	[tilespmem:s6], [sflag:$0x1] =	stream.linear.gather [hbm4b:s10+s6], $0x1F40, $0x38;
	[tilespmem:$0x1DBE0] =	vst v63  }
0x2a: {  	s11 =	rddreg [dreg:$0x17]  }
0x2b: {  	[tilespmem:s17], [sflag:$0x1] =	stream.linear.gather [hbm4b:s11+s6], $0x1F40, $0x38;
	[tilespmem:$0x1DBE0] =	vst v63  }
0x2c: {  	s23 =	rddreg [dreg:$0x18]  }
0x2d: {  	[tilespmem:s18], [sflag:$0x1] =	stream.linear.gather [hbm4b:s23+s6], $0x1F40, $0x38;
	[tilespmem:$0x1DBE0] =	vst v63  }
0x2e: {  	s11 =	rddreg [dreg:$0x6]  }
0x2f: {  	[tilespmem:s19], [sflag:$0x2] =	stream.linear.gather [hbm4b:s11+s6], $0x1F40, $0x38;
	[tilespmem:$0x1DBE0] =	vst v63  }
0x30: {  	s23 =	rddreg [dreg:$0x8]  }
0x31: {  	[tilespmem:s20], [sflag:$0x2] =	stream.linear.gather [hbm4b:s23+s6], $0x1F40, $0x38;
	[tilespmem:$0x1DBE0] =	vst v63  }
0x32: {  	s11 =	rddreg [dreg:$0x11];
	s23 =	simm.s32 $0x9D80  }
0x33: {  	[tilespmem:s23], [sflag:$0x2] =	stream.linear.gather [hbm4b:s11+s6], $0x1F40, $0x38;
	[tilespmem:$0x1DBE0] =	vst v63  }
0x34: {  	s23 =	rddreg [dreg:$0x7]  }
0x35: {  	[tilespmem:s22], [sflag:$0x7] =	stream.linear.gather [hbm4b:s23+s6], $0x1870, $0x38;
	[tilespmem:$0x1DBE0] =	vst v63  }
0x36: {  	_ =	swait.ge [sflag:s24], $0x1870  }
0x37: {  	[sflag:s24] =	ssyncset.done $0x0  }
0x38: {  	s23 =	simm.s32 $0x19280;
	s11 =	rddreg [dreg:$0x9];
	[sflag:s24] =	ssyncadd.s32 $0xFFFFE790  }
0x39: {  	[tilespmem:s23], [sflag:$0x7] =	stream.linear.gather [hbm4b:s11+s6], $0x1870, $0x38;
	[tilespmem:$0x1DBE0] =	vst v63  }
0x3a: {  	_ =	swait.ge [sflag:s24], $0x1870  }
0x3b: {  	[sflag:s24] =	ssyncset.done $0x0  }
0x3c: {  	s23 =	simm.s32 $0x0;
	[sflag:s24] =	ssyncadd.s32 $0xFFFFE790  }
0x3d: {  	s10 =	simm.s32 $0x40;
	v0 =	vld [tilespmem:s23+$0x19280]  }
.LBB2_2:
0x3e: {  	p0 =	sne.s32 s10, $0x6180;
	v1 =	vld [tilespmem:s23+$0x17A00];
	_ =	sdelay $0x4  }
0x3f: {  	v0 =	vadd.f32 v0, v1;
	_ =	sdelay $0x1  }
0x40: {  	v1 =	vshra.s32 v0, $0x1;
	v0 =	vmul.f32 $5.000000000e-01, v0  }
0x41: {  	v1 =	vsub.s32 $0x5F3759DF, v1  }
0x42: {  	v2 =	vmul.f32 v1, v0;
	_ =	sdelay $0x1  }
0x43: {  	v2 =	vmul.f32 v1, v2;
	_ =	sdelay $0x1  }
0x44: {  	v2 =	vsub.f32 $1.500000000e+00, v2;
	_ =	sdelay $0x1  }
0x45: {  	v1 =	vmul.f32 v1, v2;
	_ =	sdelay $0x1  }
0x46: {  	v2 =	vmul.f32 v1, v0;
	_ =	sdelay $0x1  }
0x47: {  	v2 =	vmul.f32 v2, v1;
	_ =	sdelay $0x1  }
0x48: {  	v2 =	vsub.f32 $1.500000000e+00, v2;
	_ =	sdelay $0x1  }
0x49: {  	v1 =	vmul.f32 v2, v1;
	_ =	sdelay $0x1  }
0x4a: {  	v0 =	vmul.f32 v1, v0;
	_ =	sdelay $0x1  }
0x4b: {  	v0 =	vmul.f32 v0, v1;
	_ =	sdelay $0x1  }
.Ltmp0:
0x4c: {  	v0 =	vsub.f32 $1.500000000e+00, v0;
	(pc) =	sbr.rel @p0 .LBB2_2-.Ltmp0, $4  }
0x4d: {  	_ = 	snop  }
0x4e: {  	v1 =	vmul.f32 v0, v1  }
0x4f: {  	s11 =	sshra.s32 s10, $0x2  }
0x50: {  	s10 =	sadd.s32 $0x40, s10;
	v0 =	vld [tilespmem:s11+$0x19280];
	[tilespmem:s23+$0x17A00] =	vst v1;
	s23 =	smov.u32 s11  }
0x51: {  	v1 =	vld [tilespmem:s23+$0x17A00];
	_ =	sdelay $0x4  }
0x52: {  	v0 =	vadd.f32 v0, v1;
	_ =	sdelay $0x1  }
0x53: {  	v1 =	vshra.s32 v0, $0x1;
	v0 =	vmul.f32 $5.000000000e-01, v0  }
0x54: {  	v1 =	vsub.s32 $0x5F3759DF, v1  }
0x55: {  	v2 =	vmul.f32 v1, v0;
	_ =	sdelay $0x1  }
0x56: {  	v2 =	vmul.f32 v1, v2;
	_ =	sdelay $0x1  }
0x57: {  	v2 =	vsub.f32 $1.500000000e+00, v2;
	_ =	sdelay $0x1  }
0x58: {  	v1 =	vmul.f32 v1, v2;
	_ =	sdelay $0x1  }
0x59: {  	v2 =	vmul.f32 v1, v0;
	_ =	sdelay $0x1  }
0x5a: {  	v2 =	vmul.f32 v2, v1;
	_ =	sdelay $0x1  }
0x5b: {  	v2 =	vsub.f32 $1.500000000e+00, v2;
	_ =	sdelay $0x1  }
0x5c: {  	v1 =	vmul.f32 v2, v1;
	_ =	sdelay $0x1  }
0x5d: {  	v0 =	vmul.f32 v1, v0;
	_ =	sdelay $0x1  }
0x5e: {  	v0 =	vmul.f32 v0, v1;
	_ =	sdelay $0x1  }
0x5f: {  	v0 =	vsub.f32 $1.500000000e+00, v0;
	_ =	sdelay $0x1  }
0x60: {  	v0 =	vmul.f32 v0, v1;
	_ =	sdelay $0x1  }
0x61: {  	s10 =	rddreg [dreg:$0xa];
	[tilespmem:s23+$0x17A00] =	vst v0  }
0x62: {  	[spmem:s10] =	stream.linear.scatter [tilespmem:s22], [sflag:$0x7], $0x1870, $0x38;
	[tilespmem:$0x1DBE0] =	vst v63  }
0x63: {  	_ =	swait.ge [sflag:s24], $0x1870  }
0x64: {  	[sflag:s24] =	ssyncset.done $0x0  }
0x65: {  	s10 =	simm.s32 $0x0;
	s11 =	rddreg [dreg:$0xb];
	[sflag:s24] =	ssyncadd.s32 $0xFFFFE790  }
0x66: {  	[tilespmem:s22], [sflag:$0x7] =	stream.linear.gather [hbm4b:s11+s10], $0x1870, $0x38;
	[tilespmem:$0x1DBE0] =	vst v63  }
0x67: {  	_ =	swait.ge [sflag:s24], $0x1870  }
0x68: {  	[sflag:s24] =	ssyncset.done $0x0  }
0x69: {  	s23 =	simm.s32 $0x19280;
	s11 =	rddreg [dreg:$0xc];
	[sflag:s24] =	ssyncadd.s32 $0xFFFFE790  }
0x6a: {  	[tilespmem:s23], [sflag:$0x7] =	stream.linear.gather [hbm4b:s11+s10], $0x1870, $0x38;
	[tilespmem:$0x1DBE0] =	vst v63  }
0x6b: {  	_ =	swait.ge [sflag:s24], $0x1870  }
0x6c: {  	[sflag:s24] =	ssyncset.done $0x0  }
0x6d: {  	s23 =	simm.s32 $0x0;
	[sflag:s24] =	ssyncadd.s32 $0xFFFFE790  }
0x6e: {  	s10 =	simm.s32 $0x40;
	v0 =	vld [tilespmem:s23+$0x19280]  }
.LBB2_4:
0x6f: {  	p0 =	sne.s32 s10, $0x6180;
	v1 =	vld [tilespmem:s23+$0x17A00];
	_ =	sdelay $0x4  }
0x70: {  	v0 =	vadd.f32 v0, v1;
	_ =	sdelay $0x1  }
0x71: {  	v1 =	vshra.s32 v0, $0x1;
	v0 =	vmul.f32 $5.000000000e-01, v0  }
0x72: {  	v1 =	vsub.s32 $0x5F3759DF, v1  }
0x73: {  	v2 =	vmul.f32 v1, v0;
	_ =	sdelay $0x1  }
0x74: {  	v2 =	vmul.f32 v1, v2;
	_ =	sdelay $0x1  }
0x75: {  	v2 =	vsub.f32 $1.500000000e+00, v2;
	_ =	sdelay $0x1  }
0x76: {  	v1 =	vmul.f32 v1, v2;
	_ =	sdelay $0x1  }
0x77: {  	v2 =	vmul.f32 v1, v0;
	_ =	sdelay $0x1  }
0x78: {  	v2 =	vmul.f32 v2, v1;
	_ =	sdelay $0x1  }
0x79: {  	v2 =	vsub.f32 $1.500000000e+00, v2;
	_ =	sdelay $0x1  }
0x7a: {  	v1 =	vmul.f32 v2, v1;
	_ =	sdelay $0x1  }
0x7b: {  	v0 =	vmul.f32 v1, v0;
	_ =	sdelay $0x1  }
0x7c: {  	v0 =	vmul.f32 v0, v1;
	_ =	sdelay $0x1  }
.Ltmp1:
0x7d: {  	v0 =	vsub.f32 $1.500000000e+00, v0;
	(pc) =	sbr.rel @p0 .LBB2_4-.Ltmp1, $4  }
0x7e: {  	_ = 	snop  }
0x7f: {  	v1 =	vmul.f32 v0, v1  }
0x80: {  	s11 =	sshra.s32 s10, $0x2  }
0x81: {  	s10 =	sadd.s32 $0x40, s10;
	v0 =	vld [tilespmem:s11+$0x19280];
	[tilespmem:s23+$0x17A00] =	vst v1;
	s23 =	smov.u32 s11  }
0x82: {  	v1 =	vld [tilespmem:s23+$0x17A00];
	_ =	sdelay $0x4  }
0x83: {  	v0 =	vadd.f32 v0, v1;
	_ =	sdelay $0x1  }
0x84: {  	v1 =	vshra.s32 v0, $0x1;
	v0 =	vmul.f32 $5.000000000e-01, v0  }
0x85: {  	v1 =	vsub.s32 $0x5F3759DF, v1  }
0x86: {  	v2 =	vmul.f32 v1, v0;
	_ =	sdelay $0x1  }
0x87: {  	v2 =	vmul.f32 v1, v2;
	_ =	sdelay $0x1  }
0x88: {  	v2 =	vsub.f32 $1.500000000e+00, v2;
	_ =	sdelay $0x1  }
0x89: {  	v1 =	vmul.f32 v1, v2;
	_ =	sdelay $0x1  }
0x8a: {  	v2 =	vmul.f32 v1, v0;
	_ =	sdelay $0x1  }
0x8b: {  	v2 =	vmul.f32 v2, v1;
	_ =	sdelay $0x1  }
0x8c: {  	v2 =	vsub.f32 $1.500000000e+00, v2;
	_ =	sdelay $0x1  }
0x8d: {  	v1 =	vmul.f32 v2, v1;
	_ =	sdelay $0x1  }
0x8e: {  	v0 =	vmul.f32 v1, v0;
	_ =	sdelay $0x1  }
0x8f: {  	v0 =	vmul.f32 v0, v1;
	_ =	sdelay $0x1  }
0x90: {  	v0 =	vsub.f32 $1.500000000e+00, v0;
	_ =	sdelay $0x1  }
0x91: {  	v0 =	vmul.f32 v0, v1;
	_ =	sdelay $0x1  }
0x92: {  	s10 =	rddreg [dreg:$0xd];
	[tilespmem:s23+$0x17A00] =	vst v0  }
0x93: {  	[spmem:s10] =	stream.linear.scatter [tilespmem:s22], [sflag:$0x7], $0x1870, $0x38;
	[tilespmem:$0x1DBE0] =	vst v63  }
0x94: {  	_ =	swait.ge [sflag:s24], $0x1870  }
0x95: {  	[sflag:s24] =	ssyncset.done $0x0  }
0x96: {  	[sflag:s24] =	ssyncadd.s32 $0xFFFFE790  }
0x97: {  	[bflag:$0x0] =	sbarrier.arrive $0xFFFF  }
0x98: {  	_ =	swait.ge [sflag:s26], $0x1F40  }
0x99: {  	[sflag:s26] =	ssyncset.done $0x0  }
0x9a: {  	[sflag:s26] =	ssyncadd.s32 $0xFFFFE0C0  }
0x9b: {  	_ =	swait.ge [sflag:s26], $0x1F40  }
0x9c: {  	[sflag:s26] =	ssyncset.done $0x0  }
0x9d: {  	[sflag:s26] =	ssyncadd.s32 $0xFFFFE0C0  }
0x9e: {  	_ =	swait.ge [sflag:s26], $0x1F40  }
0x9f: {  	[sflag:s26] =	ssyncset.done $0x0  }
0xa0: {  	s22 =	simm.s32 $0x0;
	[sflag:s26] =	ssyncadd.s32 $0xFFFFE0C0  }
0xa1: {  	[tilespmem:s29], [sflag:$0x3] =	stream.indirect.gather [spmem:s3], $0x1, s22, s28, $0xb8;
	[tilespmem:$0x1DBE0] =	vst v63  }
0xa2: {  	_ = 	snop  }
0xa3: {  	[tilespmem:s30], [sflag:$0x3] =	stream.indirect.gather [spmem:s5], $0x1, s17, s28, $0xb8;
	[tilespmem:$0x1DBE0] =	vst v63  }
0xa4: {  	_ =	swait.ge [sflag:s25], $0x1F40  }
0xa5: {  	[sflag:s25] =	ssyncset.done $0x0  }
0xa6: {  	[sflag:s25] =	ssyncadd.s32 $0xFFFFE0C0  }
0xa7: {  	_ =	swait.ge [sflag:s25], $0x1F40  }
0xa8: {  	[sflag:s25] =	ssyncset.done $0x0  }
0xa9: {  	[sflag:s25] =	ssyncadd.s32 $0xFFFFE0C0  }
0xaa: {  	_ =	swait.ge [sflag:s9], $0x1F40  }
0xab: {  	[sflag:s9] =	ssyncset.done $0x0  }
0xac: {  	[sflag:s9] =	ssyncadd.s32 $0xFFFFE0C0  }
0xad: {  	_ =	swait.ge [sflag:s9], $0x1F40  }
0xae: {  	[sflag:s9] =	ssyncset.done $0x0  }
0xaf: {  	[sflag:s9] =	ssyncadd.s32 $0xFFFFE0C0  }
0xb0: {  	_ =	swait.ge [sflag:s9], $0x1F40  }
0xb1: {  	[sflag:s9] =	ssyncset.done $0x0  }
0xb2: {  	s23 =	simm.s32 $0xDC80;
	[sflag:s9] =	ssyncadd.s32 $0xFFFFE0C0  }
0xb3: {  	[tilespmem:s23], [sflag:$0x4] =	stream.indirect.gather [spmem:s3], $0x1, s19, s28, $0xb8;
	[tilespmem:$0x1DBE0] =	vst v63  }
0xb4: {  	s24 =	simm.s32 $0x11B80;
	s23 =	simm.s32 $0x0  }
0xb5: {  	[tilespmem:s24], [sflag:$0x4] =	stream.indirect.gather [spmem:s5], $0x1, s20, s28, $0xb8;
	[tilespmem:$0x1DBE0] =	vst v63  }
0xb6: {  	v0 =	vld [tilespmem:s23+$0xBD30]  }
0xb7: {  	v1 =	vld [tilespmem:s23+$0xFC30]  }
0xb8: {  	v6 =	vld [tilespmem:s23+$0xBD00]  }
0xb9: {  	v3 =	vld [tilespmem:s23+$0x7E30]  }
0xba: {  	v7 =	vld [tilespmem:s23+$0xFC00]  }
0xbb: {  	v8 =	vld [tilespmem:s23+$0xBD10]  }
0xbc: {  	v9 =	vld [tilespmem:s23+$0xFC10]  }
0xbd: {  	v2 =	vld [tilespmem:s23+$0xFC20];
	v1 =	vmul.f32 v1, v0  }
0xbe: {  	v0 =	vld [tilespmem:s23+$0xBD20]  }
0xbf: {  	v5 =	vld [tilespmem:s23+$0x7E00];
	v1 =	vmul.f32 v3, v1  }
0xc0: {  	v3 =	vld [tilespmem:s23+$0x7E10]  }
0xc1: {  	s10 =	simm.s32 $0x40;
	v4 =	vld [tilespmem:s23+$0x7E20];
	[tilespmem:s23+$0x13B30] =	vst v1  }
0xc2: {  	s22 =	simm.s32 $0x200;
	v6 =	vmul.f32 v7, v6;
	v7 =	vmul.f32 v9, v8;
	v1 =	vld [tilespmem:s10+$0xBD30]  }
.LBB2_6:
0xc3: {  	p0 =	sne.s32 s22, $0x7C00;
	v8 =	vld [tilespmem:s10+$0xFC30];
	v0 =	vmul.f32 v2, v0  }
0xc4: {  	v9 =	vld [tilespmem:s10+$0xBD00];
	v2 =	vmul.f32 v5, v6  }
0xc5: {  	v5 =	vld [tilespmem:s10+$0x7E30];
	v3 =	vmul.f32 v3, v7  }
0xc6: {  	v6 =	vld [tilespmem:s10+$0xFC00];
	[tilespmem:s23+$0x13B00] =	vst v2;
	v0 =	vmul.f32 v4, v0  }
0xc7: {  	v4 =	vld [tilespmem:s10+$0xBD10];
	[tilespmem:s23+$0x13B10] =	vst v3  }
0xc8: {  	v7 =	vld [tilespmem:s10+$0xFC10];
	v1 =	vmul.f32 v8, v1;
	[tilespmem:s23+$0x13B20] =	vst v0;
	s23 =	smov.u32 s10  }
0xc9: {  	v0 =	vld [tilespmem:s23+$0xBD20]  }
.Ltmp2:
0xca: {  	v2 =	vld [tilespmem:s23+$0xFC20];
	v1 =	vmul.f32 v5, v1;
	(pc) =	sbr.rel @p0 .LBB2_6-.Ltmp2, $4  }
0xcb: {  	v6 =	vmul.f32 v6, v9;
	v5 =	vld [tilespmem:s23+$0x7E00]  }
0xcc: {  	v3 =	vld [tilespmem:s23+$0x7E10];
	[tilespmem:s23+$0x13B30] =	vst v1  }
0xcd: {  	s10 =	sshra.s32 s22, $0x2;
	v7 =	vmul.f32 v7, v4;
	v4 =	vld [tilespmem:s23+$0x7E20]  }
0xce: {  	s22 =	sadd.s32 $0x100, s22;
	v1 =	vld [tilespmem:s10+$0xBD30]  }
0xcf: {  	v8 =	vld [tilespmem:s10+$0xFC30]  }
0xd0: {  	v9 =	vld [tilespmem:s10+$0xBD00];
	v0 =	vmul.f32 v2, v0;
	v5 =	vmul.f32 v5, v6  }
0xd1: {  	v10 =	vld [tilespmem:s10+$0xFC00];
	v2 =	vmul.f32 v3, v7  }
0xd2: {  	v6 =	vld [tilespmem:s10+$0x7E30];
	[tilespmem:s23+$0x13B00] =	vst v5;
	v0 =	vmul.f32 v4, v0  }
0xd3: {  	v3 =	vld [tilespmem:s10+$0xBD10];
	[tilespmem:s23+$0x13B10] =	vst v2  }
0xd4: {  	v2 =	vld [tilespmem:s10+$0xFC10];
	[tilespmem:s23+$0x13B20] =	vst v0  }
0xd5: {  	v0 =	vmul.f32 v8, v1;
	v1 =	vld [tilespmem:s10+$0xBD20]  }
0xd6: {  	v4 =	vld [tilespmem:s10+$0xFC20]  }
0xd7: {  	v5 =	vld [tilespmem:s10+$0x7E00];
	v0 =	vmul.f32 v6, v0  }
0xd8: {  	v6 =	vld [tilespmem:s10+$0x7E10]  }
0xd9: {  	[tilespmem:s10+$0x13B30] =	vst v0;
	v0 =	vld [tilespmem:s10+$0x7E20]  }
0xda: {  	v7 =	vmul.f32 v10, v9  }
0xdb: {  	v2 =	vmul.f32 v2, v3  }
0xdc: {  	v1 =	vmul.f32 v4, v1;
	v3 =	vmul.f32 v5, v7  }
0xdd: {  	v2 =	vmul.f32 v6, v2  }
0xde: {  	[tilespmem:s10+$0x13B00] =	vst v3;
	v0 =	vmul.f32 v0, v1  }
0xdf: {  	[tilespmem:s10+$0x13B10] =	vst v2  }
0xe0: {  	s11 =	rddreg [dreg:$0x19];
	[tilespmem:s10+$0x13B20] =	vst v0;
	s10 =	simm.s32 $0x0  }
0xe1: {  	[hbm4b:s11+s10] =	stream.linear.scatter [tilespmem:s12], [sflag:$0x5], $0x1F40, $0x38;
	[tilespmem:$0x1DBE0] =	vst v63  }
0xe2: {  	s22 =	rddreg [dreg:$0xe]  }
0xe3: {  	[tilespmem:s10], [sflag:$0x1] =	stream.linear.gather [hbm4b:s22+s10], $0x1F40, $0x38;
	[tilespmem:$0x1DBE0] =	vst v63  }
0xe4: {  	s23 =	rddreg [dreg:$0xf]  }
0xe5: {  	[tilespmem:s17], [sflag:$0x1] =	stream.linear.gather [hbm4b:s23+s10], $0x1F40, $0x38;
	[tilespmem:$0x1DBE0] =	vst v63  }
0xe6: {  	s24 =	rddreg [dreg:$0x10]  }
0xe7: {  	[tilespmem:s18], [sflag:$0x1] =	stream.linear.gather [hbm4b:s24+s10], $0x1F40, $0x38;
	[tilespmem:$0x1DBE0] =	vst v63  }
0xe8: {  	_ =	swait.ge [sflag:s14], $0x1F40  }
0xe9: {  	[sflag:s14] =	ssyncset.done $0x0  }
0xea: {  	[sflag:s14] =	ssyncadd.s32 $0xFFFFE0C0  }
0xeb: {  	_ =	swait.ge [sflag:s14], $0x1F40  }
0xec: {  	[sflag:s14] =	ssyncset.done $0x0  }
0xed: {  	[sflag:s14] =	ssyncadd.s32 $0xFFFFE0C0  }
0xee: {  	_ =	swait.ge [sflag:s26], $0x1F40  }
0xef: {  	[sflag:s26] =	ssyncset.done $0x0  }
0xf0: {  	[sflag:s26] =	ssyncadd.s32 $0xFFFFE0C0  }
0xf1: {  	_ =	swait.ge [sflag:s26], $0x1F40  }
0xf2: {  	[sflag:s26] =	ssyncset.done $0x0  }
0xf3: {  	[sflag:s26] =	ssyncadd.s32 $0xFFFFE0C0  }
0xf4: {  	_ =	swait.ge [sflag:s26], $0x1F40  }
0xf5: {  	[sflag:s26] =	ssyncset.done $0x0  }
0xf6: {  	[sflag:s26] =	ssyncadd.s32 $0xFFFFE0C0  }
0xf7: {  	[tilespmem:s29], [sflag:$0x3] =	stream.indirect.gather [spmem:s3], $0x1, s10, s28, $0xb8;
	[tilespmem:$0x1DBE0] =	vst v63  }
0xf8: {  	s23 =	simm.s32 $0x0  }
0xf9: {  	[tilespmem:s30], [sflag:$0x3] =	stream.indirect.gather [spmem:s5], $0x1, s17, s28, $0xb8;
	[tilespmem:$0x1DBE0] =	vst v63  }
0xfa: {  	v0 =	vld [tilespmem:s23+$0xDCB0]  }
0xfb: {  	v1 =	vld [tilespmem:s23+$0x11BB0]  }
0xfc: {  	v6 =	vld [tilespmem:s23+$0xDC80]  }
0xfd: {  	v3 =	vld [tilespmem:s23+$0x9DB0]  }
0xfe: {  	v7 =	vld [tilespmem:s23+$0x11B80]  }
0xff: {  	v8 =	vld [tilespmem:s23+$0xDC90]  }
0x100: {  	v63 =	vld [tilespmem:s23+$0x11B90]  }
0x101: {  	v2 =	vld [tilespmem:s23+$0x11BA0];
	v1 =	vmul.f32 v1, v0  }
0x102: {  	v0 =	vld [tilespmem:s23+$0xDCA0]  }
0x103: {  	v5 =	vld [tilespmem:s23+$0x9D80];
	v1 =	vmul.f32 v3, v1  }
0x104: {  	v3 =	vld [tilespmem:s23+$0x9D90]  }
0x105: {  	s10 =	simm.s32 $0x40;
	v4 =	vld [tilespmem:s23+$0x9DA0];
	[tilespmem:s23+$0x15AB0] =	vst v1  }
0x106: {  	s22 =	simm.s32 $0x200;
	v6 =	vmul.f32 v7, v6;
	v7 =	vmul.f32 v63, v8;
	v1 =	vld [tilespmem:s10+$0xDCB0]  }
.LBB2_8:
0x107: {  	p0 =	sne.s32 s22, $0x7C00;
	v8 =	vld [tilespmem:s10+$0x11BB0];
	v0 =	vmul.f32 v2, v0  }
0x108: {  	v9 =	vld [tilespmem:s10+$0xDC80];
	v2 =	vmul.f32 v5, v6  }
0x109: {  	v5 =	vld [tilespmem:s10+$0x9DB0];
	v3 =	vmul.f32 v3, v7  }
0x10a: {  	v6 =	vld [tilespmem:s10+$0x11B80];
	[tilespmem:s23+$0x15A80] =	vst v2;
	v0 =	vmul.f32 v4, v0  }
0x10b: {  	v4 =	vld [tilespmem:s10+$0xDC90];
	[tilespmem:s23+$0x15A90] =	vst v3  }
0x10c: {  	v7 =	vld [tilespmem:s10+$0x11B90];
	v1 =	vmul.f32 v8, v1;
	[tilespmem:s23+$0x15AA0] =	vst v0;
	s23 =	smov.u32 s10  }
0x10d: {  	v0 =	vld [tilespmem:s23+$0xDCA0]  }
.Ltmp3:
0x10e: {  	v2 =	vld [tilespmem:s23+$0x11BA0];
	v1 =	vmul.f32 v5, v1;
	(pc) =	sbr.rel @p0 .LBB2_8-.Ltmp3, $4  }
0x10f: {  	v6 =	vmul.f32 v6, v9;
	v5 =	vld [tilespmem:s23+$0x9D80]  }
0x110: {  	v3 =	vld [tilespmem:s23+$0x9D90];
	[tilespmem:s23+$0x15AB0] =	vst v1  }
0x111: {  	s10 =	sshra.s32 s22, $0x2;
	v7 =	vmul.f32 v7, v4;
	v4 =	vld [tilespmem:s23+$0x9DA0]  }
0x112: {  	s22 =	sadd.s32 $0x100, s22;
	v1 =	vld [tilespmem:s10+$0xDCB0]  }
0x113: {  	v8 =	vld [tilespmem:s10+$0x11BB0]  }
0x114: {  	v9 =	vld [tilespmem:s10+$0xDC80];
	v0 =	vmul.f32 v2, v0;
	v5 =	vmul.f32 v5, v6  }
0x115: {  	v54 =	vld [tilespmem:s10+$0x9DB0];
	v55 =	vmul.f32 v3, v7  }
0x116: {  	v10 =	vld [tilespmem:s10+$0x11B80];
	[tilespmem:s23+$0x15A80] =	vst v5;
	v0 =	vmul.f32 v4, v0  }
0x117: {  	v56 =	vld [tilespmem:s10+$0xDC90];
	[tilespmem:s23+$0x15A90] =	vst v55  }
0x118: {  	v2 =	vld [tilespmem:s10+$0x11B90];
	[tilespmem:s23+$0x15AA0] =	vst v0  }
0x119: {  	v58 =	vld [tilespmem:s10+$0xDCA0]  }
0x11a: {  	v59 =	vld [tilespmem:s10+$0x11BA0]  }
0x11b: {  	v5 =	vld [tilespmem:s10+$0x9D80]  }
0x11c: {  	v60 =	vld [tilespmem:s10+$0x9D90]  }
0x11d: {  	v57 =	vmul.f32 v8, v1;
	v61 =	vld [tilespmem:s10+$0x9DA0]  }
0x11e: {  	v62 =	vmul.f32 v10, v9  }
0x11f: {  	v0 =	vmul.f32 v54, v57;
	v2 =	vmul.f32 v2, v56  }
0x120: {  	v1 =	vmul.f32 v59, v58;
	v63 =	vmul.f32 v5, v62  }
0x121: {  	[tilespmem:s10+$0x15AB0] =	vst v0;
	v2 =	vmul.f32 v60, v2  }
0x122: {  	[tilespmem:s10+$0x15A80] =	vst v63;
	v0 =	vmul.f32 v61, v1  }
0x123: {  	[tilespmem:s10+$0x15A90] =	vst v2  }
0x124: {  	s24 =	rddreg [dreg:$0x12];
	s23 =	simm.s32 $0x0;
	[tilespmem:s10+$0x15AA0] =	vst v0  }
0x125: {  	[hbm4b:s24+s23] =	stream.linear.scatter [tilespmem:s15], [sflag:$0x6], $0x1F40, $0x38;
	[tilespmem:$0x1DBE0] =	vst v63  }
0x126: {  	s11 =	rddreg [dreg:$0x13]  }
0x127: {  	[tilespmem:s19], [sflag:$0x2] =	stream.linear.gather [hbm4b:s11+s23], $0x1F40, $0x38;
	[tilespmem:$0x1DBE0] =	vst v63  }
0x128: {  	s22 =	rddreg [dreg:$0x14]  }
0x129: {  	[tilespmem:s20], [sflag:$0x2] =	stream.linear.gather [hbm4b:s22+s23], $0x1F40, $0x38;
	[tilespmem:$0x1DBE0] =	vst v63  }
0x12a: {  	s24 =	rddreg [dreg:$0x15];
	s11 =	simm.s32 $0x9D80  }
0x12b: {  	[tilespmem:s11], [sflag:$0x2] =	stream.linear.gather [hbm4b:s24+s23], $0x1F40, $0x38;
	[tilespmem:$0x1DBE0] =	vst v63  }
.LBB2_10:
0x12c: {  	_ =	swait.ge [sflag:s25], $0x1F40  }
0x12d: {  	[sflag:s25] =	ssyncset.done $0x0  }
0x12e: {  	[sflag:s25] =	ssyncadd.s32 $0xFFFFE0C0  }
0x12f: {  	_ =	swait.ge [sflag:s25], $0x1F40  }
0x130: {  	[sflag:s25] =	ssyncset.done $0x0  }
0x131: {  	[sflag:s25] =	ssyncadd.s32 $0xFFFFE0C0  }
0x132: {  	_ =	swait.ge [sflag:s16], $0x1F40  }
0x133: {  	[sflag:s16] =	ssyncset.done $0x0  }
0x134: {  	[sflag:s16] =	ssyncadd.s32 $0xFFFFE0C0  }
0x135: {  	_ =	swait.ge [sflag:s9], $0x1F40  }
0x136: {  	[sflag:s9] =	ssyncset.done $0x0  }
0x137: {  	[sflag:s9] =	ssyncadd.s32 $0xFFFFE0C0  }
0x138: {  	_ =	swait.ge [sflag:s9], $0x1F40  }
0x139: {  	[sflag:s9] =	ssyncset.done $0x0  }
0x13a: {  	[sflag:s9] =	ssyncadd.s32 $0xFFFFE0C0  }
0x13b: {  	_ =	swait.ge [sflag:s9], $0x1F40  }
0x13c: {  	[sflag:s9] =	ssyncset.done $0x0  }
0x13d: {  	s10 =	simm.s32 $0xDC80;
	[sflag:s9] =	ssyncadd.s32 $0xFFFFE0C0  }
0x13e: {  	[tilespmem:s10], [sflag:$0x4] =	stream.indirect.gather [spmem:s3], $0x1, s19, s28, $0xb8;
	[tilespmem:$0x1DBE0] =	vst v63  }
0x13f: {  	s24 =	simm.s32 $0x11B80  }
0x140: {  	[tilespmem:s24], [sflag:$0x4] =	stream.indirect.gather [spmem:s5], $0x1, s20, s28, $0xb8;
	[tilespmem:$0x1DBE0] =	vst v63  }
0x141: {  	s24 =	simm.s32 $0x0  }
0x142: {  	v0 =	vld [tilespmem:s24+$0xBD30]  }
0x143: {  	v1 =	vld [tilespmem:s24+$0xFC30]  }
0x144: {  	v6 =	vld [tilespmem:s24+$0xBD00]  }
0x145: {  	v3 =	vld [tilespmem:s24+$0x7E30]  }
0x146: {  	v7 =	vld [tilespmem:s24+$0xFC00]  }
0x147: {  	v8 =	vld [tilespmem:s24+$0xBD10]  }
0x148: {  	v9 =	vld [tilespmem:s24+$0xFC10]  }
0x149: {  	v2 =	vld [tilespmem:s24+$0xFC20];
	v1 =	vmul.f32 v1, v0  }
0x14a: {  	v0 =	vld [tilespmem:s24+$0xBD20]  }
0x14b: {  	v5 =	vld [tilespmem:s24+$0x7E00];
	v1 =	vmul.f32 v3, v1  }
0x14c: {  	v3 =	vld [tilespmem:s24+$0x7E10]  }
0x14d: {  	s22 =	simm.s32 $0x40;
	v4 =	vld [tilespmem:s24+$0x7E20];
	[tilespmem:s24+$0x13B30] =	vst v1  }
0x14e: {  	s10 =	simm.s32 $0x200;
	v6 =	vmul.f32 v7, v6;
	v7 =	vmul.f32 v9, v8;
	v1 =	vld [tilespmem:s22+$0xBD30]  }
.LBB2_11:
0x14f: {  	p0 =	sne.s32 s10, $0x7C00;
	v8 =	vld [tilespmem:s22+$0xFC30];
	v0 =	vmul.f32 v2, v0  }
0x150: {  	v9 =	vld [tilespmem:s22+$0xBD00];
	v2 =	vmul.f32 v5, v6  }
0x151: {  	v5 =	vld [tilespmem:s22+$0x7E30];
	v3 =	vmul.f32 v3, v7  }
0x152: {  	v6 =	vld [tilespmem:s22+$0xFC00];
	[tilespmem:s24+$0x13B00] =	vst v2;
	v0 =	vmul.f32 v4, v0  }
0x153: {  	v4 =	vld [tilespmem:s22+$0xBD10];
	[tilespmem:s24+$0x13B10] =	vst v3  }
0x154: {  	v7 =	vld [tilespmem:s22+$0xFC10];
	v1 =	vmul.f32 v8, v1;
	[tilespmem:s24+$0x13B20] =	vst v0;
	s24 =	smov.u32 s22  }
0x155: {  	v0 =	vld [tilespmem:s24+$0xBD20]  }
.Ltmp4:
0x156: {  	v2 =	vld [tilespmem:s24+$0xFC20];
	v1 =	vmul.f32 v5, v1;
	(pc) =	sbr.rel @p0 .LBB2_11-.Ltmp4, $4  }
0x157: {  	v6 =	vmul.f32 v6, v9;
	v5 =	vld [tilespmem:s24+$0x7E00]  }
0x158: {  	v3 =	vld [tilespmem:s24+$0x7E10];
	[tilespmem:s24+$0x13B30] =	vst v1  }
0x159: {  	s22 =	sshra.s32 s10, $0x2;
	v7 =	vmul.f32 v7, v4;
	v4 =	vld [tilespmem:s24+$0x7E20]  }
0x15a: {  	s10 =	sadd.s32 $0x100, s10;
	v1 =	vld [tilespmem:s22+$0xBD30]  }
0x15b: {  	v8 =	vld [tilespmem:s22+$0xFC30]  }
0x15c: {  	v9 =	vld [tilespmem:s22+$0xBD00];
	v0 =	vmul.f32 v2, v0;
	v5 =	vmul.f32 v5, v6  }
0x15d: {  	v10 =	vld [tilespmem:s22+$0xFC00];
	v2 =	vmul.f32 v3, v7  }
0x15e: {  	v6 =	vld [tilespmem:s22+$0x7E30];
	[tilespmem:s24+$0x13B00] =	vst v5;
	v0 =	vmul.f32 v4, v0  }
0x15f: {  	v3 =	vld [tilespmem:s22+$0xBD10];
	[tilespmem:s24+$0x13B10] =	vst v2  }
0x160: {  	v2 =	vld [tilespmem:s22+$0xFC10];
	[tilespmem:s24+$0x13B20] =	vst v0  }
0x161: {  	v0 =	vmul.f32 v8, v1;
	v1 =	vld [tilespmem:s22+$0xBD20]  }
0x162: {  	v4 =	vld [tilespmem:s22+$0xFC20]  }
0x163: {  	v5 =	vld [tilespmem:s22+$0x7E00];
	v0 =	vmul.f32 v6, v0  }
0x164: {  	v6 =	vld [tilespmem:s22+$0x7E10]  }
0x165: {  	[tilespmem:s22+$0x13B30] =	vst v0;
	v0 =	vld [tilespmem:s22+$0x7E20]  }
0x166: {  	v7 =	vmul.f32 v10, v9  }
0x167: {  	v2 =	vmul.f32 v2, v3  }
0x168: {  	s24 =	smul.u32 $0x3E80, s23;
	v1 =	vmul.f32 v4, v1;
	v3 =	vmul.f32 v5, v7  }
0x169: {  	v2 =	vmul.f32 v6, v2  }
0x16a: {  	s10 =	sadd.s32 s24, s13;
	[tilespmem:s22+$0x13B00] =	vst v3;
	v0 =	vmul.f32 v0, v1  }
0x16b: {  	s10 =	sshrl.u32 s10, $0x3;
	[tilespmem:s22+$0x13B10] =	vst v2  }
0x16c: {  	s11 =	simm.s32 $0x0;
	s10 =	sadd.s32 s2, s10;
	[tilespmem:s22+$0x13B20] =	vst v0;
	s22 =	sadd.s32 s24, s0  }
0x16d: {  	[hbm4b:s10+s11] =	stream.linear.scatter [tilespmem:s12], [sflag:$0x5], $0x1F40, $0x38;
	[tilespmem:$0x1DBE0] =	vst v63  }
0x16e: {  	s10 =	sshrl.u32 s22, $0x3  }
0x16f: {  	s22 =	sadd.s32 s7, s10  }
0x170: {  	[tilespmem:s11], [sflag:$0x1] =	stream.linear.gather [hbm4b:s22+s11], $0x1F40, $0x38;
	[tilespmem:$0x1DBE0] =	vst v63  }
0x171: {  	s22 =	sadd.s32 s8, s10  }
0x172: {  	[tilespmem:s17], [sflag:$0x1] =	stream.linear.gather [hbm4b:s22+s11], $0x1F40, $0x38;
	[tilespmem:$0x1DBE0] =	vst v63  }
0x173: {  	s10 =	sadd.s32 s1, s10  }
0x174: {  	[tilespmem:s18], [sflag:$0x1] =	stream.linear.gather [hbm4b:s10+s11], $0x1F40, $0x38;
	[tilespmem:$0x1DBE0] =	vst v63  }
0x175: {  	_ =	swait.ge [sflag:s14], $0x1F40  }
0x176: {  	[sflag:s14] =	ssyncset.done $0x0  }
0x177: {  	[sflag:s14] =	ssyncadd.s32 $0xFFFFE0C0  }
0x178: {  	_ =	swait.ge [sflag:s14], $0x1F40  }
0x179: {  	[sflag:s14] =	ssyncset.done $0x0  }
0x17a: {  	[sflag:s14] =	ssyncadd.s32 $0xFFFFE0C0  }
0x17b: {  	_ =	swait.ge [sflag:s31], $0x1F40  }
0x17c: {  	[sflag:s31] =	ssyncset.done $0x0  }
0x17d: {  	[sflag:s31] =	ssyncadd.s32 $0xFFFFE0C0  }
0x17e: {  	_ =	swait.ge [sflag:s26], $0x1F40  }
0x17f: {  	[sflag:s26] =	ssyncset.done $0x0  }
0x180: {  	[sflag:s26] =	ssyncadd.s32 $0xFFFFE0C0  }
0x181: {  	_ =	swait.ge [sflag:s26], $0x1F40  }
0x182: {  	[sflag:s26] =	ssyncset.done $0x0  }
0x183: {  	[sflag:s26] =	ssyncadd.s32 $0xFFFFE0C0  }
0x184: {  	_ =	swait.ge [sflag:s26], $0x1F40  }
0x185: {  	[sflag:s26] =	ssyncset.done $0x0  }
0x186: {  	[sflag:s26] =	ssyncadd.s32 $0xFFFFE0C0  }
0x187: {  	[tilespmem:s29], [sflag:$0x3] =	stream.indirect.gather [spmem:s3], $0x1, s11, s28, $0xb8;
	[tilespmem:$0x1DBE0] =	vst v63  }
0x188: {  	s22 =	simm.s32 $0x0  }
0x189: {  	[tilespmem:s30], [sflag:$0x3] =	stream.indirect.gather [spmem:s5], $0x1, s17, s28, $0xb8;
	[tilespmem:$0x1DBE0] =	vst v63  }
0x18a: {  	v0 =	vld [tilespmem:s22+$0xDCB0]  }
0x18b: {  	v1 =	vld [tilespmem:s22+$0x11BB0]  }
0x18c: {  	v6 =	vld [tilespmem:s22+$0xDC80]  }
0x18d: {  	v3 =	vld [tilespmem:s22+$0x9DB0]  }
0x18e: {  	v7 =	vld [tilespmem:s22+$0x11B80]  }
0x18f: {  	v8 =	vld [tilespmem:s22+$0xDC90]  }
0x190: {  	v63 =	vld [tilespmem:s22+$0x11B90]  }
0x191: {  	v2 =	vld [tilespmem:s22+$0x11BA0];
	v1 =	vmul.f32 v1, v0  }
0x192: {  	v0 =	vld [tilespmem:s22+$0xDCA0]  }
0x193: {  	v5 =	vld [tilespmem:s22+$0x9D80];
	v1 =	vmul.f32 v3, v1  }
0x194: {  	v3 =	vld [tilespmem:s22+$0x9D90]  }
0x195: {  	s10 =	simm.s32 $0x40;
	v4 =	vld [tilespmem:s22+$0x9DA0];
	[tilespmem:s22+$0x15AB0] =	vst v1  }
0x196: {  	s11 =	simm.s32 $0x200;
	v6 =	vmul.f32 v7, v6;
	v7 =	vmul.f32 v63, v8;
	v1 =	vld [tilespmem:s10+$0xDCB0]  }
.LBB2_13:
0x197: {  	p0 =	sne.s32 s11, $0x7C00;
	v8 =	vld [tilespmem:s10+$0x11BB0];
	v0 =	vmul.f32 v2, v0  }
0x198: {  	v9 =	vld [tilespmem:s10+$0xDC80];
	v2 =	vmul.f32 v5, v6  }
0x199: {  	v5 =	vld [tilespmem:s10+$0x9DB0];
	v3 =	vmul.f32 v3, v7  }
0x19a: {  	v6 =	vld [tilespmem:s10+$0x11B80];
	[tilespmem:s22+$0x15A80] =	vst v2;
	v0 =	vmul.f32 v4, v0  }
0x19b: {  	v4 =	vld [tilespmem:s10+$0xDC90];
	[tilespmem:s22+$0x15A90] =	vst v3  }
0x19c: {  	v7 =	vld [tilespmem:s10+$0x11B90];
	v1 =	vmul.f32 v8, v1;
	[tilespmem:s22+$0x15AA0] =	vst v0;
	s22 =	smov.u32 s10  }
0x19d: {  	v0 =	vld [tilespmem:s22+$0xDCA0]  }
.Ltmp5:
0x19e: {  	v2 =	vld [tilespmem:s22+$0x11BA0];
	v1 =	vmul.f32 v5, v1;
	(pc) =	sbr.rel @p0 .LBB2_13-.Ltmp5, $4  }
0x19f: {  	v6 =	vmul.f32 v6, v9;
	v5 =	vld [tilespmem:s22+$0x9D80]  }
0x1a0: {  	v3 =	vld [tilespmem:s22+$0x9D90];
	[tilespmem:s22+$0x15AB0] =	vst v1  }
0x1a1: {  	s10 =	sshra.s32 s11, $0x2;
	v7 =	vmul.f32 v7, v4;
	v4 =	vld [tilespmem:s22+$0x9DA0]  }
0x1a2: {  	s11 =	sadd.s32 $0x100, s11;
	v1 =	vld [tilespmem:s10+$0xDCB0]  }
0x1a3: {  	v8 =	vld [tilespmem:s10+$0x11BB0]  }
0x1a4: {  	v9 =	vld [tilespmem:s10+$0xDC80];
	v0 =	vmul.f32 v2, v0;
	v5 =	vmul.f32 v5, v6  }
0x1a5: {  	v54 =	vld [tilespmem:s10+$0x9DB0];
	v55 =	vmul.f32 v3, v7  }
0x1a6: {  	v10 =	vld [tilespmem:s10+$0x11B80];
	[tilespmem:s22+$0x15A80] =	vst v5;
	v0 =	vmul.f32 v4, v0  }
0x1a7: {  	v56 =	vld [tilespmem:s10+$0xDC90];
	[tilespmem:s22+$0x15A90] =	vst v55  }
0x1a8: {  	v2 =	vld [tilespmem:s10+$0x11B90];
	[tilespmem:s22+$0x15AA0] =	vst v0  }
0x1a9: {  	v58 =	vld [tilespmem:s10+$0xDCA0]  }
0x1aa: {  	v59 =	vld [tilespmem:s10+$0x11BA0]  }
0x1ab: {  	v5 =	vld [tilespmem:s10+$0x9D80]  }
0x1ac: {  	v60 =	vld [tilespmem:s10+$0x9D90]  }
0x1ad: {  	v57 =	vmul.f32 v8, v1;
	v61 =	vld [tilespmem:s10+$0x9DA0]  }
0x1ae: {  	v62 =	vmul.f32 v10, v9  }
0x1af: {  	v0 =	vmul.f32 v54, v57;
	v2 =	vmul.f32 v2, v56  }
0x1b0: {  	v1 =	vmul.f32 v59, v58;
	v63 =	vmul.f32 v5, v62  }
0x1b1: {  	[tilespmem:s10+$0x15AB0] =	vst v0;
	v2 =	vmul.f32 v60, v2  }
0x1b2: {  	s11 =	sadd.s32 s24, s21;
	[tilespmem:s10+$0x15A80] =	vst v63;
	v0 =	vmul.f32 v61, v1  }
0x1b3: {  	s11 =	sshrl.u32 s11, $0x3;
	s22 =	sadd.s32 s24, s4;
	[tilespmem:s10+$0x15A90] =	vst v2  }
0x1b4: {  	s23 =	sadd.s32 $0x1, s23;
	s11 =	sadd.s32 s2, s11;
	[tilespmem:s10+$0x15AA0] =	vst v0;
	s10 =	sshrl.u32 s22, $0x3  }
0x1b5: {  	[hbm4b:s11+s6] =	stream.linear.scatter [tilespmem:s15], [sflag:$0x6], $0x1F40, $0x38;
	[tilespmem:$0x1DBE0] =	vst v63  }
0x1b6: {  	p0 =	sne.s32 s23, $0xA;
	s24 =	sadd.s32 s7, s10  }
0x1b7: {  	[tilespmem:s19], [sflag:$0x2] =	stream.linear.gather [hbm4b:s24+s6], $0x1F40, $0x38;
	[tilespmem:$0x1DBE0] =	vst v63  }
.Ltmp6:
0x1b8: {  	_ = 	snop;
	(pc) =	sbr.rel @p0 .LBB2_10-.Ltmp6, $4  }
0x1b9: {  	s22 =	sadd.s32 s8, s10  }
0x1ba: {  	[tilespmem:s20], [sflag:$0x2] =	stream.linear.gather [hbm4b:s22+s6], $0x1F40, $0x38;
	[tilespmem:$0x1DBE0] =	vst v63  }
0x1bb: {  	s10 =	sadd.s32 s1, s10;
	s24 =	simm.s32 $0x9D80  }
0x1bc: {  	[tilespmem:s24], [sflag:$0x2] =	stream.linear.gather [hbm4b:s10+s6], $0x1F40, $0x38;
	[tilespmem:$0x1DBE0] =	vst v63  }
0x1bd: {  	_ =	swait.ge [sflag:s25], $0x1F40  }
0x1be: {  	[sflag:s25] =	ssyncset.done $0x0  }
0x1bf: {  	[sflag:s25] =	ssyncadd.s32 $0xFFFFE0C0  }
0x1c0: {  	_ =	swait.ge [sflag:s25], $0x1F40  }
0x1c1: {  	[sflag:s25] =	ssyncset.done $0x0  }
0x1c2: {  	[sflag:s25] =	ssyncadd.s32 $0xFFFFE0C0  }
0x1c3: {  	_ =	swait.ge [sflag:s16], $0x1F40  }
0x1c4: {  	[sflag:s16] =	ssyncset.done $0x0  }
0x1c5: {  	[sflag:s16] =	ssyncadd.s32 $0xFFFFE0C0  }
0x1c6: {  	_ =	swait.ge [sflag:s9], $0x1F40  }
0x1c7: {  	[sflag:s9] =	ssyncset.done $0x0  }
0x1c8: {  	[sflag:s9] =	ssyncadd.s32 $0xFFFFE0C0  }
0x1c9: {  	_ =	swait.ge [sflag:s9], $0x1F40  }
0x1ca: {  	[sflag:s9] =	ssyncset.done $0x0  }
0x1cb: {  	[sflag:s9] =	ssyncadd.s32 $0xFFFFE0C0  }
0x1cc: {  	_ =	swait.ge [sflag:s9], $0x1F40  }
0x1cd: {  	[sflag:s9] =	ssyncset.done $0x0  }
0x1ce: {  	s10 =	simm.s32 $0xDC80;
	[sflag:s9] =	ssyncadd.s32 $0xFFFFE0C0  }
0x1cf: {  	[tilespmem:s10], [sflag:$0x4] =	stream.indirect.gather [spmem:s3], $0x1, s19, s28, $0xb8;
	[tilespmem:$0x1DBE0] =	vst v63  }
0x1d0: {  	s24 =	simm.s32 $0x11B80;
	s22 =	simm.s32 $0x0  }
0x1d1: {  	[tilespmem:s24], [sflag:$0x4] =	stream.indirect.gather [spmem:s5], $0x1, s20, s28, $0xb8;
	[tilespmem:$0x1DBE0] =	vst v63  }
0x1d2: {  	v0 =	vld [tilespmem:s22+$0xBD30]  }
0x1d3: {  	v1 =	vld [tilespmem:s22+$0xFC30]  }
0x1d4: {  	v6 =	vld [tilespmem:s22+$0xBD00]  }
0x1d5: {  	v3 =	vld [tilespmem:s22+$0x7E30]  }
0x1d6: {  	v7 =	vld [tilespmem:s22+$0xFC00]  }
0x1d7: {  	v8 =	vld [tilespmem:s22+$0xBD10]  }
0x1d8: {  	v9 =	vld [tilespmem:s22+$0xFC10]  }
0x1d9: {  	v2 =	vld [tilespmem:s22+$0xFC20];
	v1 =	vmul.f32 v1, v0  }
0x1da: {  	v0 =	vld [tilespmem:s22+$0xBD20]  }
0x1db: {  	v5 =	vld [tilespmem:s22+$0x7E00];
	v1 =	vmul.f32 v3, v1  }
0x1dc: {  	v3 =	vld [tilespmem:s22+$0x7E10]  }
0x1dd: {  	s10 =	simm.s32 $0x40;
	v4 =	vld [tilespmem:s22+$0x7E20];
	[tilespmem:s22+$0x13B30] =	vst v1  }
0x1de: {  	s11 =	simm.s32 $0x200;
	v6 =	vmul.f32 v7, v6;
	v7 =	vmul.f32 v9, v8;
	v1 =	vld [tilespmem:s10+$0xBD30]  }
.LBB2_16:
0x1df: {  	p0 =	sne.s32 s11, $0x7C00;
	v8 =	vld [tilespmem:s10+$0xFC30];
	v0 =	vmul.f32 v2, v0  }
0x1e0: {  	v9 =	vld [tilespmem:s10+$0xBD00];
	v2 =	vmul.f32 v5, v6  }
0x1e1: {  	v5 =	vld [tilespmem:s10+$0x7E30];
	v3 =	vmul.f32 v3, v7  }
0x1e2: {  	v6 =	vld [tilespmem:s10+$0xFC00];
	[tilespmem:s22+$0x13B00] =	vst v2;
	v0 =	vmul.f32 v4, v0  }
0x1e3: {  	v4 =	vld [tilespmem:s10+$0xBD10];
	[tilespmem:s22+$0x13B10] =	vst v3  }
0x1e4: {  	v7 =	vld [tilespmem:s10+$0xFC10];
	v1 =	vmul.f32 v8, v1;
	[tilespmem:s22+$0x13B20] =	vst v0;
	s22 =	smov.u32 s10  }
0x1e5: {  	v0 =	vld [tilespmem:s22+$0xBD20]  }
.Ltmp7:
0x1e6: {  	v2 =	vld [tilespmem:s22+$0xFC20];
	v1 =	vmul.f32 v5, v1;
	(pc) =	sbr.rel @p0 .LBB2_16-.Ltmp7, $4  }
0x1e7: {  	v6 =	vmul.f32 v6, v9;
	v5 =	vld [tilespmem:s22+$0x7E00]  }
0x1e8: {  	v3 =	vld [tilespmem:s22+$0x7E10];
	[tilespmem:s22+$0x13B30] =	vst v1  }
0x1e9: {  	s10 =	sshra.s32 s11, $0x2;
	v7 =	vmul.f32 v7, v4;
	v4 =	vld [tilespmem:s22+$0x7E20]  }
0x1ea: {  	s11 =	sadd.s32 $0x100, s11;
	v1 =	vld [tilespmem:s10+$0xBD30]  }
0x1eb: {  	v8 =	vld [tilespmem:s10+$0xFC30]  }
0x1ec: {  	v9 =	vld [tilespmem:s10+$0xBD00];
	v0 =	vmul.f32 v2, v0;
	v5 =	vmul.f32 v5, v6  }
0x1ed: {  	v10 =	vld [tilespmem:s10+$0xFC00];
	v2 =	vmul.f32 v3, v7  }
0x1ee: {  	v6 =	vld [tilespmem:s10+$0x7E30];
	[tilespmem:s22+$0x13B00] =	vst v5;
	v0 =	vmul.f32 v4, v0  }
0x1ef: {  	v3 =	vld [tilespmem:s10+$0xBD10];
	[tilespmem:s22+$0x13B10] =	vst v2  }
0x1f0: {  	v2 =	vld [tilespmem:s10+$0xFC10];
	[tilespmem:s22+$0x13B20] =	vst v0  }
0x1f1: {  	v0 =	vmul.f32 v8, v1;
	v1 =	vld [tilespmem:s10+$0xBD20]  }
0x1f2: {  	v4 =	vld [tilespmem:s10+$0xFC20]  }
0x1f3: {  	v5 =	vld [tilespmem:s10+$0x7E00];
	v0 =	vmul.f32 v6, v0  }
0x1f4: {  	v6 =	vld [tilespmem:s10+$0x7E10]  }
0x1f5: {  	[tilespmem:s10+$0x13B30] =	vst v0;
	v0 =	vld [tilespmem:s10+$0x7E20]  }
0x1f6: {  	v7 =	vmul.f32 v10, v9  }
0x1f7: {  	v2 =	vmul.f32 v2, v3  }
0x1f8: {  	v1 =	vmul.f32 v4, v1;
	v3 =	vmul.f32 v5, v7  }
0x1f9: {  	v2 =	vmul.f32 v6, v2  }
0x1fa: {  	[tilespmem:s10+$0x13B00] =	vst v3;
	v0 =	vmul.f32 v0, v1  }
0x1fb: {  	[tilespmem:s10+$0x13B10] =	vst v2  }
0x1fc: {  	s11 =	rddreg [dreg:$0x1f];
	[tilespmem:s10+$0x13B20] =	vst v0;
	s10 =	simm.s32 $0x0  }
0x1fd: {  	[hbm4b:s11+s10] =	stream.linear.scatter [tilespmem:s12], [sflag:$0x5], $0x1F40, $0x38;
	[tilespmem:$0x1DBE0] =	vst v63  }
0x1fe: {  	s22 =	rddreg [dreg:$0x1a]  }
0x1ff: {  	[tilespmem:s10], [sflag:$0x1] =	stream.linear.gather [hbm4b:s22+s10], $0x1F40, $0x38;
	[tilespmem:$0x1DBE0] =	vst v63  }
0x200: {  	s23 =	rddreg [dreg:$0x1b]  }
0x201: {  	[tilespmem:s17], [sflag:$0x1] =	stream.linear.gather [hbm4b:s23+s10], $0x1F40, $0x38;
	[tilespmem:$0x1DBE0] =	vst v63  }
0x202: {  	s24 =	rddreg [dreg:$0x1c]  }
0x203: {  	[tilespmem:s18], [sflag:$0x1] =	stream.linear.gather [hbm4b:s24+s10], $0x1F40, $0x38;
	[tilespmem:$0x1DBE0] =	vst v63  }
0x204: {  	_ =	swait.ge [sflag:s14], $0x1F40  }
0x205: {  	[sflag:s14] =	ssyncset.done $0x0  }
0x206: {  	[sflag:s14] =	ssyncadd.s32 $0xFFFFE0C0  }
0x207: {  	_ =	swait.ge [sflag:s14], $0x1F40  }
0x208: {  	[sflag:s14] =	ssyncset.done $0x0  }
0x209: {  	[sflag:s14] =	ssyncadd.s32 $0xFFFFE0C0  }
0x20a: {  	_ =	swait.ge [sflag:s31], $0x1F40  }
0x20b: {  	[sflag:s31] =	ssyncset.done $0x0  }
0x20c: {  	[sflag:s31] =	ssyncadd.s32 $0xFFFFE0C0  }
0x20d: {  	_ =	swait.ge [sflag:s26], $0x1F40  }
0x20e: {  	[sflag:s26] =	ssyncset.done $0x0  }
0x20f: {  	[sflag:s26] =	ssyncadd.s32 $0xFFFFE0C0  }
0x210: {  	_ =	swait.ge [sflag:s26], $0x1F40  }
0x211: {  	[sflag:s26] =	ssyncset.done $0x0  }
0x212: {  	[sflag:s26] =	ssyncadd.s32 $0xFFFFE0C0  }
0x213: {  	_ =	swait.ge [sflag:s26], $0x1F40  }
0x214: {  	[sflag:s26] =	ssyncset.done $0x0  }
0x215: {  	[sflag:s26] =	ssyncadd.s32 $0xFFFFE0C0  }
0x216: {  	[tilespmem:s29], [sflag:$0x3] =	stream.indirect.gather [spmem:s3], $0x1, s10, s28, $0xb8;
	[tilespmem:$0x1DBE0] =	vst v63  }
0x217: {  	s22 =	simm.s32 $0x0  }
0x218: {  	[tilespmem:s30], [sflag:$0x3] =	stream.indirect.gather [spmem:s5], $0x1, s17, s28, $0xb8;
	[tilespmem:$0x1DBE0] =	vst v63  }
0x219: {  	v0 =	vld [tilespmem:s22+$0xDCB0]  }
0x21a: {  	v1 =	vld [tilespmem:s22+$0x11BB0]  }
0x21b: {  	v6 =	vld [tilespmem:s22+$0xDC80]  }
0x21c: {  	v3 =	vld [tilespmem:s22+$0x9DB0]  }
0x21d: {  	v7 =	vld [tilespmem:s22+$0x11B80]  }
0x21e: {  	v8 =	vld [tilespmem:s22+$0xDC90]  }
0x21f: {  	v63 =	vld [tilespmem:s22+$0x11B90]  }
0x220: {  	v2 =	vld [tilespmem:s22+$0x11BA0];
	v1 =	vmul.f32 v1, v0  }
0x221: {  	v0 =	vld [tilespmem:s22+$0xDCA0]  }
0x222: {  	v5 =	vld [tilespmem:s22+$0x9D80];
	v1 =	vmul.f32 v3, v1  }
0x223: {  	v3 =	vld [tilespmem:s22+$0x9D90]  }
0x224: {  	s10 =	simm.s32 $0x40;
	v4 =	vld [tilespmem:s22+$0x9DA0];
	[tilespmem:s22+$0x15AB0] =	vst v1  }
0x225: {  	s11 =	simm.s32 $0x200;
	s24 =	simm.s32 $0x7;
	v6 =	vmul.f32 v7, v6;
	v7 =	vmul.f32 v63, v8;
	v1 =	vld [tilespmem:s10+$0xDCB0]  }
.LBB2_18:
0x226: {  	p0 =	sne.s32 s11, $0x7C00;
	v8 =	vld [tilespmem:s10+$0x11BB0];
	v0 =	vmul.f32 v2, v0  }
0x227: {  	v9 =	vld [tilespmem:s10+$0xDC80];
	v2 =	vmul.f32 v5, v6  }
0x228: {  	v5 =	vld [tilespmem:s10+$0x9DB0];
	v3 =	vmul.f32 v3, v7  }
0x229: {  	v6 =	vld [tilespmem:s10+$0x11B80];
	[tilespmem:s22+$0x15A80] =	vst v2;
	v0 =	vmul.f32 v4, v0  }
0x22a: {  	v4 =	vld [tilespmem:s10+$0xDC90];
	[tilespmem:s22+$0x15A90] =	vst v3  }
0x22b: {  	v7 =	vld [tilespmem:s10+$0x11B90];
	v1 =	vmul.f32 v8, v1;
	[tilespmem:s22+$0x15AA0] =	vst v0;
	s22 =	smov.u32 s10  }
0x22c: {  	v0 =	vld [tilespmem:s22+$0xDCA0]  }
.Ltmp8:
0x22d: {  	v2 =	vld [tilespmem:s22+$0x11BA0];
	v1 =	vmul.f32 v5, v1;
	(pc) =	sbr.rel @p0 .LBB2_18-.Ltmp8, $4  }
0x22e: {  	v6 =	vmul.f32 v6, v9;
	v5 =	vld [tilespmem:s22+$0x9D80]  }
0x22f: {  	v3 =	vld [tilespmem:s22+$0x9D90];
	[tilespmem:s22+$0x15AB0] =	vst v1  }
0x230: {  	s10 =	sshra.s32 s11, $0x2;
	v7 =	vmul.f32 v7, v4;
	v4 =	vld [tilespmem:s22+$0x9DA0]  }
0x231: {  	s11 =	sadd.s32 $0x100, s11;
	v1 =	vld [tilespmem:s10+$0xDCB0]  }
0x232: {  	v8 =	vld [tilespmem:s10+$0x11BB0]  }
0x233: {  	v9 =	vld [tilespmem:s10+$0xDC80];
	v0 =	vmul.f32 v2, v0;
	v5 =	vmul.f32 v5, v6  }
0x234: {  	v10 =	vld [tilespmem:s10+$0x11B80];
	v2 =	vmul.f32 v3, v7  }
0x235: {  	v6 =	vld [tilespmem:s10+$0x9DB0];
	[tilespmem:s22+$0x15A80] =	vst v5;
	v0 =	vmul.f32 v4, v0  }
0x236: {  	v3 =	vld [tilespmem:s10+$0xDC90];
	[tilespmem:s22+$0x15A90] =	vst v2  }
0x237: {  	v2 =	vld [tilespmem:s10+$0x11B90];
	[tilespmem:s22+$0x15AA0] =	vst v0  }
0x238: {  	v0 =	vmul.f32 v8, v1;
	v1 =	vld [tilespmem:s10+$0xDCA0]  }
0x239: {  	v4 =	vld [tilespmem:s10+$0x11BA0]  }
0x23a: {  	v5 =	vld [tilespmem:s10+$0x9D80];
	v0 =	vmul.f32 v6, v0  }
0x23b: {  	v6 =	vld [tilespmem:s10+$0x9D90]  }
0x23c: {  	[tilespmem:s10+$0x15AB0] =	vst v0;
	v0 =	vld [tilespmem:s10+$0x9DA0]  }
0x23d: {  	v7 =	vmul.f32 v10, v9  }
0x23e: {  	v2 =	vmul.f32 v2, v3  }
0x23f: {  	v1 =	vmul.f32 v4, v1;
	v3 =	vmul.f32 v5, v7  }
0x240: {  	v2 =	vmul.f32 v6, v2  }
0x241: {  	s11 =	sld [smem:$0x7FD];
	[tilespmem:s10+$0x15A80] =	vst v3;
	v0 =	vmul.f32 v0, v1  }
0x242: {  	[tilespmem:s10+$0x15A90] =	vst v2  }
0x243: {  	s23 =	simm.s32 $0x0;
	[tilespmem:s10+$0x15AA0] =	vst v0  }
0x244: {  	[hbm4b:s11+s23] =	stream.linear.scatter [tilespmem:s15], [sflag:$0x6], $0x1F40, $0x38;
	[tilespmem:$0x1DBE0] =	vst v63  }
0x245: {  	_ =	swait.ge [sflag:s25], $0x1F40  }
0x246: {  	[sflag:s25] =	ssyncset.done $0x0  }
0x247: {  	[sflag:s25] =	ssyncadd.s32 $0xFFFFE0C0  }
0x248: {  	_ =	swait.ge [sflag:s25], $0x1F40  }
0x249: {  	[sflag:s25] =	ssyncset.done $0x0  }
0x24a: {  	[sflag:s25] =	ssyncadd.s32 $0xFFFFE0C0  }
0x24b: {  	_ =	swait.ge [sflag:s16], $0x1F40  }
0x24c: {  	[sflag:s16] =	ssyncset.done $0x0  }
0x24d: {  	s22 =	simm.s32 $0x0;
	[sflag:s16] =	ssyncadd.s32 $0xFFFFE0C0  }
0x24e: {  	v0 =	vld [tilespmem:s22+$0xBD30]  }
0x24f: {  	v1 =	vld [tilespmem:s22+$0xFC30]  }
0x250: {  	v6 =	vld [tilespmem:s22+$0xBD00]  }
0x251: {  	v3 =	vld [tilespmem:s22+$0x7E30]  }
0x252: {  	v7 =	vld [tilespmem:s22+$0xFC00]  }
0x253: {  	v8 =	vld [tilespmem:s22+$0xBD10]  }
0x254: {  	v63 =	vld [tilespmem:s22+$0xFC10]  }
0x255: {  	v2 =	vld [tilespmem:s22+$0xFC20];
	v1 =	vmul.f32 v1, v0  }
0x256: {  	v0 =	vld [tilespmem:s22+$0xBD20]  }
0x257: {  	v5 =	vld [tilespmem:s22+$0x7E00];
	v1 =	vmul.f32 v3, v1  }
0x258: {  	v3 =	vld [tilespmem:s22+$0x7E10]  }
0x259: {  	s10 =	simm.s32 $0x40;
	v4 =	vld [tilespmem:s22+$0x7E20];
	[tilespmem:s22+$0x13B30] =	vst v1  }
0x25a: {  	s11 =	simm.s32 $0x200;
	v6 =	vmul.f32 v7, v6;
	v7 =	vmul.f32 v63, v8;
	v1 =	vld [tilespmem:s10+$0xBD30]  }
.LBB2_20:
0x25b: {  	p0 =	sne.s32 s11, $0x7C00;
	v8 =	vld [tilespmem:s10+$0xFC30];
	v0 =	vmul.f32 v2, v0  }
0x25c: {  	v9 =	vld [tilespmem:s10+$0xBD00];
	v2 =	vmul.f32 v5, v6  }
0x25d: {  	v5 =	vld [tilespmem:s10+$0x7E30];
	v3 =	vmul.f32 v3, v7  }
0x25e: {  	v6 =	vld [tilespmem:s10+$0xFC00];
	[tilespmem:s22+$0x13B00] =	vst v2;
	v0 =	vmul.f32 v4, v0  }
0x25f: {  	v4 =	vld [tilespmem:s10+$0xBD10];
	[tilespmem:s22+$0x13B10] =	vst v3  }
0x260: {  	v7 =	vld [tilespmem:s10+$0xFC10];
	v1 =	vmul.f32 v8, v1;
	[tilespmem:s22+$0x13B20] =	vst v0;
	s22 =	smov.u32 s10  }
0x261: {  	v0 =	vld [tilespmem:s22+$0xBD20]  }
.Ltmp9:
0x262: {  	v2 =	vld [tilespmem:s22+$0xFC20];
	v1 =	vmul.f32 v5, v1;
	(pc) =	sbr.rel @p0 .LBB2_20-.Ltmp9, $4  }
0x263: {  	v6 =	vmul.f32 v6, v9;
	v5 =	vld [tilespmem:s22+$0x7E00]  }
0x264: {  	v3 =	vld [tilespmem:s22+$0x7E10];
	[tilespmem:s22+$0x13B30] =	vst v1  }
0x265: {  	s10 =	sshra.s32 s11, $0x2;
	v7 =	vmul.f32 v7, v4;
	v4 =	vld [tilespmem:s22+$0x7E20]  }
0x266: {  	s11 =	sadd.s32 $0x100, s11;
	v1 =	vld [tilespmem:s10+$0xBD30]  }
0x267: {  	v8 =	vld [tilespmem:s10+$0xFC30]  }
0x268: {  	v9 =	vld [tilespmem:s10+$0xBD00];
	v0 =	vmul.f32 v2, v0;
	v5 =	vmul.f32 v5, v6  }
0x269: {  	v54 =	vld [tilespmem:s10+$0x7E30];
	v55 =	vmul.f32 v3, v7  }
0x26a: {  	v10 =	vld [tilespmem:s10+$0xFC00];
	[tilespmem:s22+$0x13B00] =	vst v5;
	v0 =	vmul.f32 v4, v0  }
0x26b: {  	v56 =	vld [tilespmem:s10+$0xBD10];
	[tilespmem:s22+$0x13B10] =	vst v55  }
0x26c: {  	v2 =	vld [tilespmem:s10+$0xFC10];
	[tilespmem:s22+$0x13B20] =	vst v0  }
0x26d: {  	v58 =	vld [tilespmem:s10+$0xBD20]  }
0x26e: {  	v59 =	vld [tilespmem:s10+$0xFC20]  }
0x26f: {  	v5 =	vld [tilespmem:s10+$0x7E00]  }
0x270: {  	v60 =	vld [tilespmem:s10+$0x7E10]  }
0x271: {  	v57 =	vmul.f32 v8, v1;
	v61 =	vld [tilespmem:s10+$0x7E20]  }
0x272: {  	v62 =	vmul.f32 v10, v9  }
0x273: {  	v0 =	vmul.f32 v54, v57;
	v2 =	vmul.f32 v2, v56  }
0x274: {  	v1 =	vmul.f32 v59, v58;
	v63 =	vmul.f32 v5, v62  }
0x275: {  	[tilespmem:s10+$0x13B30] =	vst v0;
	v2 =	vmul.f32 v60, v2  }
0x276: {  	[tilespmem:s10+$0x13B00] =	vst v63;
	v0 =	vmul.f32 v61, v1  }
0x277: {  	[tilespmem:s10+$0x13B10] =	vst v2  }
0x278: {  	s22 =	rddreg [dreg:$0x1d];
	[tilespmem:s10+$0x13B20] =	vst v0  }
0x279: {  	[hbm4b:s22+s6] =	stream.linear.scatter [tilespmem:s12], [sflag:$0x5], $0x1F40, $0x38;
	[tilespmem:$0x1DBE0] =	vst v63  }
0x27a: {  	_ =	swait.ge [sflag:s31], $0x1F40  }
0x27b: {  	[sflag:s31] =	ssyncset.done $0x0  }
0x27c: {  	[sflag:s31] =	ssyncadd.s32 $0xFFFFE0C0  }
0x27d: {  	_ =	swait.ge [sflag:s16], $0x1F40  }
0x27e: {  	s11 =	sld [smem:$0x7FC];
	_ =	sdelay $0x2  }
0x27f: {  	s23 =	rddreg [dreg:$0x1e];
	s11 =	sadd.s32 $0x1, s11  }
0x280: {  	p0 =	sne.s32 s11, s23  }
.Ltmp10:
0x281: {  	_ = 	snop;
	(pc) =	sbr.rel @p0 .LBB2_1-.Ltmp10, $3  }
0x282: {  	_ =	sdelay $0x1  }
0x283: {  	[sflag:s16] =	ssyncset.done $0x0  }
0x284: {  	s22 =	simm.s32 $0x17A00;
	[sflag:s16] =	ssyncadd.s32 $0xFFFFE0C0  }
0x285: {  	_ =	sfence.sel $0x180000  }
0x286: {  	[bflag:$0x0] =	sbarrier.arrive $0xFFFF  }
0x287: {  	_ =	strace $0x9000004A  }
0x288: {  	s0 =	stileid.u32;
	[bflag:$0x2] =	sbarrier.arrive $0xFFFF  }
0x289: {  	p0 =	sne.s32 s0, $0x0;
	s0 =	rddreg [dreg:$0x5]  }
0x28a: {  	s0 =	sadd.s32 @!p0 $0x100000, s0  }
0x28b: {  	[sflag:s0] =	ssyncadd.tile.s32 @!p0 $0x1;
	_ =	shalt  }
.Lfunc_end2:
_tile_overlayer_lowered:
.L_overlay_start_2:
0x28c: {  	(tag) =	ssettag $0x2  }
0x28d: {  	s0 =	rddreg [dreg:$0x0];
	s2 =	stileid.u32  }
0x28e: {  	s1 =	rddreg [dreg:$0x1];
	p0 =	sne.s32 s2, $0x0  }
0x28f: {  	s3 =	rddreg [dreg:$0x2];
	[bflag:$0x3] =	sbarrier.arrive $0xFFFF;
	s2 =	simm.s32 @!p0 $0x1C07  }
0x290: {  	[timem:s3], [sflag:s2] =	dma.local @!p0 [hbm:s0], s1  }
0x291: {  	s0 =	simm.s32 @!p0 $0x7  }
0x292: {  	_ =	swait.ge @!p0 [sflag:s0], s1  }
0x293: {  	s1 =	ssub.s32 @!p0 $0x0, s1;
	[sflag:s0] =	ssyncset.done @!p0 $0x0  }
0x294: {  	[sflag:s0] =	ssyncadd.s32 @!p0 s1  }
0x295: {  	[bflag:$0x3] =	sbarrier.arrive $0xFFFF  }
0x296: {  	_ =	shalt  }

</sc_bundles>
